<compile_context>
chip_gen: v7x
topology: tpu7x:2x2x1
jax: 0.10.2.dev20260603
libtpu: 0.0.44.dev20260713+nightly
codegen_flags: <defaults>
</compile_context>

<pallas_src>
import functools

import jax
import jax.numpy as jnp
from jax import lax
from jax.experimental import pallas as pl
from jax.experimental.pallas import tpu as pltpu
from jax.experimental.pallas import tpu_sc as plsc

N = 10000
D = 128
F = 64
E = 320000
NC = 2
NS = 16
NW = NC * NS
K = 80
NB = E // (NW * K)
EPT = E // NW
NPAD = 10240
RPT = N // NS
ZR = 125

_MESH = plsc.VectorSubcoreMesh(core_axis_name="c", subcore_axis_name="s")


@functools.partial(
    pl.kernel,
    mesh=_MESH,
    out_type=jax.ShapeDtypeStruct((NW, NPAD), jnp.float32),
    scratch_types=[
        pltpu.VMEM((EPT,), jnp.int32),
        pltpu.VMEM((NPAD,), jnp.float32),
    ],
    compiler_params=pltpu.CompilerParams(
        use_tc_tiling_on_sc=False, needs_layout_passes=False
    ),
)
def _sc_degree(dst_hbm, out_hbm, dstv, hist):
    c = lax.axis_index("c")
    s = lax.axis_index("s")
    wid = c * NS + s

    def _zero(i, _):
        hist[pl.ds(i * 16, 16)] = jnp.zeros((16,), jnp.float32)
        return 0

    lax.fori_loop(0, NPAD // 16, _zero, 0)
    pltpu.sync_copy(dst_hbm.at[wid], dstv)

    ones = jnp.ones((16,), jnp.float32)

    def _body(i, _):
        idx = dstv[pl.ds(i * 16, 16)]
        plsc.addupdate_scatter(hist, [idx], ones)
        return 0

    lax.fori_loop(0, EPT // 16, _body, 0)
    pltpu.sync_copy(hist, out_hbm.at[wid])


@functools.partial(
    pl.kernel,
    mesh=_MESH,
    out_type=[
        jax.ShapeDtypeStruct((NC, N, F), jnp.float32),
        jax.ShapeDtypeStruct((NC, N, F), jnp.float32),
    ],
    scratch_types=[
        pltpu.VMEM((NB, K), jnp.int32),
        pltpu.VMEM((NB, K), jnp.int32),
        pltpu.VMEM((K, F), jnp.float32),
        pltpu.VMEM((ZR, F), jnp.float32),
        pltpu.VMEM_SHARED((N, F), jnp.float32),
        pltpu.SemaphoreType.DMA,
    ],
    compiler_params=pltpu.CompilerParams(use_tc_tiling_on_sc=False),
)
def _sc_scatter(ga_hbm, gb_hbm, src_hbm, dst_hbm, outa_hbm, outb_hbm,
                srcv, dstv, rows, zbuf, acc, sem):
    c = lax.axis_index("c")
    s = lax.axis_index("s")
    wid = c * NS + s
    row0 = s * RPT

    def _fill(i, _):
        for t in range(F // 16):
            zbuf[i, pl.ds(t * 16, 16)] = jnp.zeros((16,), jnp.float32)
        return 0

    lax.fori_loop(0, ZR, _fill, 0)

    def _zero_acc():
        for t in range(RPT // ZR):
            pltpu.sync_copy(zbuf, acc.at[pl.ds(row0 + t * ZR, ZR)])

    def _copy_out(dst_ref):
        for t in range(RPT // ZR):
            pltpu.sync_copy(acc.at[pl.ds(row0 + t * ZR, ZR)],
                            dst_ref.at[c, pl.ds(row0 + t * ZR, ZR)])

    def _accumulate(g_ref):
        def _body(j, _):
            pltpu.async_copy(g_ref.at[srcv.at[j]], rows, sem).wait()
            pltpu.sync_copy(rows, acc.at[dstv.at[j]], add=True)
            return 0

        lax.fori_loop(0, NB, _body, 0)

    _zero_acc()
    pltpu.sync_copy(src_hbm.at[wid], srcv)
    pltpu.sync_copy(dst_hbm.at[wid], dstv)
    plsc.subcore_barrier()

    _accumulate(ga_hbm)
    plsc.subcore_barrier()
    _copy_out(outa_hbm)
    _zero_acc()
    plsc.subcore_barrier()

    _accumulate(gb_hbm)
    plsc.subcore_barrier()
    _copy_out(outb_hbm)


def _tc0_body(cnt_ref, dinv_ref):
    deg = jnp.sum(cnt_ref[...], axis=0) + 1.0
    dinv_ref[...] = lax.rsqrt(deg)


_tc0 = pl.pallas_call(
    _tc0_body,
    out_shape=jax.ShapeDtypeStruct((NPAD,), jnp.float32),
)


BLK = 1000
_GRID = N // BLK


def _tc1_body(dinv_ref, x_ref, w_ref, ga_ref, gb_ref):
    g = dinv_ref[...] * jnp.dot(x_ref[...], w_ref[...],
                                preferred_element_type=jnp.float32)
    ga_ref[...] = g[:, :F]
    gb_ref[...] = g[:, F:]


_tc1 = pl.pallas_call(
    _tc1_body,
    grid=(_GRID,),
    in_specs=[
        pl.BlockSpec((BLK, 1), lambda i: (i, 0)),
        pl.BlockSpec((BLK, D), lambda i: (i, 0)),
        pl.BlockSpec((D, D), lambda i: (0, 0)),
    ],
    out_specs=[
        pl.BlockSpec((BLK, F), lambda i: (i, 0)),
        pl.BlockSpec((BLK, F), lambda i: (i, 0)),
    ],
    out_shape=[
        jax.ShapeDtypeStruct((N, F), jnp.float32),
        jax.ShapeDtypeStruct((N, F), jnp.float32),
    ],
)


def _tc2_body(sa_ref, sb_ref, ga_ref, gb_ref, dinv_ref, b_ref, w_ref,
              g2a_ref, g2b_ref):
    dinv = dinv_ref[...]
    ha = sa_ref[0] + sa_ref[1] + ga_ref[...]
    hb = sb_ref[0] + sb_ref[1] + gb_ref[...]
    h = dinv * jnp.concatenate([ha, hb], axis=1) + b_ref[...]
    g2 = dinv * jnp.dot(h, w_ref[...], preferred_element_type=jnp.float32)
    g2a_ref[...] = g2[:, :F]
    g2b_ref[...] = g2[:, F:]


_tc2 = pl.pallas_call(
    _tc2_body,
    grid=(_GRID,),
    in_specs=[
        pl.BlockSpec((NC, BLK, F), lambda i: (0, i, 0)),
        pl.BlockSpec((NC, BLK, F), lambda i: (0, i, 0)),
        pl.BlockSpec((BLK, F), lambda i: (i, 0)),
        pl.BlockSpec((BLK, F), lambda i: (i, 0)),
        pl.BlockSpec((BLK, 1), lambda i: (i, 0)),
        pl.BlockSpec((1, D), lambda i: (0, 0)),
        pl.BlockSpec((D, D), lambda i: (0, 0)),
    ],
    out_specs=[
        pl.BlockSpec((BLK, F), lambda i: (i, 0)),
        pl.BlockSpec((BLK, F), lambda i: (i, 0)),
    ],
    out_shape=[
        jax.ShapeDtypeStruct((N, F), jnp.float32),
        jax.ShapeDtypeStruct((N, F), jnp.float32),
    ],
)


def _tc3_body(sa_ref, sb_ref, g2a_ref, g2b_ref, dinv_ref, b_ref, o_ref):
    ha = sa_ref[0] + sa_ref[1] + g2a_ref[...]
    hb = sb_ref[0] + sb_ref[1] + g2b_ref[...]
    o_ref[...] = (dinv_ref[...] * jnp.concatenate([ha, hb], axis=1)
                  + b_ref[...])


_tc3 = pl.pallas_call(
    _tc3_body,
    grid=(_GRID,),
    in_specs=[
        pl.BlockSpec((NC, BLK, F), lambda i: (0, i, 0)),
        pl.BlockSpec((NC, BLK, F), lambda i: (0, i, 0)),
        pl.BlockSpec((BLK, F), lambda i: (i, 0)),
        pl.BlockSpec((BLK, F), lambda i: (i, 0)),
        pl.BlockSpec((BLK, 1), lambda i: (i, 0)),
        pl.BlockSpec((1, D), lambda i: (0, 0)),
    ],
    out_specs=pl.BlockSpec((BLK, D), lambda i: (i, 0)),
    out_shape=jax.ShapeDtypeStruct((N, D), jnp.float32),
)


@jax.jit
def kernel(x, edge_index, W1, b1, W2, b2):
    src = edge_index[0].reshape(NW, NB, K)
    dst = edge_index[1].reshape(NW, NB, K)
    dst_flat = edge_index[1].reshape(NW, EPT)
    counts = _sc_degree(dst_flat)
    dinv = _tc0(counts)[:N].reshape(N, 1)
    g1a, g1b = _tc1(dinv, x, W1)
    s1a, s1b = _sc_scatter(g1a, g1b, src, dst)
    g2a, g2b = _tc2(s1a, s1b, g1a, g1b, dinv, b1.reshape(1, D), W2)
    s2a, s2b = _sc_scatter(g2a, g2b, src, dst)
    return _tc3(s2a, s2b, g2a, g2b, dinv, b2.reshape(1, D))

# --- scband reference (transcript-rebuilt; emitter-appended) ---
"""Pipeline reference for scband-basic-gnn-28484223107197 (READ-ONLY COPY).

The authoritative reference and input builder live on the scoring server;
editing this copy changes nothing except your own understanding.
"""

import jax, jax.numpy as jnp
import numpy as np

N_NODES = 10000
N_EDGES = 320000
D = 128


def setup_inputs(seed: int = 0) -> dict:
    key = jax.random.key(seed)
    k1, k2, k3, k4, k5, k6 = jax.random.split(key, 6)
    x = jax.random.normal(k1, (N_NODES, D), dtype=jnp.float32)
    edge_index = jax.random.randint(k2, (2, N_EDGES), 0, N_NODES, dtype=jnp.int32)
    scale = 1.0 / np.sqrt(D)
    W1 = jax.random.normal(k3, (D, D), dtype=jnp.float32) * scale
    b1 = jnp.zeros((D,), dtype=jnp.float32)
    W2 = jax.random.normal(k4, (D, D), dtype=jnp.float32) * scale
    b2 = jnp.zeros((D,), dtype=jnp.float32)
    return {"x": x, "edge_index": edge_index, "W1": W1, "b1": b1, "W2": W2, "b2": b2}


def reference(x, edge_index, W1, b1, W2, b2):
    # BasicGNN (GCN variant, nlayers=2, norm=None, jk=None):
    # forward applies conv layers sequentially; no activation/dropout in forward().
    n = x.shape[0]
    loop = jnp.arange(n, dtype=edge_index.dtype)
    src = jnp.concatenate([edge_index[0], loop])
    dst = jnp.concatenate([edge_index[1], loop])
    # GCN symmetric normalization with added self-loops
    deg = jax.ops.segment_sum(jnp.ones(src.shape[0], dtype=x.dtype), dst, num_segments=n)
    dinv = jnp.where(deg > 0, deg ** -0.5, 0.0)
    norm = dinv[src] * dinv[dst]

    def conv(h, W, b):
        h = h @ W
        msg = h[src] * norm[:, None]
        out = jax.ops.segment_sum(msg, dst, num_segments=n)
        return out + b

    h = conv(x, W1, b1)
    h = conv(h, W2, b2)
    return h

if __name__ == "__main__":
    import jax
    _d = setup_inputs()
    print(jax.jit(kernel)(*tuple(_d.values())))

</pallas_src>

<mosaic_0001>
#map = affine_map<(d0, d1) -> (0, 0)>
module attributes {stable_mosaic.version = 14 : i64} {
  func.func @_sc_degree(%arg0: i32, %arg1: i32, %arg2: memref<32x10000xi32, #tpu.memory_space<hbm>>, %arg3: memref<32x10240xf32, #tpu.memory_space<hbm>>, %arg4: memref<10000xi32, #tpu.memory_space<vmem>>, %arg5: memref<10240xf32, #tpu.memory_space<vmem>>) attributes {dimension_semantics = [#tpu.dimension_semantics<core_parallel>, #tpu.dimension_semantics<subcore_parallel>], iteration_bounds = array<i64: 2, 16>, scalar_prefetch = 0 : i64, scratch_operands = 2 : i64, tpu.core_type = #tpu.core_type<sc_vector_subcore>, window_params = [{transform_indices = #map}, {transform_indices = #map}]} {
    %mul3A = arith.constant 16 : i32
    %mul3A_0 = arith.muli %arg0, %mul3A : i32
    %add3A = arith.addi %mul3A_0, %arg1 : i32
    %scan3A = arith.constant 0 : i32
    %scan3A_1 = arith.constant 0 : i32
    %scan3A_2 = arith.constant 640 : i32
    %scan3A_3 = arith.addi %scan3A_1, %scan3A_2 : i32
    %scan3A_4 = arith.constant 1 : i32
    %scan3A_5 = scf.for %scan3A_15 = %scan3A_1 to %scan3A_3 step %scan3A_4 iter_args(%scan3A_16 = %scan3A) -> (i32)  : i32 {
      %broadcast_in_dim3A_17 = arith.constant 0.000000e+00 : f32
      %broadcast_in_dim3A_18 = vector.broadcast %broadcast_in_dim3A_17 : f32 to vector<16xf32>
      %mul3A_19 = arith.constant 16 : i32
      %mul3A_20 = arith.muli %scan3A_15, %mul3A_19 : i32
      %swap3A = arith.index_cast %mul3A_20 : i32 to index
      %swap3A_21 = tpu.vector_load %arg5[%swap3A] {strides = array<i32>} : memref<10240xf32, #tpu.memory_space<vmem>>, vector<16xf32>,
      tpu.vector_store %arg5[%swap3A], %broadcast_in_dim3A_18 {strides = array<i32>} : memref<10240xf32, #tpu.memory_space<vmem>>, vector<16xf32>,
      %scan3A_22 = arith.constant 0 : i32
      scf.yield %scan3A_22 : i32
    }
    %scan3A_6 = arith.constant 640 : i32
    "tpu.region"() ({
      %run_scoped3A = tpu.sem_alloc : memref<!tpu.dma_semaphore, #tpu.memory_space<semaphore_mem>>
      %dma_start3A = arith.constant 0 : i32
      %dma_start3A_15 = tpu.memref_slice %arg2[%add3A, %dma_start3A] : memref<32x10000xi32, #tpu.memory_space<hbm>> -> memref<1x10000xi32, #tpu.memory_space<hbm>>
      %dma_start3A_16 = tpu.memref_squeeze %dma_start3A_15 : memref<1x10000xi32, #tpu.memory_space<hbm>> -> memref<10000xi32, #tpu.memory_space<hbm>>
      %dma_start3A_17 = arith.constant 0 : i32
      %dma_start3A_18 = tpu.memref_slice %arg2[%add3A, %dma_start3A_17] : memref<32x10000xi32, #tpu.memory_space<hbm>> -> memref<1x10000xi32, #tpu.memory_space<hbm>>
      %dma_start3A_19 = tpu.memref_squeeze %dma_start3A_18 : memref<1x10000xi32, #tpu.memory_space<hbm>> -> memref<10000xi32, #tpu.memory_space<hbm>>
      tpu.enqueue_dma source(%dma_start3A_19 : memref<10000xi32, #tpu.memory_space<hbm>>) target(%arg4 : memref<10000xi32, #tpu.memory_space<vmem>>) target_semaphore(%run_scoped3A : memref<!tpu.dma_semaphore, #tpu.memory_space<semaphore_mem>>)
      %dma_wait3A = arith.constant 0 : i32
      %dma_wait3A_20 = tpu.memref_slice %arg2[%add3A, %dma_wait3A] : memref<32x10000xi32, #tpu.memory_space<hbm>> -> memref<1x10000xi32, #tpu.memory_space<hbm>>
      %dma_wait3A_21 = tpu.memref_squeeze %dma_wait3A_20 : memref<1x10000xi32, #tpu.memory_space<hbm>> -> memref<10000xi32, #tpu.memory_space<hbm>>
      %dma_wait3A_22 = arith.constant 0 : i32
      %dma_wait3A_23 = tpu.memref_slice %arg2[%add3A, %dma_wait3A_22] : memref<32x10000xi32, #tpu.memory_space<hbm>> -> memref<1x10000xi32, #tpu.memory_space<hbm>>
      %dma_wait3A_24 = tpu.memref_squeeze %dma_wait3A_23 : memref<1x10000xi32, #tpu.memory_space<hbm>> -> memref<10000xi32, #tpu.memory_space<hbm>>
      tpu.wait_dma2 semaphore(%run_scoped3A : memref<!tpu.dma_semaphore, #tpu.memory_space<semaphore_mem>>) src(%dma_wait3A_24 : memref<10000xi32, #tpu.memory_space<hbm>>) dst(%arg4 : memref<10000xi32, #tpu.memory_space<vmem>>)
      tpu.yield
    }) : () -> ()
    %broadcast_in_dim3A = arith.constant 1.000000e+00 : f32
    %broadcast_in_dim3A_7 = vector.broadcast %broadcast_in_dim3A : f32 to vector<16xf32>
    %scan3A_8 = arith.constant 0 : i32
    %scan3A_9 = arith.constant 0 : i32
    %scan3A_10 = arith.constant 625 : i32
    %scan3A_11 = arith.addi %scan3A_9, %scan3A_10 : i32
    %scan3A_12 = arith.constant 1 : i32
    %scan3A_13 = scf.for %scan3A_15 = %scan3A_9 to %scan3A_11 step %scan3A_12 iter_args(%scan3A_16 = %scan3A_8) -> (i32)  : i32 {
      %mul3A_17 = arith.constant 16 : i32
      %mul3A_18 = arith.muli %scan3A_15, %mul3A_17 : i32
      %get3A = arith.index_cast %mul3A_18 : i32 to index
      %get3A_19 = tpu.vector_load %arg4[%get3A] {strides = array<i32>} : memref<10000xi32, #tpu.memory_space<vmem>>, vector<16xi32>,
      tpu.vector_store_idx %arg5[%get3A_19], %broadcast_in_dim3A_7 {add = true} : memref<10240xf32, #tpu.memory_space<vmem>>[vector<16xi32>], vector<16xf32>,
      %scan3A_20 = arith.constant 0 : i32
      scf.yield %scan3A_20 : i32
    }
    %scan3A_14 = arith.constant 625 : i32
    "tpu.region"() ({
      %run_scoped3A = tpu.sem_alloc : memref<!tpu.dma_semaphore, #tpu.memory_space<semaphore_mem>>
      %dma_start3A = arith.constant 0 : i32
      %dma_start3A_15 = tpu.memref_slice %arg3[%add3A, %dma_start3A] : memref<32x10240xf32, #tpu.memory_space<hbm>> -> memref<1x10240xf32, #tpu.memory_space<hbm>>
      %dma_start3A_16 = tpu.memref_squeeze %dma_start3A_15 : memref<1x10240xf32, #tpu.memory_space<hbm>> -> memref<10240xf32, #tpu.memory_space<hbm>>
      %dma_start3A_17 = arith.constant 0 : i32
      %dma_start3A_18 = tpu.memref_slice %arg3[%add3A, %dma_start3A_17] : memref<32x10240xf32, #tpu.memory_space<hbm>> -> memref<1x10240xf32, #tpu.memory_space<hbm>>
      %dma_start3A_19 = tpu.memref_squeeze %dma_start3A_18 : memref<1x10240xf32, #tpu.memory_space<hbm>> -> memref<10240xf32, #tpu.memory_space<hbm>>
      tpu.enqueue_dma source(%arg5 : memref<10240xf32, #tpu.memory_space<vmem>>) target(%dma_start3A_19 : memref<10240xf32, #tpu.memory_space<hbm>>) target_semaphore(%run_scoped3A : memref<!tpu.dma_semaphore, #tpu.memory_space<semaphore_mem>>)
      %dma_wait3A = arith.constant 0 : i32
      %dma_wait3A_20 = tpu.memref_slice %arg3[%add3A, %dma_wait3A] : memref<32x10240xf32, #tpu.memory_space<hbm>> -> memref<1x10240xf32, #tpu.memory_space<hbm>>
      %dma_wait3A_21 = tpu.memref_squeeze %dma_wait3A_20 : memref<1x10240xf32, #tpu.memory_space<hbm>> -> memref<10240xf32, #tpu.memory_space<hbm>>
      %dma_wait3A_22 = arith.constant 0 : i32
      %dma_wait3A_23 = tpu.memref_slice %arg3[%add3A, %dma_wait3A_22] : memref<32x10240xf32, #tpu.memory_space<hbm>> -> memref<1x10240xf32, #tpu.memory_space<hbm>>
      %dma_wait3A_24 = tpu.memref_squeeze %dma_wait3A_23 : memref<1x10240xf32, #tpu.memory_space<hbm>> -> memref<10240xf32, #tpu.memory_space<hbm>>
      tpu.wait_dma2 semaphore(%run_scoped3A : memref<!tpu.dma_semaphore, #tpu.memory_space<semaphore_mem>>) src(%arg5 : memref<10240xf32, #tpu.memory_space<vmem>>) dst(%dma_wait3A_24 : memref<10240xf32, #tpu.memory_space<hbm>>)
      tpu.yield
    }) : () -> ()
    return
  }
}

#map = affine_map<(d0, d1) -> (0, 0)>
#map1 = affine_map<(d0, d1) -> (0, 0, 0)>
module attributes {stable_mosaic.version = 14 : i64} {
  func.func @_sc_scatter(%arg0: i32, %arg1: i32, %arg2: memref<10000x64xf32, #tpu.memory_space<hbm>>, %arg3: memref<10000x64xf32, #tpu.memory_space<hbm>>, %arg4: memref<32x125x80xi32, #tpu.memory_space<hbm>>, %arg5: memref<32x125x80xi32, #tpu.memory_space<hbm>>, %arg6: memref<2x10000x64xf32, #tpu.memory_space<hbm>>, %arg7: memref<2x10000x64xf32, #tpu.memory_space<hbm>>, %arg8: memref<125x80xi32, #tpu.memory_space<vmem>>, %arg9: memref<125x80xi32, #tpu.memory_space<vmem>>, %arg10: memref<80x64xf32, #tpu.memory_space<vmem>>, %arg11: memref<125x64xf32, #tpu.memory_space<vmem>>, %arg12: memref<10000x64xf32, #tpu.memory_space<vmem_shared>>, %arg13: memref<!tpu.dma_semaphore, #tpu.memory_space<semaphore_mem>>) attributes {dimension_semantics = [#tpu.dimension_semantics<core_parallel>, #tpu.dimension_semantics<subcore_parallel>], iteration_bounds = array<i64: 2, 16>, scalar_prefetch = 0 : i64, scratch_operands = 6 : i64, tpu.core_type = #tpu.core_type<sc_vector_subcore>, window_params = [{transform_indices = #map}, {transform_indices = #map}, {transform_indices = #map1}, {transform_indices = #map1}, {transform_indices = #map1}, {transform_indices = #map1}]} {
    %mul3A = arith.constant 16 : i32
    %mul3A_0 = arith.muli %arg0, %mul3A : i32
    %add3A = arith.addi %mul3A_0, %arg1 : i32
    %mul3A_1 = arith.constant 625 : i32
    %mul3A_2 = arith.muli %arg1, %mul3A_1 : i32
    %scan3A = arith.constant 0 : i32
    %scan3A_3 = arith.constant 0 : i32
    %scan3A_4 = arith.constant 125 : i32
    %scan3A_5 = arith.addi %scan3A_3, %scan3A_4 : i32
    %scan3A_6 = arith.constant 1 : i32
    %scan3A_7 = scf.for %scan3A_86 = %scan3A_3 to %scan3A_5 step %scan3A_6 iter_args(%scan3A_87 = %scan3A) -> (i32)  : i32 {
      %broadcast_in_dim3A = arith.constant 0.000000e+00 : f32
      %broadcast_in_dim3A_88 = vector.broadcast %broadcast_in_dim3A : f32 to vector<16xf32>
      %swap3A = arith.index_cast %scan3A_86 : i32 to index
      %swap3A_89 = arith.constant 0 : index
      %swap3A_90 = tpu.vector_load %arg11[%swap3A, %swap3A_89] {strides = array<i32>} : memref<125x64xf32, #tpu.memory_space<vmem>>, vector<1x16xf32>,
      %swap3A_91 = vector.shape_cast %swap3A_90 : vector<1x16xf32> to vector<16xf32>
      %swap3A_92 = vector.shape_cast %broadcast_in_dim3A_88 : vector<16xf32> to vector<1x16xf32>
      tpu.vector_store %arg11[%swap3A, %swap3A_89], %swap3A_92 {strides = array<i32>} : memref<125x64xf32, #tpu.memory_space<vmem>>, vector<1x16xf32>,
      %broadcast_in_dim3A_93 = arith.constant 0.000000e+00 : f32
      %broadcast_in_dim3A_94 = vector.broadcast %broadcast_in_dim3A_93 : f32 to vector<16xf32>
      %swap3A_95 = arith.index_cast %scan3A_86 : i32 to index
      %swap3A_96 = arith.constant 16 : index
      %swap3A_97 = tpu.vector_load %arg11[%swap3A_95, %swap3A_96] {strides = array<i32>} : memref<125x64xf32, #tpu.memory_space<vmem>>, vector<1x16xf32>,
      %swap3A_98 = vector.shape_cast %swap3A_97 : vector<1x16xf32> to vector<16xf32>
      %swap3A_99 = vector.shape_cast %broadcast_in_dim3A_94 : vector<16xf32> to vector<1x16xf32>
      tpu.vector_store %arg11[%swap3A_95, %swap3A_96], %swap3A_99 {strides = array<i32>} : memref<125x64xf32, #tpu.memory_space<vmem>>, vector<1x16xf32>,
      %broadcast_in_dim3A_100 = arith.constant 0.000000e+00 : f32
      %broadcast_in_dim3A_101 = vector.broadcast %broadcast_in_dim3A_100 : f32 to vector<16xf32>
      %swap3A_102 = arith.index_cast %scan3A_86 : i32 to index
      %swap3A_103 = arith.constant 32 : index
      %swap3A_104 = tpu.vector_load %arg11[%swap3A_102, %swap3A_103] {strides = array<i32>} : memref<125x64xf32, #tpu.memory_space<vmem>>, vector<1x16xf32>,
      %swap3A_105 = vector.shape_cast %swap3A_104 : vector<1x16xf32> to vector<16xf32>
      %swap3A_106 = vector.shape_cast %broadcast_in_dim3A_101 : vector<16xf32> to vector<1x16xf32>
      tpu.vector_store %arg11[%swap3A_102, %swap3A_103], %swap3A_106 {strides = array<i32>} : memref<125x64xf32, #tpu.memory_space<vmem>>, vector<1x16xf32>,
      %broadcast_in_dim3A_107 = arith.constant 0.000000e+00 : f32
      %broadcast_in_dim3A_108 = vector.broadcast %broadcast_in_dim3A_107 : f32 to vector<16xf32>
      %swap3A_109 = arith.index_cast %scan3A_86 : i32 to index
      %swap3A_110 = arith.constant 48 : index
      %swap3A_111 = tpu.vector_load %arg11[%swap3A_109, %swap3A_110] {strides = array<i32>} : memref<125x64xf32, #tpu.memory_space<vmem>>, vector<1x16xf32>,
      %swap3A_112 = vector.shape_cast %swap3A_111 : vector<1x16xf32> to vector<16xf32>
      %swap3A_113 = vector.shape_cast %broadcast_in_dim3A_108 : vector<16xf32> to vector<1x16xf32>
      tpu.vector_store %arg11[%swap3A_109, %swap3A_110], %swap3A_113 {strides = array<i32>} : memref<125x64xf32, #tpu.memory_space<vmem>>, vector<1x16xf32>,
      %scan3A_114 = arith.constant 0 : i32
      scf.yield %scan3A_114 : i32
    }
    %scan3A_8 = arith.constant 125 : i32
    %add3A_9 = arith.constant 0 : i32
    %add3A_10 = arith.addi %mul3A_2, %add3A_9 : i32
    "tpu.region"() ({
      %run_scoped3A = tpu.sem_alloc : memref<!tpu.dma_semaphore, #tpu.memory_space<semaphore_mem>>
      %dma_start3A = arith.constant 0 : i32
      %dma_start3A_86 = tpu.memref_slice %arg12[%add3A_10, %dma_start3A] : memref<10000x64xf32, #tpu.memory_space<vmem_shared>> -> memref<125x64xf32, #tpu.memory_space<vmem_shared>>
      %dma_start3A_87 = arith.constant 0 : i32
      %dma_start3A_88 = tpu.memref_slice %arg12[%add3A_10, %dma_start3A_87] : memref<10000x64xf32, #tpu.memory_space<vmem_shared>> -> memref<125x64xf32, #tpu.memory_space<vmem_shared>>
      tpu.enqueue_dma source(%arg11 : memref<125x64xf32, #tpu.memory_space<vmem>>) target(%dma_start3A_88 : memref<125x64xf32, #tpu.memory_space<vmem_shared>>) target_semaphore(%run_scoped3A : memref<!tpu.dma_semaphore, #tpu.memory_space<semaphore_mem>>)
      %dma_wait3A = arith.constant 0 : i32
      %dma_wait3A_89 = tpu.memref_slice %arg12[%add3A_10, %dma_wait3A] : memref<10000x64xf32, #tpu.memory_space<vmem_shared>> -> memref<125x64xf32, #tpu.memory_space<vmem_shared>>
      %dma_wait3A_90 = arith.constant 0 : i32
      %dma_wait3A_91 = tpu.memref_slice %arg12[%add3A_10, %dma_wait3A_90] : memref<10000x64xf32, #tpu.memory_space<vmem_shared>> -> memref<125x64xf32, #tpu.memory_space<vmem_shared>>
      tpu.wait_dma2 semaphore(%run_scoped3A : memref<!tpu.dma_semaphore, #tpu.memory_space<semaphore_mem>>) src(%arg11 : memref<125x64xf32, #tpu.memory_space<vmem>>) dst(%dma_wait3A_91 : memref<125x64xf32, #tpu.memory_space<vmem_shared>>)
      tpu.yield
    }) : () -> ()
    %add3A_11 = arith.constant 125 : i32
    %add3A_12 = arith.addi %mul3A_2, %add3A_11 : i32
    "tpu.region"() ({
      %run_scoped3A = tpu.sem_alloc : memref<!tpu.dma_semaphore, #tpu.memory_space<semaphore_mem>>
      %dma_start3A = arith.constant 0 : i32
      %dma_start3A_86 = tpu.memref_slice %arg12[%add3A_12, %dma_start3A] : memref<10000x64xf32, #tpu.memory_space<vmem_shared>> -> memref<125x64xf32, #tpu.memory_space<vmem_shared>>
      %dma_start3A_87 = arith.constant 0 : i32
      %dma_start3A_88 = tpu.memref_slice %arg12[%add3A_12, %dma_start3A_87] : memref<10000x64xf32, #tpu.memory_space<vmem_shared>> -> memref<125x64xf32, #tpu.memory_space<vmem_shared>>
      tpu.enqueue_dma source(%arg11 : memref<125x64xf32, #tpu.memory_space<vmem>>) target(%dma_start3A_88 : memref<125x64xf32, #tpu.memory_space<vmem_shared>>) target_semaphore(%run_scoped3A : memref<!tpu.dma_semaphore, #tpu.memory_space<semaphore_mem>>)
      %dma_wait3A = arith.constant 0 : i32
      %dma_wait3A_89 = tpu.memref_slice %arg12[%add3A_12, %dma_wait3A] : memref<10000x64xf32, #tpu.memory_space<vmem_shared>> -> memref<125x64xf32, #tpu.memory_space<vmem_shared>>
      %dma_wait3A_90 = arith.constant 0 : i32
      %dma_wait3A_91 = tpu.memref_slice %arg12[%add3A_12, %dma_wait3A_90] : memref<10000x64xf32, #tpu.memory_space<vmem_shared>> -> memref<125x64xf32, #tpu.memory_space<vmem_shared>>
      tpu.wait_dma2 semaphore(%run_scoped3A : memref<!tpu.dma_semaphore, #tpu.memory_space<semaphore_mem>>) src(%arg11 : memref<125x64xf32, #tpu.memory_space<vmem>>) dst(%dma_wait3A_91 : memref<125x64xf32, #tpu.memory_space<vmem_shared>>)
      tpu.yield
    }) : () -> ()
    %add3A_13 = arith.constant 250 : i32
    %add3A_14 = arith.addi %mul3A_2, %add3A_13 : i32
    "tpu.region"() ({
      %run_scoped3A = tpu.sem_alloc : memref<!tpu.dma_semaphore, #tpu.memory_space<semaphore_mem>>
      %dma_start3A = arith.constant 0 : i32
      %dma_start3A_86 = tpu.memref_slice %arg12[%add3A_14, %dma_start3A] : memref<10000x64xf32, #tpu.memory_space<vmem_shared>> -> memref<125x64xf32, #tpu.memory_space<vmem_shared>>
      %dma_start3A_87 = arith.constant 0 : i32
      %dma_start3A_88 = tpu.memref_slice %arg12[%add3A_14, %dma_start3A_87] : memref<10000x64xf32, #tpu.memory_space<vmem_shared>> -> memref<125x64xf32, #tpu.memory_space<vmem_shared>>
      tpu.enqueue_dma source(%arg11 : memref<125x64xf32, #tpu.memory_space<vmem>>) target(%dma_start3A_88 : memref<125x64xf32, #tpu.memory_space<vmem_shared>>) target_semaphore(%run_scoped3A : memref<!tpu.dma_semaphore, #tpu.memory_space<semaphore_mem>>)
      %dma_wait3A = arith.constant 0 : i32
      %dma_wait3A_89 = tpu.memref_slice %arg12[%add3A_14, %dma_wait3A] : memref<10000x64xf32, #tpu.memory_space<vmem_shared>> -> memref<125x64xf32, #tpu.memory_space<vmem_shared>>
      %dma_wait3A_90 = arith.constant 0 : i32
      %dma_wait3A_91 = tpu.memref_slice %arg12[%add3A_14, %dma_wait3A_90] : memref<10000x64xf32, #tpu.memory_space<vmem_shared>> -> memref<125x64xf32, #tpu.memory_space<vmem_shared>>
      tpu.wait_dma2 semaphore(%run_scoped3A : memref<!tpu.dma_semaphore, #tpu.memory_space<semaphore_mem>>) src(%arg11 : memref<125x64xf32, #tpu.memory_space<vmem>>) dst(%dma_wait3A_91 : memref<125x64xf32, #tpu.memory_space<vmem_shared>>)
      tpu.yield
    }) : () -> ()
    %add3A_15 = arith.constant 375 : i32
    %add3A_16 = arith.addi %mul3A_2, %add3A_15 : i32
    "tpu.region"() ({
      %run_scoped3A = tpu.sem_alloc : memref<!tpu.dma_semaphore, #tpu.memory_space<semaphore_mem>>
      %dma_start3A = arith.constant 0 : i32
      %dma_start3A_86 = tpu.memref_slice %arg12[%add3A_16, %dma_start3A] : memref<10000x64xf32, #tpu.memory_space<vmem_shared>> -> memref<125x64xf32, #tpu.memory_space<vmem_shared>>
      %dma_start3A_87 = arith.constant 0 : i32
      %dma_start3A_88 = tpu.memref_slice %arg12[%add3A_16, %dma_start3A_87] : memref<10000x64xf32, #tpu.memory_space<vmem_shared>> -> memref<125x64xf32, #tpu.memory_space<vmem_shared>>
      tpu.enqueue_dma source(%arg11 : memref<125x64xf32, #tpu.memory_space<vmem>>) target(%dma_start3A_88 : memref<125x64xf32, #tpu.memory_space<vmem_shared>>) target_semaphore(%run_scoped3A : memref<!tpu.dma_semaphore, #tpu.memory_space<semaphore_mem>>)
      %dma_wait3A = arith.constant 0 : i32
      %dma_wait3A_89 = tpu.memref_slice %arg12[%add3A_16, %dma_wait3A] : memref<10000x64xf32, #tpu.memory_space<vmem_shared>> -> memref<125x64xf32, #tpu.memory_space<vmem_shared>>
      %dma_wait3A_90 = arith.constant 0 : i32
      %dma_wait3A_91 = tpu.memref_slice %arg12[%add3A_16, %dma_wait3A_90] : memref<10000x64xf32, #tpu.memory_space<vmem_shared>> -> memref<125x64xf32, #tpu.memory_space<vmem_shared>>
      tpu.wait_dma2 semaphore(%run_scoped3A : memref<!tpu.dma_semaphore, #tpu.memory_space<semaphore_mem>>) src(%arg11 : memref<125x64xf32, #tpu.memory_space<vmem>>) dst(%dma_wait3A_91 : memref<125x64xf32, #tpu.memory_space<vmem_shared>>)
      tpu.yield
    }) : () -> ()
    %add3A_17 = arith.constant 500 : i32
    %add3A_18 = arith.addi %mul3A_2, %add3A_17 : i32
    "tpu.region"() ({
      %run_scoped3A = tpu.sem_alloc : memref<!tpu.dma_semaphore, #tpu.memory_space<semaphore_mem>>
      %dma_start3A = arith.constant 0 : i32
      %dma_start3A_86 = tpu.memref_slice %arg12[%add3A_18, %dma_start3A] : memref<10000x64xf32, #tpu.memory_space<vmem_shared>> -> memref<125x64xf32, #tpu.memory_space<vmem_shared>>
      %dma_start3A_87 = arith.constant 0 : i32
      %dma_start3A_88 = tpu.memref_slice %arg12[%add3A_18, %dma_start3A_87] : memref<10000x64xf32, #tpu.memory_space<vmem_shared>> -> memref<125x64xf32, #tpu.memory_space<vmem_shared>>
      tpu.enqueue_dma source(%arg11 : memref<125x64xf32, #tpu.memory_space<vmem>>) target(%dma_start3A_88 : memref<125x64xf32, #tpu.memory_space<vmem_shared>>) target_semaphore(%run_scoped3A : memref<!tpu.dma_semaphore, #tpu.memory_space<semaphore_mem>>)
      %dma_wait3A = arith.constant 0 : i32
      %dma_wait3A_89 = tpu.memref_slice %arg12[%add3A_18, %dma_wait3A] : memref<10000x64xf32, #tpu.memory_space<vmem_shared>> -> memref<125x64xf32, #tpu.memory_space<vmem_shared>>
      %dma_wait3A_90 = arith.constant 0 : i32
      %dma_wait3A_91 = tpu.memref_slice %arg12[%add3A_18, %dma_wait3A_90] : memref<10000x64xf32, #tpu.memory_space<vmem_shared>> -> memref<125x64xf32, #tpu.memory_space<vmem_shared>>
      tpu.wait_dma2 semaphore(%run_scoped3A : memref<!tpu.dma_semaphore, #tpu.memory_space<semaphore_mem>>) src(%arg11 : memref<125x64xf32, #tpu.memory_space<vmem>>) dst(%dma_wait3A_91 : memref<125x64xf32, #tpu.memory_space<vmem_shared>>)
      tpu.yield
    }) : () -> ()
    "tpu.region"() ({
      %run_scoped3A = tpu.sem_alloc : memref<!tpu.dma_semaphore, #tpu.memory_space<semaphore_mem>>
      %dma_start3A = arith.constant 0 : i32
      %dma_start3A_86 = arith.constant 0 : i32
      %dma_start3A_87 = tpu.memref_slice %arg4[%add3A, %dma_start3A, %dma_start3A_86] : memref<32x125x80xi32, #tpu.memory_space<hbm>> -> memref<1x125x80xi32, #tpu.memory_space<hbm>>
      %dma_start3A_88 = tpu.memref_squeeze %dma_start3A_87 : memref<1x125x80xi32, #tpu.memory_space<hbm>> -> memref<125x80xi32, #tpu.memory_space<hbm>>
      %dma_start3A_89 = arith.constant 0 : i32
      %dma_start3A_90 = arith.constant 0 : i32
      %dma_start3A_91 = tpu.memref_slice %arg4[%add3A, %dma_start3A_89, %dma_start3A_90] : memref<32x125x80xi32, #tpu.memory_space<hbm>> -> memref<1x125x80xi32, #tpu.memory_space<hbm>>
      %dma_start3A_92 = tpu.memref_squeeze %dma_start3A_91 : memref<1x125x80xi32, #tpu.memory_space<hbm>> -> memref<125x80xi32, #tpu.memory_space<hbm>>
      tpu.enqueue_dma source(%dma_start3A_92 : memref<125x80xi32, #tpu.memory_space<hbm>>) target(%arg8 : memref<125x80xi32, #tpu.memory_space<vmem>>) target_semaphore(%run_scoped3A : memref<!tpu.dma_semaphore, #tpu.memory_space<semaphore_mem>>)
      %dma_wait3A = arith.constant 0 : i32
      %dma_wait3A_93 = arith.constant 0 : i32
      %dma_wait3A_94 = tpu.memref_slice %arg4[%add3A, %dma_wait3A, %dma_wait3A_93] : memref<32x125x80xi32, #tpu.memory_space<hbm>> -> memref<1x125x80xi32, #tpu.memory_space<hbm>>
      %dma_wait3A_95 = tpu.memref_squeeze %dma_wait3A_94 : memref<1x125x80xi32, #tpu.memory_space<hbm>> -> memref<125x80xi32, #tpu.memory_space<hbm>>
      %dma_wait3A_96 = arith.constant 0 : i32
      %dma_wait3A_97 = arith.constant 0 : i32
      %dma_wait3A_98 = tpu.memref_slice %arg4[%add3A, %dma_wait3A_96, %dma_wait3A_97] : memref<32x125x80xi32, #tpu.memory_space<hbm>> -> memref<1x125x80xi32, #tpu.memory_space<hbm>>
      %dma_wait3A_99 = tpu.memref_squeeze %dma_wait3A_98 : memref<1x125x80xi32, #tpu.memory_space<hbm>> -> memref<125x80xi32, #tpu.memory_space<hbm>>
      tpu.wait_dma2 semaphore(%run_scoped3A : memref<!tpu.dma_semaphore, #tpu.memory_space<semaphore_mem>>) src(%dma_wait3A_99 : memref<125x80xi32, #tpu.memory_space<hbm>>) dst(%arg8 : memref<125x80xi32, #tpu.memory_space<vmem>>)
      tpu.yield
    }) : () -> ()
    "tpu.region"() ({
      %run_scoped3A = tpu.sem_alloc : memref<!tpu.dma_semaphore, #tpu.memory_space<semaphore_mem>>
      %dma_start3A = arith.constant 0 : i32
      %dma_start3A_86 = arith.constant 0 : i32
      %dma_start3A_87 = tpu.memref_slice %arg5[%add3A, %dma_start3A, %dma_start3A_86] : memref<32x125x80xi32, #tpu.memory_space<hbm>> -> memref<1x125x80xi32, #tpu.memory_space<hbm>>
      %dma_start3A_88 = tpu.memref_squeeze %dma_start3A_87 : memref<1x125x80xi32, #tpu.memory_space<hbm>> -> memref<125x80xi32, #tpu.memory_space<hbm>>
      %dma_start3A_89 = arith.constant 0 : i32
      %dma_start3A_90 = arith.constant 0 : i32
      %dma_start3A_91 = tpu.memref_slice %arg5[%add3A, %dma_start3A_89, %dma_start3A_90] : memref<32x125x80xi32, #tpu.memory_space<hbm>> -> memref<1x125x80xi32, #tpu.memory_space<hbm>>
      %dma_start3A_92 = tpu.memref_squeeze %dma_start3A_91 : memref<1x125x80xi32, #tpu.memory_space<hbm>> -> memref<125x80xi32, #tpu.memory_space<hbm>>
      tpu.enqueue_dma source(%dma_start3A_92 : memref<125x80xi32, #tpu.memory_space<hbm>>) target(%arg9 : memref<125x80xi32, #tpu.memory_space<vmem>>) target_semaphore(%run_scoped3A : memref<!tpu.dma_semaphore, #tpu.memory_space<semaphore_mem>>)
      %dma_wait3A = arith.constant 0 : i32
      %dma_wait3A_93 = arith.constant 0 : i32
      %dma_wait3A_94 = tpu.memref_slice %arg5[%add3A, %dma_wait3A, %dma_wait3A_93] : memref<32x125x80xi32, #tpu.memory_space<hbm>> -> memref<1x125x80xi32, #tpu.memory_space<hbm>>
      %dma_wait3A_95 = tpu.memref_squeeze %dma_wait3A_94 : memref<1x125x80xi32, #tpu.memory_space<hbm>> -> memref<125x80xi32, #tpu.memory_space<hbm>>
      %dma_wait3A_96 = arith.constant 0 : i32
      %dma_wait3A_97 = arith.constant 0 : i32
      %dma_wait3A_98 = tpu.memref_slice %arg5[%add3A, %dma_wait3A_96, %dma_wait3A_97] : memref<32x125x80xi32, #tpu.memory_space<hbm>> -> memref<1x125x80xi32, #tpu.memory_space<hbm>>
      %dma_wait3A_99 = tpu.memref_squeeze %dma_wait3A_98 : memref<1x125x80xi32, #tpu.memory_space<hbm>> -> memref<125x80xi32, #tpu.memory_space<hbm>>
      tpu.wait_dma2 semaphore(%run_scoped3A : memref<!tpu.dma_semaphore, #tpu.memory_space<semaphore_mem>>) src(%dma_wait3A_99 : memref<125x80xi32, #tpu.memory_space<hbm>>) dst(%arg9 : memref<125x80xi32, #tpu.memory_space<vmem>>)
      tpu.yield
    }) : () -> ()
    %barrier3A = arith.constant 0 : index
    tpu.barrier barrier_id(%barrier3A)
    %scan3A_19 = arith.constant 0 : i32
    %scan3A_20 = arith.constant 0 : i32
    %scan3A_21 = arith.constant 125 : i32
    %scan3A_22 = arith.addi %scan3A_20, %scan3A_21 : i32
    %scan3A_23 = arith.constant 1 : i32
    %scan3A_24 = scf.for %scan3A_86 = %scan3A_20 to %scan3A_22 step %scan3A_23 iter_args(%scan3A_87 = %scan3A_19) -> (i32)  : i32 {
      %dma_start3A = arith.constant 0 : i32
      %dma_start3A_88 = tpu.memref_slice %arg8[%scan3A_86, %dma_start3A] : memref<125x80xi32, #tpu.memory_space<vmem>> -> memref<1x80xi32, #tpu.memory_space<vmem>>
      %dma_start3A_89 = tpu.memref_squeeze %dma_start3A_88 : memref<1x80xi32, #tpu.memory_space<vmem>> -> memref<80xi32, #tpu.memory_space<vmem>>
      %dma_start3A_90 = arith.constant 0 : i32
      %dma_start3A_91 = arith.constant 0 : i32
      %dma_start3A_92 = tpu.memref_slice %arg2[%dma_start3A_90, %dma_start3A_91] : memref<10000x64xf32, #tpu.memory_space<hbm>> -> memref<10000x64xf32, #tpu.memory_space<hbm>>
      tpu.enqueue_indirect_dma source(%dma_start3A_92 : memref<10000x64xf32, #tpu.memory_space<hbm>>) target(%arg10 : memref<80x64xf32, #tpu.memory_space<vmem>>) offsets(%dma_start3A_89 : memref<80xi32, #tpu.memory_space<vmem>>) semaphore(%arg13 : memref<!tpu.dma_semaphore, #tpu.memory_space<semaphore_mem>>)
      %dma_wait3A = arith.constant 0 : i32
      %dma_wait3A_93 = tpu.memref_slice %arg8[%scan3A_86, %dma_wait3A] : memref<125x80xi32, #tpu.memory_space<vmem>> -> memref<1x80xi32, #tpu.memory_space<vmem>>
      %dma_wait3A_94 = tpu.memref_squeeze %dma_wait3A_93 : memref<1x80xi32, #tpu.memory_space<vmem>> -> memref<80xi32, #tpu.memory_space<vmem>>
      %dma_wait3A_95 = arith.constant 0 : i32
      %dma_wait3A_96 = arith.constant 0 : i32
      %dma_wait3A_97 = tpu.memref_slice %arg2[%dma_wait3A_95, %dma_wait3A_96] : memref<10000x64xf32, #tpu.memory_space<hbm>> -> memref<10000x64xf32, #tpu.memory_space<hbm>>
      tpu.wait_indirect_dma semaphore(%arg13 : memref<!tpu.dma_semaphore, #tpu.memory_space<semaphore_mem>>) src(%dma_wait3A_97 : memref<10000x64xf32, #tpu.memory_space<hbm>>) dst(%arg10 : memref<80x64xf32, #tpu.memory_space<vmem>>)
      "tpu.region"() ({
        %run_scoped3A = tpu.sem_alloc : memref<!tpu.dma_semaphore, #tpu.memory_space<semaphore_mem>>
        %dma_start3A_99 = arith.constant 0 : i32
        %dma_start3A_100 = tpu.memref_slice %arg9[%scan3A_86, %dma_start3A_99] : memref<125x80xi32, #tpu.memory_space<vmem>> -> memref<1x80xi32, #tpu.memory_space<vmem>>
        %dma_start3A_101 = tpu.memref_squeeze %dma_start3A_100 : memref<1x80xi32, #tpu.memory_space<vmem>> -> memref<80xi32, #tpu.memory_space<vmem>>
        %dma_start3A_102 = arith.constant 0 : i32
        %dma_start3A_103 = arith.constant 0 : i32
        %dma_start3A_104 = tpu.memref_slice %arg12[%dma_start3A_102, %dma_start3A_103] : memref<10000x64xf32, #tpu.memory_space<vmem_shared>> -> memref<10000x64xf32, #tpu.memory_space<vmem_shared>>
        tpu.enqueue_indirect_dma source(%arg10 : memref<80x64xf32, #tpu.memory_space<vmem>>) target(%dma_start3A_104 : memref<10000x64xf32, #tpu.memory_space<vmem_shared>>) offsets(%dma_start3A_101 : memref<80xi32, #tpu.memory_space<vmem>>) semaphore(%run_scoped3A : memref<!tpu.dma_semaphore, #tpu.memory_space<semaphore_mem>>) {add = true}
        %dma_wait3A_105 = arith.constant 0 : i32
        %dma_wait3A_106 = tpu.memref_slice %arg9[%scan3A_86, %dma_wait3A_105] : memref<125x80xi32, #tpu.memory_space<vmem>> -> memref<1x80xi32, #tpu.memory_space<vmem>>
        %dma_wait3A_107 = tpu.memref_squeeze %dma_wait3A_106 : memref<1x80xi32, #tpu.memory_space<vmem>> -> memref<80xi32, #tpu.memory_space<vmem>>
        %dma_wait3A_108 = arith.constant 0 : i32
        %dma_wait3A_109 = arith.constant 0 : i32
        %dma_wait3A_110 = tpu.memref_slice %arg12[%dma_wait3A_108, %dma_wait3A_109] : memref<10000x64xf32, #tpu.memory_space<vmem_shared>> -> memref<10000x64xf32, #tpu.memory_space<vmem_shared>>
        tpu.wait_indirect_dma semaphore(%run_scoped3A : memref<!tpu.dma_semaphore, #tpu.memory_space<semaphore_mem>>) src(%arg10 : memref<80x64xf32, #tpu.memory_space<vmem>>) dst(%dma_wait3A_110 : memref<10000x64xf32, #tpu.memory_space<vmem_shared>>)
        tpu.yield
      }) : () -> ()
      %scan3A_98 = arith.constant 0 : i32
      scf.yield %scan3A_98 : i32
    }
    %scan3A_25 = arith.constant 125 : i32
    %barrier3A_26 = arith.constant 0 : index
    tpu.barrier barrier_id(%barrier3A_26)
    %add3A_27 = arith.constant 0 : i32
    %add3A_28 = arith.addi %mul3A_2, %add3A_27 : i32
    %add3A_29 = arith.constant 0 : i32
    %add3A_30 = arith.addi %mul3A_2, %add3A_29 : i32
    "tpu.region"() ({
      %run_scoped3A = tpu.sem_alloc : memref<!tpu.dma_semaphore, #tpu.memory_space<semaphore_mem>>
      %dma_start3A = arith.constant 0 : i32
      %dma_start3A_86 = tpu.memref_slice %arg6[%arg0, %add3A_30, %dma_start3A] : memref<2x10000x64xf32, #tpu.memory_space<hbm>> -> memref<1x125x64xf32, #tpu.memory_space<hbm>>
      %dma_start3A_87 = tpu.memref_squeeze %dma_start3A_86 : memref<1x125x64xf32, #tpu.memory_space<hbm>> -> memref<125x64xf32, #tpu.memory_space<hbm>>
      %dma_start3A_88 = arith.constant 0 : i32
      %dma_start3A_89 = tpu.memref_slice %arg12[%add3A_28, %dma_start3A_88] : memref<10000x64xf32, #tpu.memory_space<vmem_shared>> -> memref<125x64xf32, #tpu.memory_space<vmem_shared>>
      tpu.enqueue_dma source(%dma_start3A_89 : memref<125x64xf32, #tpu.memory_space<vmem_shared>>) target(%dma_start3A_87 : memref<125x64xf32, #tpu.memory_space<hbm>>) target_semaphore(%run_scoped3A : memref<!tpu.dma_semaphore, #tpu.memory_space<semaphore_mem>>)
      %dma_wait3A = arith.constant 0 : i32
      %dma_wait3A_90 = tpu.memref_slice %arg6[%arg0, %add3A_30, %dma_wait3A] : memref<2x10000x64xf32, #tpu.memory_space<hbm>> -> memref<1x125x64xf32, #tpu.memory_space<hbm>>
      %dma_wait3A_91 = tpu.memref_squeeze %dma_wait3A_90 : memref<1x125x64xf32, #tpu.memory_space<hbm>> -> memref<125x64xf32, #tpu.memory_space<hbm>>
      %dma_wait3A_92 = arith.constant 0 : i32
      %dma_wait3A_93 = tpu.memref_slice %arg12[%add3A_28, %dma_wait3A_92] : memref<10000x64xf32, #tpu.memory_space<vmem_shared>> -> memref<125x64xf32, #tpu.memory_space<vmem_shared>>
      tpu.wait_dma2 semaphore(%run_scoped3A : memref<!tpu.dma_semaphore, #tpu.memory_space<semaphore_mem>>) src(%dma_wait3A_93 : memref<125x64xf32, #tpu.memory_space<vmem_shared>>) dst(%dma_wait3A_91 : memref<125x64xf32, #tpu.memory_space<hbm>>)
      tpu.yield
    }) : () -> ()
    %add3A_31 = arith.constant 125 : i32
    %add3A_32 = arith.addi %mul3A_2, %add3A_31 : i32
    %add3A_33 = arith.constant 125 : i32
    %add3A_34 = arith.addi %mul3A_2, %add3A_33 : i32
    "tpu.region"() ({
      %run_scoped3A = tpu.sem_alloc : memref<!tpu.dma_semaphore, #tpu.memory_space<semaphore_mem>>
      %dma_start3A = arith.constant 0 : i32
      %dma_start3A_86 = tpu.memref_slice %arg6[%arg0, %add3A_34, %dma_start3A] : memref<2x10000x64xf32, #tpu.memory_space<hbm>> -> memref<1x125x64xf32, #tpu.memory_space<hbm>>
      %dma_start3A_87 = tpu.memref_squeeze %dma_start3A_86 : memref<1x125x64xf32, #tpu.memory_space<hbm>> -> memref<125x64xf32, #tpu.memory_space<hbm>>
      %dma_start3A_88 = arith.constant 0 : i32
      %dma_start3A_89 = tpu.memref_slice %arg12[%add3A_32, %dma_start3A_88] : memref<10000x64xf32, #tpu.memory_space<vmem_shared>> -> memref<125x64xf32, #tpu.memory_space<vmem_shared>>
      tpu.enqueue_dma source(%dma_start3A_89 : memref<125x64xf32, #tpu.memory_space<vmem_shared>>) target(%dma_start3A_87 : memref<125x64xf32, #tpu.memory_space<hbm>>) target_semaphore(%run_scoped3A : memref<!tpu.dma_semaphore, #tpu.memory_space<semaphore_mem>>)
      %dma_wait3A = arith.constant 0 : i32
      %dma_wait3A_90 = tpu.memref_slice %arg6[%arg0, %add3A_34, %dma_wait3A] : memref<2x10000x64xf32, #tpu.memory_space<hbm>> -> memref<1x125x64xf32, #tpu.memory_space<hbm>>
      %dma_wait3A_91 = tpu.memref_squeeze %dma_wait3A_90 : memref<1x125x64xf32, #tpu.memory_space<hbm>> -> memref<125x64xf32, #tpu.memory_space<hbm>>
      %dma_wait3A_92 = arith.constant 0 : i32
      %dma_wait3A_93 = tpu.memref_slice %arg12[%add3A_32, %dma_wait3A_92] : memref<10000x64xf32, #tpu.memory_space<vmem_shared>> -> memref<125x64xf32, #tpu.memory_space<vmem_shared>>
      tpu.wait_dma2 semaphore(%run_scoped3A : memref<!tpu.dma_semaphore, #tpu.memory_space<semaphore_mem>>) src(%dma_wait3A_93 : memref<125x64xf32, #tpu.memory_space<vmem_shared>>) dst(%dma_wait3A_91 : memref<125x64xf32, #tpu.memory_space<hbm>>)
      tpu.yield
    }) : () -> ()
    %add3A_35 = arith.constant 250 : i32
    %add3A_36 = arith.addi %mul3A_2, %add3A_35 : i32
    %add3A_37 = arith.constant 250 : i32
    %add3A_38 = arith.addi %mul3A_2, %add3A_37 : i32
    "tpu.region"() ({
      %run_scoped3A = tpu.sem_alloc : memref<!tpu.dma_semaphore, #tpu.memory_space<semaphore_mem>>
      %dma_start3A = arith.constant 0 : i32
      %dma_start3A_86 = tpu.memref_slice %arg6[%arg0, %add3A_38, %dma_start3A] : memref<2x10000x64xf32, #tpu.memory_space<hbm>> -> memref<1x125x64xf32, #tpu.memory_space<hbm>>
      %dma_start3A_87 = tpu.memref_squeeze %dma_start3A_86 : memref<1x125x64xf32, #tpu.memory_space<hbm>> -> memref<125x64xf32, #tpu.memory_space<hbm>>
      %dma_start3A_88 = arith.constant 0 : i32
      %dma_start3A_89 = tpu.memref_slice %arg12[%add3A_36, %dma_start3A_88] : memref<10000x64xf32, #tpu.memory_space<vmem_shared>> -> memref<125x64xf32, #tpu.memory_space<vmem_shared>>
      tpu.enqueue_dma source(%dma_start3A_89 : memref<125x64xf32, #tpu.memory_space<vmem_shared>>) target(%dma_start3A_87 : memref<125x64xf32, #tpu.memory_space<hbm>>) target_semaphore(%run_scoped3A : memref<!tpu.dma_semaphore, #tpu.memory_space<semaphore_mem>>)
      %dma_wait3A = arith.constant 0 : i32
      %dma_wait3A_90 = tpu.memref_slice %arg6[%arg0, %add3A_38, %dma_wait3A] : memref<2x10000x64xf32, #tpu.memory_space<hbm>> -> memref<1x125x64xf32, #tpu.memory_space<hbm>>
      %dma_wait3A_91 = tpu.memref_squeeze %dma_wait3A_90 : memref<1x125x64xf32, #tpu.memory_space<hbm>> -> memref<125x64xf32, #tpu.memory_space<hbm>>
      %dma_wait3A_92 = arith.constant 0 : i32
      %dma_wait3A_93 = tpu.memref_slice %arg12[%add3A_36, %dma_wait3A_92] : memref<10000x64xf32, #tpu.memory_space<vmem_shared>> -> memref<125x64xf32, #tpu.memory_space<vmem_shared>>
      tpu.wait_dma2 semaphore(%run_scoped3A : memref<!tpu.dma_semaphore, #tpu.memory_space<semaphore_mem>>) src(%dma_wait3A_93 : memref<125x64xf32, #tpu.memory_space<vmem_shared>>) dst(%dma_wait3A_91 : memref<125x64xf32, #tpu.memory_space<hbm>>)
      tpu.yield
    }) : () -> ()
    %add3A_39 = arith.constant 375 : i32
    %add3A_40 = arith.addi %mul3A_2, %add3A_39 : i32
    %add3A_41 = arith.constant 375 : i32
    %add3A_42 = arith.addi %mul3A_2, %add3A_41 : i32
    "tpu.region"() ({
      %run_scoped3A = tpu.sem_alloc : memref<!tpu.dma_semaphore, #tpu.memory_space<semaphore_mem>>
      %dma_start3A = arith.constant 0 : i32
      %dma_start3A_86 = tpu.memref_slice %arg6[%arg0, %add3A_42, %dma_start3A] : memref<2x10000x64xf32, #tpu.memory_space<hbm>> -> memref<1x125x64xf32, #tpu.memory_space<hbm>>
      %dma_start3A_87 = tpu.memref_squeeze %dma_start3A_86 : memref<1x125x64xf32, #tpu.memory_space<hbm>> -> memref<125x64xf32, #tpu.memory_space<hbm>>
      %dma_start3A_88 = arith.constant 0 : i32
      %dma_start3A_89 = tpu.memref_slice %arg12[%add3A_40, %dma_start3A_88] : memref<10000x64xf32, #tpu.memory_space<vmem_shared>> -> memref<125x64xf32, #tpu.memory_space<vmem_shared>>
      tpu.enqueue_dma source(%dma_start3A_89 : memref<125x64xf32, #tpu.memory_space<vmem_shared>>) target(%dma_start3A_87 : memref<125x64xf32, #tpu.memory_space<hbm>>) target_semaphore(%run_scoped3A : memref<!tpu.dma_semaphore, #tpu.memory_space<semaphore_mem>>)
      %dma_wait3A = arith.constant 0 : i32
      %dma_wait3A_90 = tpu.memref_slice %arg6[%arg0, %add3A_42, %dma_wait3A] : memref<2x10000x64xf32, #tpu.memory_space<hbm>> -> memref<1x125x64xf32, #tpu.memory_space<hbm>>
      %dma_wait3A_91 = tpu.memref_squeeze %dma_wait3A_90 : memref<1x125x64xf32, #tpu.memory_space<hbm>> -> memref<125x64xf32, #tpu.memory_space<hbm>>
      %dma_wait3A_92 = arith.constant 0 : i32
      %dma_wait3A_93 = tpu.memref_slice %arg12[%add3A_40, %dma_wait3A_92] : memref<10000x64xf32, #tpu.memory_space<vmem_shared>> -> memref<125x64xf32, #tpu.memory_space<vmem_shared>>
      tpu.wait_dma2 semaphore(%run_scoped3A : memref<!tpu.dma_semaphore, #tpu.memory_space<semaphore_mem>>) src(%dma_wait3A_93 : memref<125x64xf32, #tpu.memory_space<vmem_shared>>) dst(%dma_wait3A_91 : memref<125x64xf32, #tpu.memory_space<hbm>>)
      tpu.yield
    }) : () -> ()
    %add3A_43 = arith.constant 500 : i32
    %add3A_44 = arith.addi %mul3A_2, %add3A_43 : i32
    %add3A_45 = arith.constant 500 : i32
    %add3A_46 = arith.addi %mul3A_2, %add3A_45 : i32
    "tpu.region"() ({
      %run_scoped3A = tpu.sem_alloc : memref<!tpu.dma_semaphore, #tpu.memory_space<semaphore_mem>>
      %dma_start3A = arith.constant 0 : i32
      %dma_start3A_86 = tpu.memref_slice %arg6[%arg0, %add3A_46, %dma_start3A] : memref<2x10000x64xf32, #tpu.memory_space<hbm>> -> memref<1x125x64xf32, #tpu.memory_space<hbm>>
      %dma_start3A_87 = tpu.memref_squeeze %dma_start3A_86 : memref<1x125x64xf32, #tpu.memory_space<hbm>> -> memref<125x64xf32, #tpu.memory_space<hbm>>
      %dma_start3A_88 = arith.constant 0 : i32
      %dma_start3A_89 = tpu.memref_slice %arg12[%add3A_44, %dma_start3A_88] : memref<10000x64xf32, #tpu.memory_space<vmem_shared>> -> memref<125x64xf32, #tpu.memory_space<vmem_shared>>
      tpu.enqueue_dma source(%dma_start3A_89 : memref<125x64xf32, #tpu.memory_space<vmem_shared>>) target(%dma_start3A_87 : memref<125x64xf32, #tpu.memory_space<hbm>>) target_semaphore(%run_scoped3A : memref<!tpu.dma_semaphore, #tpu.memory_space<semaphore_mem>>)
      %dma_wait3A = arith.constant 0 : i32
      %dma_wait3A_90 = tpu.memref_slice %arg6[%arg0, %add3A_46, %dma_wait3A] : memref<2x10000x64xf32, #tpu.memory_space<hbm>> -> memref<1x125x64xf32, #tpu.memory_space<hbm>>
      %dma_wait3A_91 = tpu.memref_squeeze %dma_wait3A_90 : memref<1x125x64xf32, #tpu.memory_space<hbm>> -> memref<125x64xf32, #tpu.memory_space<hbm>>
      %dma_wait3A_92 = arith.constant 0 : i32
      %dma_wait3A_93 = tpu.memref_slice %arg12[%add3A_44, %dma_wait3A_92] : memref<10000x64xf32, #tpu.memory_space<vmem_shared>> -> memref<125x64xf32, #tpu.memory_space<vmem_shared>>
      tpu.wait_dma2 semaphore(%run_scoped3A : memref<!tpu.dma_semaphore, #tpu.memory_space<semaphore_mem>>) src(%dma_wait3A_93 : memref<125x64xf32, #tpu.memory_space<vmem_shared>>) dst(%dma_wait3A_91 : memref<125x64xf32, #tpu.memory_space<hbm>>)
      tpu.yield
    }) : () -> ()
    %add3A_47 = arith.constant 0 : i32
    %add3A_48 = arith.addi %mul3A_2, %add3A_47 : i32
    "tpu.region"() ({
      %run_scoped3A = tpu.sem_alloc : memref<!tpu.dma_semaphore, #tpu.memory_space<semaphore_mem>>
      %dma_start3A = arith.constant 0 : i32
      %dma_start3A_86 = tpu.memref_slice %arg12[%add3A_48, %dma_start3A] : memref<10000x64xf32, #tpu.memory_space<vmem_shared>> -> memref<125x64xf32, #tpu.memory_space<vmem_shared>>
      %dma_start3A_87 = arith.constant 0 : i32
      %dma_start3A_88 = tpu.memref_slice %arg12[%add3A_48, %dma_start3A_87] : memref<10000x64xf32, #tpu.memory_space<vmem_shared>> -> memref<125x64xf32, #tpu.memory_space<vmem_shared>>
      tpu.enqueue_dma source(%arg11 : memref<125x64xf32, #tpu.memory_space<vmem>>) target(%dma_start3A_88 : memref<125x64xf32, #tpu.memory_space<vmem_shared>>) target_semaphore(%run_scoped3A : memref<!tpu.dma_semaphore, #tpu.memory_space<semaphore_mem>>)
      %dma_wait3A = arith.constant 0 : i32
      %dma_wait3A_89 = tpu.memref_slice %arg12[%add3A_48, %dma_wait3A] : memref<10000x64xf32, #tpu.memory_space<vmem_shared>> -> memref<125x64xf32, #tpu.memory_space<vmem_shared>>
      %dma_wait3A_90 = arith.constant 0 : i32
      %dma_wait3A_91 = tpu.memref_slice %arg12[%add3A_48, %dma_wait3A_90] : memref<10000x64xf32, #tpu.memory_space<vmem_shared>> -> memref<125x64xf32, #tpu.memory_space<vmem_shared>>
      tpu.wait_dma2 semaphore(%run_scoped3A : memref<!tpu.dma_semaphore, #tpu.memory_space<semaphore_mem>>) src(%arg11 : memref<125x64xf32, #tpu.memory_space<vmem>>) dst(%dma_wait3A_91 : memref<125x64xf32, #tpu.memory_space<vmem_shared>>)
      tpu.yield
    }) : () -> ()
    %add3A_49 = arith.constant 125 : i32
    %add3A_50 = arith.addi %mul3A_2, %add3A_49 : i32
    "tpu.region"() ({
      %run_scoped3A = tpu.sem_alloc : memref<!tpu.dma_semaphore, #tpu.memory_space<semaphore_mem>>
      %dma_start3A = arith.constant 0 : i32
      %dma_start3A_86 = tpu.memref_slice %arg12[%add3A_50, %dma_start3A] : memref<10000x64xf32, #tpu.memory_space<vmem_shared>> -> memref<125x64xf32, #tpu.memory_space<vmem_shared>>
      %dma_start3A_87 = arith.constant 0 : i32
      %dma_start3A_88 = tpu.memref_slice %arg12[%add3A_50, %dma_start3A_87] : memref<10000x64xf32, #tpu.memory_space<vmem_shared>> -> memref<125x64xf32, #tpu.memory_space<vmem_shared>>
      tpu.enqueue_dma source(%arg11 : memref<125x64xf32, #tpu.memory_space<vmem>>) target(%dma_start3A_88 : memref<125x64xf32, #tpu.memory_space<vmem_shared>>) target_semaphore(%run_scoped3A : memref<!tpu.dma_semaphore, #tpu.memory_space<semaphore_mem>>)
      %dma_wait3A = arith.constant 0 : i32
      %dma_wait3A_89 = tpu.memref_slice %arg12[%add3A_50, %dma_wait3A] : memref<10000x64xf32, #tpu.memory_space<vmem_shared>> -> memref<125x64xf32, #tpu.memory_space<vmem_shared>>
      %dma_wait3A_90 = arith.constant 0 : i32
      %dma_wait3A_91 = tpu.memref_slice %arg12[%add3A_50, %dma_wait3A_90] : memref<10000x64xf32, #tpu.memory_space<vmem_shared>> -> memref<125x64xf32, #tpu.memory_space<vmem_shared>>
      tpu.wait_dma2 semaphore(%run_scoped3A : memref<!tpu.dma_semaphore, #tpu.memory_space<semaphore_mem>>) src(%arg11 : memref<125x64xf32, #tpu.memory_space<vmem>>) dst(%dma_wait3A_91 : memref<125x64xf32, #tpu.memory_space<vmem_shared>>)
      tpu.yield
    }) : () -> ()
    %add3A_51 = arith.constant 250 : i32
    %add3A_52 = arith.addi %mul3A_2, %add3A_51 : i32
    "tpu.region"() ({
      %run_scoped3A = tpu.sem_alloc : memref<!tpu.dma_semaphore, #tpu.memory_space<semaphore_mem>>
      %dma_start3A = arith.constant 0 : i32
      %dma_start3A_86 = tpu.memref_slice %arg12[%add3A_52, %dma_start3A] : memref<10000x64xf32, #tpu.memory_space<vmem_shared>> -> memref<125x64xf32, #tpu.memory_space<vmem_shared>>
      %dma_start3A_87 = arith.constant 0 : i32
      %dma_start3A_88 = tpu.memref_slice %arg12[%add3A_52, %dma_start3A_87] : memref<10000x64xf32, #tpu.memory_space<vmem_shared>> -> memref<125x64xf32, #tpu.memory_space<vmem_shared>>
      tpu.enqueue_dma source(%arg11 : memref<125x64xf32, #tpu.memory_space<vmem>>) target(%dma_start3A_88 : memref<125x64xf32, #tpu.memory_space<vmem_shared>>) target_semaphore(%run_scoped3A : memref<!tpu.dma_semaphore, #tpu.memory_space<semaphore_mem>>)
      %dma_wait3A = arith.constant 0 : i32
      %dma_wait3A_89 = tpu.memref_slice %arg12[%add3A_52, %dma_wait3A] : memref<10000x64xf32, #tpu.memory_space<vmem_shared>> -> memref<125x64xf32, #tpu.memory_space<vmem_shared>>
      %dma_wait3A_90 = arith.constant 0 : i32
      %dma_wait3A_91 = tpu.memref_slice %arg12[%add3A_52, %dma_wait3A_90] : memref<10000x64xf32, #tpu.memory_space<vmem_shared>> -> memref<125x64xf32, #tpu.memory_space<vmem_shared>>
      tpu.wait_dma2 semaphore(%run_scoped3A : memref<!tpu.dma_semaphore, #tpu.memory_space<semaphore_mem>>) src(%arg11 : memref<125x64xf32, #tpu.memory_space<vmem>>) dst(%dma_wait3A_91 : memref<125x64xf32, #tpu.memory_space<vmem_shared>>)
      tpu.yield
    }) : () -> ()
    %add3A_53 = arith.constant 375 : i32
    %add3A_54 = arith.addi %mul3A_2, %add3A_53 : i32
    "tpu.region"() ({
      %run_scoped3A = tpu.sem_alloc : memref<!tpu.dma_semaphore, #tpu.memory_space<semaphore_mem>>
      %dma_start3A = arith.constant 0 : i32
      %dma_start3A_86 = tpu.memref_slice %arg12[%add3A_54, %dma_start3A] : memref<10000x64xf32, #tpu.memory_space<vmem_shared>> -> memref<125x64xf32, #tpu.memory_space<vmem_shared>>
      %dma_start3A_87 = arith.constant 0 : i32
      %dma_start3A_88 = tpu.memref_slice %arg12[%add3A_54, %dma_start3A_87] : memref<10000x64xf32, #tpu.memory_space<vmem_shared>> -> memref<125x64xf32, #tpu.memory_space<vmem_shared>>
      tpu.enqueue_dma source(%arg11 : memref<125x64xf32, #tpu.memory_space<vmem>>) target(%dma_start3A_88 : memref<125x64xf32, #tpu.memory_space<vmem_shared>>) target_semaphore(%run_scoped3A : memref<!tpu.dma_semaphore, #tpu.memory_space<semaphore_mem>>)
      %dma_wait3A = arith.constant 0 : i32
      %dma_wait3A_89 = tpu.memref_slice %arg12[%add3A_54, %dma_wait3A] : memref<10000x64xf32, #tpu.memory_space<vmem_shared>> -> memref<125x64xf32, #tpu.memory_space<vmem_shared>>
      %dma_wait3A_90 = arith.constant 0 : i32
      %dma_wait3A_91 = tpu.memref_slice %arg12[%add3A_54, %dma_wait3A_90] : memref<10000x64xf32, #tpu.memory_space<vmem_shared>> -> memref<125x64xf32, #tpu.memory_space<vmem_shared>>
      tpu.wait_dma2 semaphore(%run_scoped3A : memref<!tpu.dma_semaphore, #tpu.memory_space<semaphore_mem>>) src(%arg11 : memref<125x64xf32, #tpu.memory_space<vmem>>) dst(%dma_wait3A_91 : memref<125x64xf32, #tpu.memory_space<vmem_shared>>)
      tpu.yield
    }) : () -> ()
    %add3A_55 = arith.constant 500 : i32
    %add3A_56 = arith.addi %mul3A_2, %add3A_55 : i32
    "tpu.region"() ({
      %run_scoped3A = tpu.sem_alloc : memref<!tpu.dma_semaphore, #tpu.memory_space<semaphore_mem>>
      %dma_start3A = arith.constant 0 : i32
      %dma_start3A_86 = tpu.memref_slice %arg12[%add3A_56, %dma_start3A] : memref<10000x64xf32, #tpu.memory_space<vmem_shared>> -> memref<125x64xf32, #tpu.memory_space<vmem_shared>>
      %dma_start3A_87 = arith.constant 0 : i32
      %dma_start3A_88 = tpu.memref_slice %arg12[%add3A_56, %dma_start3A_87] : memref<10000x64xf32, #tpu.memory_space<vmem_shared>> -> memref<125x64xf32, #tpu.memory_space<vmem_shared>>
      tpu.enqueue_dma source(%arg11 : memref<125x64xf32, #tpu.memory_space<vmem>>) target(%dma_start3A_88 : memref<125x64xf32, #tpu.memory_space<vmem_shared>>) target_semaphore(%run_scoped3A : memref<!tpu.dma_semaphore, #tpu.memory_space<semaphore_mem>>)
      %dma_wait3A = arith.constant 0 : i32
      %dma_wait3A_89 = tpu.memref_slice %arg12[%add3A_56, %dma_wait3A] : memref<10000x64xf32, #tpu.memory_space<vmem_shared>> -> memref<125x64xf32, #tpu.memory_space<vmem_shared>>
      %dma_wait3A_90 = arith.constant 0 : i32
      %dma_wait3A_91 = tpu.memref_slice %arg12[%add3A_56, %dma_wait3A_90] : memref<10000x64xf32, #tpu.memory_space<vmem_shared>> -> memref<125x64xf32, #tpu.memory_space<vmem_shared>>
      tpu.wait_dma2 semaphore(%run_scoped3A : memref<!tpu.dma_semaphore, #tpu.memory_space<semaphore_mem>>) src(%arg11 : memref<125x64xf32, #tpu.memory_space<vmem>>) dst(%dma_wait3A_91 : memref<125x64xf32, #tpu.memory_space<vmem_shared>>)
      tpu.yield
    }) : () -> ()
    %barrier3A_57 = arith.constant 0 : index
    tpu.barrier barrier_id(%barrier3A_57)
    %scan3A_58 = arith.constant 0 : i32
    %scan3A_59 = arith.constant 0 : i32
    %scan3A_60 = arith.constant 125 : i32
    %scan3A_61 = arith.addi %scan3A_59, %scan3A_60 : i32
    %scan3A_62 = arith.constant 1 : i32
    %scan3A_63 = scf.for %scan3A_86 = %scan3A_59 to %scan3A_61 step %scan3A_62 iter_args(%scan3A_87 = %scan3A_58) -> (i32)  : i32 {
      %dma_start3A = arith.constant 0 : i32
      %dma_start3A_88 = tpu.memref_slice %arg8[%scan3A_86, %dma_start3A] : memref<125x80xi32, #tpu.memory_space<vmem>> -> memref<1x80xi32, #tpu.memory_space<vmem>>
      %dma_start3A_89 = tpu.memref_squeeze %dma_start3A_88 : memref<1x80xi32, #tpu.memory_space<vmem>> -> memref<80xi32, #tpu.memory_space<vmem>>
      %dma_start3A_90 = arith.constant 0 : i32
      %dma_start3A_91 = arith.constant 0 : i32
      %dma_start3A_92 = tpu.memref_slice %arg3[%dma_start3A_90, %dma_start3A_91] : memref<10000x64xf32, #tpu.memory_space<hbm>> -> memref<10000x64xf32, #tpu.memory_space<hbm>>
      tpu.enqueue_indirect_dma source(%dma_start3A_92 : memref<10000x64xf32, #tpu.memory_space<hbm>>) target(%arg10 : memref<80x64xf32, #tpu.memory_space<vmem>>) offsets(%dma_start3A_89 : memref<80xi32, #tpu.memory_space<vmem>>) semaphore(%arg13 : memref<!tpu.dma_semaphore, #tpu.memory_space<semaphore_mem>>)
      %dma_wait3A = arith.constant 0 : i32
      %dma_wait3A_93 = tpu.memref_slice %arg8[%scan3A_86, %dma_wait3A] : memref<125x80xi32, #tpu.memory_space<vmem>> -> memref<1x80xi32, #tpu.memory_space<vmem>>
      %dma_wait3A_94 = tpu.memref_squeeze %dma_wait3A_93 : memref<1x80xi32, #tpu.memory_space<vmem>> -> memref<80xi32, #tpu.memory_space<vmem>>
      %dma_wait3A_95 = arith.constant 0 : i32
      %dma_wait3A_96 = arith.constant 0 : i32
      %dma_wait3A_97 = tpu.memref_slice %arg3[%dma_wait3A_95, %dma_wait3A_96] : memref<10000x64xf32, #tpu.memory_space<hbm>> -> memref<10000x64xf32, #tpu.memory_space<hbm>>
      tpu.wait_indirect_dma semaphore(%arg13 : memref<!tpu.dma_semaphore, #tpu.memory_space<semaphore_mem>>) src(%dma_wait3A_97 : memref<10000x64xf32, #tpu.memory_space<hbm>>) dst(%arg10 : memref<80x64xf32, #tpu.memory_space<vmem>>)
      "tpu.region"() ({
        %run_scoped3A = tpu.sem_alloc : memref<!tpu.dma_semaphore, #tpu.memory_space<semaphore_mem>>
        %dma_start3A_99 = arith.constant 0 : i32
        %dma_start3A_100 = tpu.memref_slice %arg9[%scan3A_86, %dma_start3A_99] : memref<125x80xi32, #tpu.memory_space<vmem>> -> memref<1x80xi32, #tpu.memory_space<vmem>>
        %dma_start3A_101 = tpu.memref_squeeze %dma_start3A_100 : memref<1x80xi32, #tpu.memory_space<vmem>> -> memref<80xi32, #tpu.memory_space<vmem>>
        %dma_start3A_102 = arith.constant 0 : i32
        %dma_start3A_103 = arith.constant 0 : i32
        %dma_start3A_104 = tpu.memref_slice %arg12[%dma_start3A_102, %dma_start3A_103] : memref<10000x64xf32, #tpu.memory_space<vmem_shared>> -> memref<10000x64xf32, #tpu.memory_space<vmem_shared>>
        tpu.enqueue_indirect_dma source(%arg10 : memref<80x64xf32, #tpu.memory_space<vmem>>) target(%dma_start3A_104 : memref<10000x64xf32, #tpu.memory_space<vmem_shared>>) offsets(%dma_start3A_101 : memref<80xi32, #tpu.memory_space<vmem>>) semaphore(%run_scoped3A : memref<!tpu.dma_semaphore, #tpu.memory_space<semaphore_mem>>) {add = true}
        %dma_wait3A_105 = arith.constant 0 : i32
        %dma_wait3A_106 = tpu.memref_slice %arg9[%scan3A_86, %dma_wait3A_105] : memref<125x80xi32, #tpu.memory_space<vmem>> -> memref<1x80xi32, #tpu.memory_space<vmem>>
        %dma_wait3A_107 = tpu.memref_squeeze %dma_wait3A_106 : memref<1x80xi32, #tpu.memory_space<vmem>> -> memref<80xi32, #tpu.memory_space<vmem>>
        %dma_wait3A_108 = arith.constant 0 : i32
        %dma_wait3A_109 = arith.constant 0 : i32
        %dma_wait3A_110 = tpu.memref_slice %arg12[%dma_wait3A_108, %dma_wait3A_109] : memref<10000x64xf32, #tpu.memory_space<vmem_shared>> -> memref<10000x64xf32, #tpu.memory_space<vmem_shared>>
        tpu.wait_indirect_dma semaphore(%run_scoped3A : memref<!tpu.dma_semaphore, #tpu.memory_space<semaphore_mem>>) src(%arg10 : memref<80x64xf32, #tpu.memory_space<vmem>>) dst(%dma_wait3A_110 : memref<10000x64xf32, #tpu.memory_space<vmem_shared>>)
        tpu.yield
      }) : () -> ()
      %scan3A_98 = arith.constant 0 : i32
      scf.yield %scan3A_98 : i32
    }
    %scan3A_64 = arith.constant 125 : i32
    %barrier3A_65 = arith.constant 0 : index
    tpu.barrier barrier_id(%barrier3A_65)
    %add3A_66 = arith.constant 0 : i32
    %add3A_67 = arith.addi %mul3A_2, %add3A_66 : i32
    %add3A_68 = arith.constant 0 : i32
    %add3A_69 = arith.addi %mul3A_2, %add3A_68 : i32
    "tpu.region"() ({
      %run_scoped3A = tpu.sem_alloc : memref<!tpu.dma_semaphore, #tpu.memory_space<semaphore_mem>>
      %dma_start3A = arith.constant 0 : i32
      %dma_start3A_86 = tpu.memref_slice %arg7[%arg0, %add3A_69, %dma_start3A] : memref<2x10000x64xf32, #tpu.memory_space<hbm>> -> memref<1x125x64xf32, #tpu.memory_space<hbm>>
      %dma_start3A_87 = tpu.memref_squeeze %dma_start3A_86 : memref<1x125x64xf32, #tpu.memory_space<hbm>> -> memref<125x64xf32, #tpu.memory_space<hbm>>
      %dma_start3A_88 = arith.constant 0 : i32
      %dma_start3A_89 = tpu.memref_slice %arg12[%add3A_67, %dma_start3A_88] : memref<10000x64xf32, #tpu.memory_space<vmem_shared>> -> memref<125x64xf32, #tpu.memory_space<vmem_shared>>
      tpu.enqueue_dma source(%dma_start3A_89 : memref<125x64xf32, #tpu.memory_space<vmem_shared>>) target(%dma_start3A_87 : memref<125x64xf32, #tpu.memory_space<hbm>>) target_semaphore(%run_scoped3A : memref<!tpu.dma_semaphore, #tpu.memory_space<semaphore_mem>>)
      %dma_wait3A = arith.constant 0 : i32
      %dma_wait3A_90 = tpu.memref_slice %arg7[%arg0, %add3A_69, %dma_wait3A] : memref<2x10000x64xf32, #tpu.memory_space<hbm>> -> memref<1x125x64xf32, #tpu.memory_space<hbm>>
      %dma_wait3A_91 = tpu.memref_squeeze %dma_wait3A_90 : memref<1x125x64xf32, #tpu.memory_space<hbm>> -> memref<125x64xf32, #tpu.memory_space<hbm>>
      %dma_wait3A_92 = arith.constant 0 : i32
      %dma_wait3A_93 = tpu.memref_slice %arg12[%add3A_67, %dma_wait3A_92] : memref<10000x64xf32, #tpu.memory_space<vmem_shared>> -> memref<125x64xf32, #tpu.memory_space<vmem_shared>>
      tpu.wait_dma2 semaphore(%run_scoped3A : memref<!tpu.dma_semaphore, #tpu.memory_space<semaphore_mem>>) src(%dma_wait3A_93 : memref<125x64xf32, #tpu.memory_space<vmem_shared>>) dst(%dma_wait3A_91 : memref<125x64xf32, #tpu.memory_space<hbm>>)
      tpu.yield
    }) : () -> ()
    %add3A_70 = arith.constant 125 : i32
    %add3A_71 = arith.addi %mul3A_2, %add3A_70 : i32
    %add3A_72 = arith.constant 125 : i32
    %add3A_73 = arith.addi %mul3A_2, %add3A_72 : i32
    "tpu.region"() ({
      %run_scoped3A = tpu.sem_alloc : memref<!tpu.dma_semaphore, #tpu.memory_space<semaphore_mem>>
      %dma_start3A = arith.constant 0 : i32
      %dma_start3A_86 = tpu.memref_slice %arg7[%arg0, %add3A_73, %dma_start3A] : memref<2x10000x64xf32, #tpu.memory_space<hbm>> -> memref<1x125x64xf32, #tpu.memory_space<hbm>>
      %dma_start3A_87 = tpu.memref_squeeze %dma_start3A_86 : memref<1x125x64xf32, #tpu.memory_space<hbm>> -> memref<125x64xf32, #tpu.memory_space<hbm>>
      %dma_start3A_88 = arith.constant 0 : i32
      %dma_start3A_89 = tpu.memref_slice %arg12[%add3A_71, %dma_start3A_88] : memref<10000x64xf32, #tpu.memory_space<vmem_shared>> -> memref<125x64xf32, #tpu.memory_space<vmem_shared>>
      tpu.enqueue_dma source(%dma_start3A_89 : memref<125x64xf32, #tpu.memory_space<vmem_shared>>) target(%dma_start3A_87 : memref<125x64xf32, #tpu.memory_space<hbm>>) target_semaphore(%run_scoped3A : memref<!tpu.dma_semaphore, #tpu.memory_space<semaphore_mem>>)
      %dma_wait3A = arith.constant 0 : i32
      %dma_wait3A_90 = tpu.memref_slice %arg7[%arg0, %add3A_73, %dma_wait3A] : memref<2x10000x64xf32, #tpu.memory_space<hbm>> -> memref<1x125x64xf32, #tpu.memory_space<hbm>>
      %dma_wait3A_91 = tpu.memref_squeeze %dma_wait3A_90 : memref<1x125x64xf32, #tpu.memory_space<hbm>> -> memref<125x64xf32, #tpu.memory_space<hbm>>
      %dma_wait3A_92 = arith.constant 0 : i32
      %dma_wait3A_93 = tpu.memref_slice %arg12[%add3A_71, %dma_wait3A_92] : memref<10000x64xf32, #tpu.memory_space<vmem_shared>> -> memref<125x64xf32, #tpu.memory_space<vmem_shared>>
      tpu.wait_dma2 semaphore(%run_scoped3A : memref<!tpu.dma_semaphore, #tpu.memory_space<semaphore_mem>>) src(%dma_wait3A_93 : memref<125x64xf32, #tpu.memory_space<vmem_shared>>) dst(%dma_wait3A_91 : memref<125x64xf32, #tpu.memory_space<hbm>>)
      tpu.yield
    }) : () -> ()
    %add3A_74 = arith.constant 250 : i32
    %add3A_75 = arith.addi %mul3A_2, %add3A_74 : i32
    %add3A_76 = arith.constant 250 : i32
    %add3A_77 = arith.addi %mul3A_2, %add3A_76 : i32
    "tpu.region"() ({
      %run_scoped3A = tpu.sem_alloc : memref<!tpu.dma_semaphore, #tpu.memory_space<semaphore_mem>>
      %dma_start3A = arith.constant 0 : i32
      %dma_start3A_86 = tpu.memref_slice %arg7[%arg0, %add3A_77, %dma_start3A] : memref<2x10000x64xf32, #tpu.memory_space<hbm>> -> memref<1x125x64xf32, #tpu.memory_space<hbm>>
      %dma_start3A_87 = tpu.memref_squeeze %dma_start3A_86 : memref<1x125x64xf32, #tpu.memory_space<hbm>> -> memref<125x64xf32, #tpu.memory_space<hbm>>
      %dma_start3A_88 = arith.constant 0 : i32
      %dma_start3A_89 = tpu.memref_slice %arg12[%add3A_75, %dma_start3A_88] : memref<10000x64xf32, #tpu.memory_space<vmem_shared>> -> memref<125x64xf32, #tpu.memory_space<vmem_shared>>
      tpu.enqueue_dma source(%dma_start3A_89 : memref<125x64xf32, #tpu.memory_space<vmem_shared>>) target(%dma_start3A_87 : memref<125x64xf32, #tpu.memory_space<hbm>>) target_semaphore(%run_scoped3A : memref<!tpu.dma_semaphore, #tpu.memory_space<semaphore_mem>>)
      %dma_wait3A = arith.constant 0 : i32
      %dma_wait3A_90 = tpu.memref_slice %arg7[%arg0, %add3A_77, %dma_wait3A] : memref<2x10000x64xf32, #tpu.memory_space<hbm>> -> memref<1x125x64xf32, #tpu.memory_space<hbm>>
      %dma_wait3A_91 = tpu.memref_squeeze %dma_wait3A_90 : memref<1x125x64xf32, #tpu.memory_space<hbm>> -> memref<125x64xf32, #tpu.memory_space<hbm>>
      %dma_wait3A_92 = arith.constant 0 : i32
      %dma_wait3A_93 = tpu.memref_slice %arg12[%add3A_75, %dma_wait3A_92] : memref<10000x64xf32, #tpu.memory_space<vmem_shared>> -> memref<125x64xf32, #tpu.memory_space<vmem_shared>>
      tpu.wait_dma2 semaphore(%run_scoped3A : memref<!tpu.dma_semaphore, #tpu.memory_space<semaphore_mem>>) src(%dma_wait3A_93 : memref<125x64xf32, #tpu.memory_space<vmem_shared>>) dst(%dma_wait3A_91 : memref<125x64xf32, #tpu.memory_space<hbm>>)
      tpu.yield
    }) : () -> ()
    %add3A_78 = arith.constant 375 : i32
    %add3A_79 = arith.addi %mul3A_2, %add3A_78 : i32
    %add3A_80 = arith.constant 375 : i32
    %add3A_81 = arith.addi %mul3A_2, %add3A_80 : i32
    "tpu.region"() ({
      %run_scoped3A = tpu.sem_alloc : memref<!tpu.dma_semaphore, #tpu.memory_space<semaphore_mem>>
      %dma_start3A = arith.constant 0 : i32
      %dma_start3A_86 = tpu.memref_slice %arg7[%arg0, %add3A_81, %dma_start3A] : memref<2x10000x64xf32, #tpu.memory_space<hbm>> -> memref<1x125x64xf32, #tpu.memory_space<hbm>>
      %dma_start3A_87 = tpu.memref_squeeze %dma_start3A_86 : memref<1x125x64xf32, #tpu.memory_space<hbm>> -> memref<125x64xf32, #tpu.memory_space<hbm>>
      %dma_start3A_88 = arith.constant 0 : i32
      %dma_start3A_89 = tpu.memref_slice %arg12[%add3A_79, %dma_start3A_88] : memref<10000x64xf32, #tpu.memory_space<vmem_shared>> -> memref<125x64xf32, #tpu.memory_space<vmem_shared>>
      tpu.enqueue_dma source(%dma_start3A_89 : memref<125x64xf32, #tpu.memory_space<vmem_shared>>) target(%dma_start3A_87 : memref<125x64xf32, #tpu.memory_space<hbm>>) target_semaphore(%run_scoped3A : memref<!tpu.dma_semaphore, #tpu.memory_space<semaphore_mem>>)
      %dma_wait3A = arith.constant 0 : i32
      %dma_wait3A_90 = tpu.memref_slice %arg7[%arg0, %add3A_81, %dma_wait3A] : memref<2x10000x64xf32, #tpu.memory_space<hbm>> -> memref<1x125x64xf32, #tpu.memory_space<hbm>>
      %dma_wait3A_91 = tpu.memref_squeeze %dma_wait3A_90 : memref<1x125x64xf32, #tpu.memory_space<hbm>> -> memref<125x64xf32, #tpu.memory_space<hbm>>
      %dma_wait3A_92 = arith.constant 0 : i32
      %dma_wait3A_93 = tpu.memref_slice %arg12[%add3A_79, %dma_wait3A_92] : memref<10000x64xf32, #tpu.memory_space<vmem_shared>> -> memref<125x64xf32, #tpu.memory_space<vmem_shared>>
      tpu.wait_dma2 semaphore(%run_scoped3A : memref<!tpu.dma_semaphore, #tpu.memory_space<semaphore_mem>>) src(%dma_wait3A_93 : memref<125x64xf32, #tpu.memory_space<vmem_shared>>) dst(%dma_wait3A_91 : memref<125x64xf32, #tpu.memory_space<hbm>>)
      tpu.yield
    }) : () -> ()
    %add3A_82 = arith.constant 500 : i32
    %add3A_83 = arith.addi %mul3A_2, %add3A_82 : i32
    %add3A_84 = arith.constant 500 : i32
    %add3A_85 = arith.addi %mul3A_2, %add3A_84 : i32
    "tpu.region"() ({
      %run_scoped3A = tpu.sem_alloc : memref<!tpu.dma_semaphore, #tpu.memory_space<semaphore_mem>>
      %dma_start3A = arith.constant 0 : i32
      %dma_start3A_86 = tpu.memref_slice %arg7[%arg0, %add3A_85, %dma_start3A] : memref<2x10000x64xf32, #tpu.memory_space<hbm>> -> memref<1x125x64xf32, #tpu.memory_space<hbm>>
      %dma_start3A_87 = tpu.memref_squeeze %dma_start3A_86 : memref<1x125x64xf32, #tpu.memory_space<hbm>> -> memref<125x64xf32, #tpu.memory_space<hbm>>
      %dma_start3A_88 = arith.constant 0 : i32
      %dma_start3A_89 = tpu.memref_slice %arg12[%add3A_83, %dma_start3A_88] : memref<10000x64xf32, #tpu.memory_space<vmem_shared>> -> memref<125x64xf32, #tpu.memory_space<vmem_shared>>
      tpu.enqueue_dma source(%dma_start3A_89 : memref<125x64xf32, #tpu.memory_space<vmem_shared>>) target(%dma_start3A_87 : memref<125x64xf32, #tpu.memory_space<hbm>>) target_semaphore(%run_scoped3A : memref<!tpu.dma_semaphore, #tpu.memory_space<semaphore_mem>>)
      %dma_wait3A = arith.constant 0 : i32
      %dma_wait3A_90 = tpu.memref_slice %arg7[%arg0, %add3A_85, %dma_wait3A] : memref<2x10000x64xf32, #tpu.memory_space<hbm>> -> memref<1x125x64xf32, #tpu.memory_space<hbm>>
      %dma_wait3A_91 = tpu.memref_squeeze %dma_wait3A_90 : memref<1x125x64xf32, #tpu.memory_space<hbm>> -> memref<125x64xf32, #tpu.memory_space<hbm>>
      %dma_wait3A_92 = arith.constant 0 : i32
      %dma_wait3A_93 = tpu.memref_slice %arg12[%add3A_83, %dma_wait3A_92] : memref<10000x64xf32, #tpu.memory_space<vmem_shared>> -> memref<125x64xf32, #tpu.memory_space<vmem_shared>>
      tpu.wait_dma2 semaphore(%run_scoped3A : memref<!tpu.dma_semaphore, #tpu.memory_space<semaphore_mem>>) src(%dma_wait3A_93 : memref<125x64xf32, #tpu.memory_space<vmem_shared>>) dst(%dma_wait3A_91 : memref<125x64xf32, #tpu.memory_space<hbm>>)
      tpu.yield
    }) : () -> ()
    return
  }
}

#map = affine_map<(d0, d1) -> (0, 0)>
#map1 = affine_map<(d0, d1) -> (0, 0, 0)>
module attributes {stable_mosaic.version = 14 : i64} {
  func.func @_sc_scatter(%arg0: i32, %arg1: i32, %arg2: memref<10000x64xf32, #tpu.memory_space<hbm>>, %arg3: memref<10000x64xf32, #tpu.memory_space<hbm>>, %arg4: memref<32x125x80xi32, #tpu.memory_space<hbm>>, %arg5: memref<32x125x80xi32, #tpu.memory_space<hbm>>, %arg6: memref<2x10000x64xf32, #tpu.memory_space<hbm>>, %arg7: memref<2x10000x64xf32, #tpu.memory_space<hbm>>, %arg8: memref<125x80xi32, #tpu.memory_space<vmem>>, %arg9: memref<125x80xi32, #tpu.memory_space<vmem>>, %arg10: memref<80x64xf32, #tpu.memory_space<vmem>>, %arg11: memref<125x64xf32, #tpu.memory_space<vmem>>, %arg12: memref<10000x64xf32, #tpu.memory_space<vmem_shared>>, %arg13: memref<!tpu.dma_semaphore, #tpu.memory_space<semaphore_mem>>) attributes {dimension_semantics = [#tpu.dimension_semantics<core_parallel>, #tpu.dimension_semantics<subcore_parallel>], iteration_bounds = array<i64: 2, 16>, scalar_prefetch = 0 : i64, scratch_operands = 6 : i64, tpu.core_type = #tpu.core_type<sc_vector_subcore>, window_params = [{transform_indices = #map}, {transform_indices = #map}, {transform_indices = #map1}, {transform_indices = #map1}, {transform_indices = #map1}, {transform_indices = #map1}]} {
    %mul3A = arith.constant 16 : i32
    %mul3A_0 = arith.muli %arg0, %mul3A : i32
    %add3A = arith.addi %mul3A_0, %arg1 : i32
    %mul3A_1 = arith.constant 625 : i32
    %mul3A_2 = arith.muli %arg1, %mul3A_1 : i32
    %scan3A = arith.constant 0 : i32
    %scan3A_3 = arith.constant 0 : i32
    %scan3A_4 = arith.constant 125 : i32
    %scan3A_5 = arith.addi %scan3A_3, %scan3A_4 : i32
    %scan3A_6 = arith.constant 1 : i32
    %scan3A_7 = scf.for %scan3A_86 = %scan3A_3 to %scan3A_5 step %scan3A_6 iter_args(%scan3A_87 = %scan3A) -> (i32)  : i32 {
      %broadcast_in_dim3A = arith.constant 0.000000e+00 : f32
      %broadcast_in_dim3A_88 = vector.broadcast %broadcast_in_dim3A : f32 to vector<16xf32>
      %swap3A = arith.index_cast %scan3A_86 : i32 to index
      %swap3A_89 = arith.constant 0 : index
      %swap3A_90 = tpu.vector_load %arg11[%swap3A, %swap3A_89] {strides = array<i32>} : memref<125x64xf32, #tpu.memory_space<vmem>>, vector<1x16xf32>,
      %swap3A_91 = vector.shape_cast %swap3A_90 : vector<1x16xf32> to vector<16xf32>
      %swap3A_92 = vector.shape_cast %broadcast_in_dim3A_88 : vector<16xf32> to vector<1x16xf32>
      tpu.vector_store %arg11[%swap3A, %swap3A_89], %swap3A_92 {strides = array<i32>} : memref<125x64xf32, #tpu.memory_space<vmem>>, vector<1x16xf32>,
      %broadcast_in_dim3A_93 = arith.constant 0.000000e+00 : f32
      %broadcast_in_dim3A_94 = vector.broadcast %broadcast_in_dim3A_93 : f32 to vector<16xf32>
      %swap3A_95 = arith.index_cast %scan3A_86 : i32 to index
      %swap3A_96 = arith.constant 16 : index
      %swap3A_97 = tpu.vector_load %arg11[%swap3A_95, %swap3A_96] {strides = array<i32>} : memref<125x64xf32, #tpu.memory_space<vmem>>, vector<1x16xf32>,
      %swap3A_98 = vector.shape_cast %swap3A_97 : vector<1x16xf32> to vector<16xf32>
      %swap3A_99 = vector.shape_cast %broadcast_in_dim3A_94 : vector<16xf32> to vector<1x16xf32>
      tpu.vector_store %arg11[%swap3A_95, %swap3A_96], %swap3A_99 {strides = array<i32>} : memref<125x64xf32, #tpu.memory_space<vmem>>, vector<1x16xf32>,
      %broadcast_in_dim3A_100 = arith.constant 0.000000e+00 : f32
      %broadcast_in_dim3A_101 = vector.broadcast %broadcast_in_dim3A_100 : f32 to vector<16xf32>
      %swap3A_102 = arith.index_cast %scan3A_86 : i32 to index
      %swap3A_103 = arith.constant 32 : index
      %swap3A_104 = tpu.vector_load %arg11[%swap3A_102, %swap3A_103] {strides = array<i32>} : memref<125x64xf32, #tpu.memory_space<vmem>>, vector<1x16xf32>,
      %swap3A_105 = vector.shape_cast %swap3A_104 : vector<1x16xf32> to vector<16xf32>
      %swap3A_106 = vector.shape_cast %broadcast_in_dim3A_101 : vector<16xf32> to vector<1x16xf32>
      tpu.vector_store %arg11[%swap3A_102, %swap3A_103], %swap3A_106 {strides = array<i32>} : memref<125x64xf32, #tpu.memory_space<vmem>>, vector<1x16xf32>,
      %broadcast_in_dim3A_107 = arith.constant 0.000000e+00 : f32
      %broadcast_in_dim3A_108 = vector.broadcast %broadcast_in_dim3A_107 : f32 to vector<16xf32>
      %swap3A_109 = arith.index_cast %scan3A_86 : i32 to index
      %swap3A_110 = arith.constant 48 : index
      %swap3A_111 = tpu.vector_load %arg11[%swap3A_109, %swap3A_110] {strides = array<i32>} : memref<125x64xf32, #tpu.memory_space<vmem>>, vector<1x16xf32>,
      %swap3A_112 = vector.shape_cast %swap3A_111 : vector<1x16xf32> to vector<16xf32>
      %swap3A_113 = vector.shape_cast %broadcast_in_dim3A_108 : vector<16xf32> to vector<1x16xf32>
      tpu.vector_store %arg11[%swap3A_109, %swap3A_110], %swap3A_113 {strides = array<i32>} : memref<125x64xf32, #tpu.memory_space<vmem>>, vector<1x16xf32>,
      %scan3A_114 = arith.constant 0 : i32
      scf.yield %scan3A_114 : i32
    }
    %scan3A_8 = arith.constant 125 : i32
    %add3A_9 = arith.constant 0 : i32
    %add3A_10 = arith.addi %mul3A_2, %add3A_9 : i32
    "tpu.region"() ({
      %run_scoped3A = tpu.sem_alloc : memref<!tpu.dma_semaphore, #tpu.memory_space<semaphore_mem>>
      %dma_start3A = arith.constant 0 : i32
      %dma_start3A_86 = tpu.memref_slice %arg12[%add3A_10, %dma_start3A] : memref<10000x64xf32, #tpu.memory_space<vmem_shared>> -> memref<125x64xf32, #tpu.memory_space<vmem_shared>>
      %dma_start3A_87 = arith.constant 0 : i32
      %dma_start3A_88 = tpu.memref_slice %arg12[%add3A_10, %dma_start3A_87] : memref<10000x64xf32, #tpu.memory_space<vmem_shared>> -> memref<125x64xf32, #tpu.memory_space<vmem_shared>>
      tpu.enqueue_dma source(%arg11 : memref<125x64xf32, #tpu.memory_space<vmem>>) target(%dma_start3A_88 : memref<125x64xf32, #tpu.memory_space<vmem_shared>>) target_semaphore(%run_scoped3A : memref<!tpu.dma_semaphore, #tpu.memory_space<semaphore_mem>>)
      %dma_wait3A = arith.constant 0 : i32
      %dma_wait3A_89 = tpu.memref_slice %arg12[%add3A_10, %dma_wait3A] : memref<10000x64xf32, #tpu.memory_space<vmem_shared>> -> memref<125x64xf32, #tpu.memory_space<vmem_shared>>
      %dma_wait3A_90 = arith.constant 0 : i32
      %dma_wait3A_91 = tpu.memref_slice %arg12[%add3A_10, %dma_wait3A_90] : memref<10000x64xf32, #tpu.memory_space<vmem_shared>> -> memref<125x64xf32, #tpu.memory_space<vmem_shared>>
      tpu.wait_dma2 semaphore(%run_scoped3A : memref<!tpu.dma_semaphore, #tpu.memory_space<semaphore_mem>>) src(%arg11 : memref<125x64xf32, #tpu.memory_space<vmem>>) dst(%dma_wait3A_91 : memref<125x64xf32, #tpu.memory_space<vmem_shared>>)
      tpu.yield
    }) : () -> ()
    %add3A_11 = arith.constant 125 : i32
    %add3A_12 = arith.addi %mul3A_2, %add3A_11 : i32
    "tpu.region"() ({
      %run_scoped3A = tpu.sem_alloc : memref<!tpu.dma_semaphore, #tpu.memory_space<semaphore_mem>>
      %dma_start3A = arith.constant 0 : i32
      %dma_start3A_86 = tpu.memref_slice %arg12[%add3A_12, %dma_start3A] : memref<10000x64xf32, #tpu.memory_space<vmem_shared>> -> memref<125x64xf32, #tpu.memory_space<vmem_shared>>
      %dma_start3A_87 = arith.constant 0 : i32
      %dma_start3A_88 = tpu.memref_slice %arg12[%add3A_12, %dma_start3A_87] : memref<10000x64xf32, #tpu.memory_space<vmem_shared>> -> memref<125x64xf32, #tpu.memory_space<vmem_shared>>
      tpu.enqueue_dma source(%arg11 : memref<125x64xf32, #tpu.memory_space<vmem>>) target(%dma_start3A_88 : memref<125x64xf32, #tpu.memory_space<vmem_shared>>) target_semaphore(%run_scoped3A : memref<!tpu.dma_semaphore, #tpu.memory_space<semaphore_mem>>)
      %dma_wait3A = arith.constant 0 : i32
      %dma_wait3A_89 = tpu.memref_slice %arg12[%add3A_12, %dma_wait3A] : memref<10000x64xf32, #tpu.memory_space<vmem_shared>> -> memref<125x64xf32, #tpu.memory_space<vmem_shared>>
      %dma_wait3A_90 = arith.constant 0 : i32
      %dma_wait3A_91 = tpu.memref_slice %arg12[%add3A_12, %dma_wait3A_90] : memref<10000x64xf32, #tpu.memory_space<vmem_shared>> -> memref<125x64xf32, #tpu.memory_space<vmem_shared>>
      tpu.wait_dma2 semaphore(%run_scoped3A : memref<!tpu.dma_semaphore, #tpu.memory_space<semaphore_mem>>) src(%arg11 : memref<125x64xf32, #tpu.memory_space<vmem>>) dst(%dma_wait3A_91 : memref<125x64xf32, #tpu.memory_space<vmem_shared>>)
      tpu.yield
    }) : () -> ()
    %add3A_13 = arith.constant 250 : i32
    %add3A_14 = arith.addi %mul3A_2, %add3A_13 : i32
    "tpu.region"() ({
      %run_scoped3A = tpu.sem_alloc : memref<!tpu.dma_semaphore, #tpu.memory_space<semaphore_mem>>
      %dma_start3A = arith.constant 0 : i32
      %dma_start3A_86 = tpu.memref_slice %arg12[%add3A_14, %dma_start3A] : memref<10000x64xf32, #tpu.memory_space<vmem_shared>> -> memref<125x64xf32, #tpu.memory_space<vmem_shared>>
      %dma_start3A_87 = arith.constant 0 : i32
      %dma_start3A_88 = tpu.memref_slice %arg12[%add3A_14, %dma_start3A_87] : memref<10000x64xf32, #tpu.memory_space<vmem_shared>> -> memref<125x64xf32, #tpu.memory_space<vmem_shared>>
      tpu.enqueue_dma source(%arg11 : memref<125x64xf32, #tpu.memory_space<vmem>>) target(%dma_start3A_88 : memref<125x64xf32, #tpu.memory_space<vmem_shared>>) target_semaphore(%run_scoped3A : memref<!tpu.dma_semaphore, #tpu.memory_space<semaphore_mem>>)
      %dma_wait3A = arith.constant 0 : i32
      %dma_wait3A_89 = tpu.memref_slice %arg12[%add3A_14, %dma_wait3A] : memref<10000x64xf32, #tpu.memory_space<vmem_shared>> -> memref<125x64xf32, #tpu.memory_space<vmem_shared>>
      %dma_wait3A_90 = arith.constant 0 : i32
      %dma_wait3A_91 = tpu.memref_slice %arg12[%add3A_14, %dma_wait3A_90] : memref<10000x64xf32, #tpu.memory_space<vmem_shared>> -> memref<125x64xf32, #tpu.memory_space<vmem_shared>>
      tpu.wait_dma2 semaphore(%run_scoped3A : memref<!tpu.dma_semaphore, #tpu.memory_space<semaphore_mem>>) src(%arg11 : memref<125x64xf32, #tpu.memory_space<vmem>>) dst(%dma_wait3A_91 : memref<125x64xf32, #tpu.memory_space<vmem_shared>>)
      tpu.yield
    }) : () -> ()
    %add3A_15 = arith.constant 375 : i32
    %add3A_16 = arith.addi %mul3A_2, %add3A_15 : i32
    "tpu.region"() ({
      %run_scoped3A = tpu.sem_alloc : memref<!tpu.dma_semaphore, #tpu.memory_space<semaphore_mem>>
      %dma_start3A = arith.constant 0 : i32
      %dma_start3A_86 = tpu.memref_slice %arg12[%add3A_16, %dma_start3A] : memref<10000x64xf32, #tpu.memory_space<vmem_shared>> -> memref<125x64xf32, #tpu.memory_space<vmem_shared>>
      %dma_start3A_87 = arith.constant 0 : i32
      %dma_start3A_88 = tpu.memref_slice %arg12[%add3A_16, %dma_start3A_87] : memref<10000x64xf32, #tpu.memory_space<vmem_shared>> -> memref<125x64xf32, #tpu.memory_space<vmem_shared>>
      tpu.enqueue_dma source(%arg11 : memref<125x64xf32, #tpu.memory_space<vmem>>) target(%dma_start3A_88 : memref<125x64xf32, #tpu.memory_space<vmem_shared>>) target_semaphore(%run_scoped3A : memref<!tpu.dma_semaphore, #tpu.memory_space<semaphore_mem>>)
      %dma_wait3A = arith.constant 0 : i32
      %dma_wait3A_89 = tpu.memref_slice %arg12[%add3A_16, %dma_wait3A] : memref<10000x64xf32, #tpu.memory_space<vmem_shared>> -> memref<125x64xf32, #tpu.memory_space<vmem_shared>>
      %dma_wait3A_90 = arith.constant 0 : i32
      %dma_wait3A_91 = tpu.memref_slice %arg12[%add3A_16, %dma_wait3A_90] : memref<10000x64xf32, #tpu.memory_space<vmem_shared>> -> memref<125x64xf32, #tpu.memory_space<vmem_shared>>
      tpu.wait_dma2 semaphore(%run_scoped3A : memref<!tpu.dma_semaphore, #tpu.memory_space<semaphore_mem>>) src(%arg11 : memref<125x64xf32, #tpu.memory_space<vmem>>) dst(%dma_wait3A_91 : memref<125x64xf32, #tpu.memory_space<vmem_shared>>)
      tpu.yield
    }) : () -> ()
    %add3A_17 = arith.constant 500 : i32
    %add3A_18 = arith.addi %mul3A_2, %add3A_17 : i32
    "tpu.region"() ({
      %run_scoped3A = tpu.sem_alloc : memref<!tpu.dma_semaphore, #tpu.memory_space<semaphore_mem>>
      %dma_start3A = arith.constant 0 : i32
      %dma_start3A_86 = tpu.memref_slice %arg12[%add3A_18, %dma_start3A] : memref<10000x64xf32, #tpu.memory_space<vmem_shared>> -> memref<125x64xf32, #tpu.memory_space<vmem_shared>>
      %dma_start3A_87 = arith.constant 0 : i32
      %dma_start3A_88 = tpu.memref_slice %arg12[%add3A_18, %dma_start3A_87] : memref<10000x64xf32, #tpu.memory_space<vmem_shared>> -> memref<125x64xf32, #tpu.memory_space<vmem_shared>>
      tpu.enqueue_dma source(%arg11 : memref<125x64xf32, #tpu.memory_space<vmem>>) target(%dma_start3A_88 : memref<125x64xf32, #tpu.memory_space<vmem_shared>>) target_semaphore(%run_scoped3A : memref<!tpu.dma_semaphore, #tpu.memory_space<semaphore_mem>>)
      %dma_wait3A = arith.constant 0 : i32
      %dma_wait3A_89 = tpu.memref_slice %arg12[%add3A_18, %dma_wait3A] : memref<10000x64xf32, #tpu.memory_space<vmem_shared>> -> memref<125x64xf32, #tpu.memory_space<vmem_shared>>
      %dma_wait3A_90 = arith.constant 0 : i32
      %dma_wait3A_91 = tpu.memref_slice %arg12[%add3A_18, %dma_wait3A_90] : memref<10000x64xf32, #tpu.memory_space<vmem_shared>> -> memref<125x64xf32, #tpu.memory_space<vmem_shared>>
      tpu.wait_dma2 semaphore(%run_scoped3A : memref<!tpu.dma_semaphore, #tpu.memory_space<semaphore_mem>>) src(%arg11 : memref<125x64xf32, #tpu.memory_space<vmem>>) dst(%dma_wait3A_91 : memref<125x64xf32, #tpu.memory_space<vmem_shared>>)
      tpu.yield
    }) : () -> ()
    "tpu.region"() ({
      %run_scoped3A = tpu.sem_alloc : memref<!tpu.dma_semaphore, #tpu.memory_space<semaphore_mem>>
      %dma_start3A = arith.constant 0 : i32
      %dma_start3A_86 = arith.constant 0 : i32
      %dma_start3A_87 = tpu.memref_slice %arg4[%add3A, %dma_start3A, %dma_start3A_86] : memref<32x125x80xi32, #tpu.memory_space<hbm>> -> memref<1x125x80xi32, #tpu.memory_space<hbm>>
      %dma_start3A_88 = tpu.memref_squeeze %dma_start3A_87 : memref<1x125x80xi32, #tpu.memory_space<hbm>> -> memref<125x80xi32, #tpu.memory_space<hbm>>
      %dma_start3A_89 = arith.constant 0 : i32
      %dma_start3A_90 = arith.constant 0 : i32
      %dma_start3A_91 = tpu.memref_slice %arg4[%add3A, %dma_start3A_89, %dma_start3A_90] : memref<32x125x80xi32, #tpu.memory_space<hbm>> -> memref<1x125x80xi32, #tpu.memory_space<hbm>>
      %dma_start3A_92 = tpu.memref_squeeze %dma_start3A_91 : memref<1x125x80xi32, #tpu.memory_space<hbm>> -> memref<125x80xi32, #tpu.memory_space<hbm>>
      tpu.enqueue_dma source(%dma_start3A_92 : memref<125x80xi32, #tpu.memory_space<hbm>>) target(%arg8 : memref<125x80xi32, #tpu.memory_space<vmem>>) target_semaphore(%run_scoped3A : memref<!tpu.dma_semaphore, #tpu.memory_space<semaphore_mem>>)
      %dma_wait3A = arith.constant 0 : i32
      %dma_wait3A_93 = arith.constant 0 : i32
      %dma_wait3A_94 = tpu.memref_slice %arg4[%add3A, %dma_wait3A, %dma_wait3A_93] : memref<32x125x80xi32, #tpu.memory_space<hbm>> -> memref<1x125x80xi32, #tpu.memory_space<hbm>>
      %dma_wait3A_95 = tpu.memref_squeeze %dma_wait3A_94 : memref<1x125x80xi32, #tpu.memory_space<hbm>> -> memref<125x80xi32, #tpu.memory_space<hbm>>
      %dma_wait3A_96 = arith.constant 0 : i32
      %dma_wait3A_97 = arith.constant 0 : i32
      %dma_wait3A_98 = tpu.memref_slice %arg4[%add3A, %dma_wait3A_96, %dma_wait3A_97] : memref<32x125x80xi32, #tpu.memory_space<hbm>> -> memref<1x125x80xi32, #tpu.memory_space<hbm>>
      %dma_wait3A_99 = tpu.memref_squeeze %dma_wait3A_98 : memref<1x125x80xi32, #tpu.memory_space<hbm>> -> memref<125x80xi32, #tpu.memory_space<hbm>>
      tpu.wait_dma2 semaphore(%run_scoped3A : memref<!tpu.dma_semaphore, #tpu.memory_space<semaphore_mem>>) src(%dma_wait3A_99 : memref<125x80xi32, #tpu.memory_space<hbm>>) dst(%arg8 : memref<125x80xi32, #tpu.memory_space<vmem>>)
      tpu.yield
    }) : () -> ()
    "tpu.region"() ({
      %run_scoped3A = tpu.sem_alloc : memref<!tpu.dma_semaphore, #tpu.memory_space<semaphore_mem>>
      %dma_start3A = arith.constant 0 : i32
      %dma_start3A_86 = arith.constant 0 : i32
      %dma_start3A_87 = tpu.memref_slice %arg5[%add3A, %dma_start3A, %dma_start3A_86] : memref<32x125x80xi32, #tpu.memory_space<hbm>> -> memref<1x125x80xi32, #tpu.memory_space<hbm>>
      %dma_start3A_88 = tpu.memref_squeeze %dma_start3A_87 : memref<1x125x80xi32, #tpu.memory_space<hbm>> -> memref<125x80xi32, #tpu.memory_space<hbm>>
      %dma_start3A_89 = arith.constant 0 : i32
      %dma_start3A_90 = arith.constant 0 : i32
      %dma_start3A_91 = tpu.memref_slice %arg5[%add3A, %dma_start3A_89, %dma_start3A_90] : memref<32x125x80xi32, #tpu.memory_space<hbm>> -> memref<1x125x80xi32, #tpu.memory_space<hbm>>
      %dma_start3A_92 = tpu.memref_squeeze %dma_start3A_91 : memref<1x125x80xi32, #tpu.memory_space<hbm>> -> memref<125x80xi32, #tpu.memory_space<hbm>>
      tpu.enqueue_dma source(%dma_start3A_92 : memref<125x80xi32, #tpu.memory_space<hbm>>) target(%arg9 : memref<125x80xi32, #tpu.memory_space<vmem>>) target_semaphore(%run_scoped3A : memref<!tpu.dma_semaphore, #tpu.memory_space<semaphore_mem>>)
      %dma_wait3A = arith.constant 0 : i32
      %dma_wait3A_93 = arith.constant 0 : i32
      %dma_wait3A_94 = tpu.memref_slice %arg5[%add3A, %dma_wait3A, %dma_wait3A_93] : memref<32x125x80xi32, #tpu.memory_space<hbm>> -> memref<1x125x80xi32, #tpu.memory_space<hbm>>
      %dma_wait3A_95 = tpu.memref_squeeze %dma_wait3A_94 : memref<1x125x80xi32, #tpu.memory_space<hbm>> -> memref<125x80xi32, #tpu.memory_space<hbm>>
      %dma_wait3A_96 = arith.constant 0 : i32
      %dma_wait3A_97 = arith.constant 0 : i32
      %dma_wait3A_98 = tpu.memref_slice %arg5[%add3A, %dma_wait3A_96, %dma_wait3A_97] : memref<32x125x80xi32, #tpu.memory_space<hbm>> -> memref<1x125x80xi32, #tpu.memory_space<hbm>>
      %dma_wait3A_99 = tpu.memref_squeeze %dma_wait3A_98 : memref<1x125x80xi32, #tpu.memory_space<hbm>> -> memref<125x80xi32, #tpu.memory_space<hbm>>
      tpu.wait_dma2 semaphore(%run_scoped3A : memref<!tpu.dma_semaphore, #tpu.memory_space<semaphore_mem>>) src(%dma_wait3A_99 : memref<125x80xi32, #tpu.memory_space<hbm>>) dst(%arg9 : memref<125x80xi32, #tpu.memory_space<vmem>>)
      tpu.yield
    }) : () -> ()
    %barrier3A = arith.constant 0 : index
    tpu.barrier barrier_id(%barrier3A)
    %scan3A_19 = arith.constant 0 : i32
    %scan3A_20 = arith.constant 0 : i32
    %scan3A_21 = arith.constant 125 : i32
    %scan3A_22 = arith.addi %scan3A_20, %scan3A_21 : i32
    %scan3A_23 = arith.constant 1 : i32
    %scan3A_24 = scf.for %scan3A_86 = %scan3A_20 to %scan3A_22 step %scan3A_23 iter_args(%scan3A_87 = %scan3A_19) -> (i32)  : i32 {
      %dma_start3A = arith.constant 0 : i32
      %dma_start3A_88 = tpu.memref_slice %arg8[%scan3A_86, %dma_start3A] : memref<125x80xi32, #tpu.memory_space<vmem>> -> memref<1x80xi32, #tpu.memory_space<vmem>>
      %dma_start3A_89 = tpu.memref_squeeze %dma_start3A_88 : memref<1x80xi32, #tpu.memory_space<vmem>> -> memref<80xi32, #tpu.memory_space<vmem>>
      %dma_start3A_90 = arith.constant 0 : i32
      %dma_start3A_91 = arith.constant 0 : i32
      %dma_start3A_92 = tpu.memref_slice %arg2[%dma_start3A_90, %dma_start3A_91] : memref<10000x64xf32, #tpu.memory_space<hbm>> -> memref<10000x64xf32, #tpu.memory_space<hbm>>
      tpu.enqueue_indirect_dma source(%dma_start3A_92 : memref<10000x64xf32, #tpu.memory_space<hbm>>) target(%arg10 : memref<80x64xf32, #tpu.memory_space<vmem>>) offsets(%dma_start3A_89 : memref<80xi32, #tpu.memory_space<vmem>>) semaphore(%arg13 : memref<!tpu.dma_semaphore, #tpu.memory_space<semaphore_mem>>)
      %dma_wait3A = arith.constant 0 : i32
      %dma_wait3A_93 = tpu.memref_slice %arg8[%scan3A_86, %dma_wait3A] : memref<125x80xi32, #tpu.memory_space<vmem>> -> memref<1x80xi32, #tpu.memory_space<vmem>>
      %dma_wait3A_94 = tpu.memref_squeeze %dma_wait3A_93 : memref<1x80xi32, #tpu.memory_space<vmem>> -> memref<80xi32, #tpu.memory_space<vmem>>
      %dma_wait3A_95 = arith.constant 0 : i32
      %dma_wait3A_96 = arith.constant 0 : i32
      %dma_wait3A_97 = tpu.memref_slice %arg2[%dma_wait3A_95, %dma_wait3A_96] : memref<10000x64xf32, #tpu.memory_space<hbm>> -> memref<10000x64xf32, #tpu.memory_space<hbm>>
      tpu.wait_indirect_dma semaphore(%arg13 : memref<!tpu.dma_semaphore, #tpu.memory_space<semaphore_mem>>) src(%dma_wait3A_97 : memref<10000x64xf32, #tpu.memory_space<hbm>>) dst(%arg10 : memref<80x64xf32, #tpu.memory_space<vmem>>)
      "tpu.region"() ({
        %run_scoped3A = tpu.sem_alloc : memref<!tpu.dma_semaphore, #tpu.memory_space<semaphore_mem>>
        %dma_start3A_99 = arith.constant 0 : i32
        %dma_start3A_100 = tpu.memref_slice %arg9[%scan3A_86, %dma_start3A_99] : memref<125x80xi32, #tpu.memory_space<vmem>> -> memref<1x80xi32, #tpu.memory_space<vmem>>
        %dma_start3A_101 = tpu.memref_squeeze %dma_start3A_100 : memref<1x80xi32, #tpu.memory_space<vmem>> -> memref<80xi32, #tpu.memory_space<vmem>>
        %dma_start3A_102 = arith.constant 0 : i32
        %dma_start3A_103 = arith.constant 0 : i32
        %dma_start3A_104 = tpu.memref_slice %arg12[%dma_start3A_102, %dma_start3A_103] : memref<10000x64xf32, #tpu.memory_space<vmem_shared>> -> memref<10000x64xf32, #tpu.memory_space<vmem_shared>>
        tpu.enqueue_indirect_dma source(%arg10 : memref<80x64xf32, #tpu.memory_space<vmem>>) target(%dma_start3A_104 : memref<10000x64xf32, #tpu.memory_space<vmem_shared>>) offsets(%dma_start3A_101 : memref<80xi32, #tpu.memory_space<vmem>>) semaphore(%run_scoped3A : memref<!tpu.dma_semaphore, #tpu.memory_space<semaphore_mem>>) {add = true}
        %dma_wait3A_105 = arith.constant 0 : i32
        %dma_wait3A_106 = tpu.memref_slice %arg9[%scan3A_86, %dma_wait3A_105] : memref<125x80xi32, #tpu.memory_space<vmem>> -> memref<1x80xi32, #tpu.memory_space<vmem>>
        %dma_wait3A_107 = tpu.memref_squeeze %dma_wait3A_106 : memref<1x80xi32, #tpu.memory_space<vmem>> -> memref<80xi32, #tpu.memory_space<vmem>>
        %dma_wait3A_108 = arith.constant 0 : i32
        %dma_wait3A_109 = arith.constant 0 : i32
        %dma_wait3A_110 = tpu.memref_slice %arg12[%dma_wait3A_108, %dma_wait3A_109] : memref<10000x64xf32, #tpu.memory_space<vmem_shared>> -> memref<10000x64xf32, #tpu.memory_space<vmem_shared>>
        tpu.wait_indirect_dma semaphore(%run_scoped3A : memref<!tpu.dma_semaphore, #tpu.memory_space<semaphore_mem>>) src(%arg10 : memref<80x64xf32, #tpu.memory_space<vmem>>) dst(%dma_wait3A_110 : memref<10000x64xf32, #tpu.memory_space<vmem_shared>>)
        tpu.yield
      }) : () -> ()
      %scan3A_98 = arith.constant 0 : i32
      scf.yield %scan3A_98 : i32
    }
    %scan3A_25 = arith.constant 125 : i32
    %barrier3A_26 = arith.constant 0 : index
    tpu.barrier barrier_id(%barrier3A_26)
    %add3A_27 = arith.constant 0 : i32
    %add3A_28 = arith.addi %mul3A_2, %add3A_27 : i32
    %add3A_29 = arith.constant 0 : i32
    %add3A_30 = arith.addi %mul3A_2, %add3A_29 : i32
    "tpu.region"() ({
      %run_scoped3A = tpu.sem_alloc : memref<!tpu.dma_semaphore, #tpu.memory_space<semaphore_mem>>
      %dma_start3A = arith.constant 0 : i32
      %dma_start3A_86 = tpu.memref_slice %arg6[%arg0, %add3A_30, %dma_start3A] : memref<2x10000x64xf32, #tpu.memory_space<hbm>> -> memref<1x125x64xf32, #tpu.memory_space<hbm>>
      %dma_start3A_87 = tpu.memref_squeeze %dma_start3A_86 : memref<1x125x64xf32, #tpu.memory_space<hbm>> -> memref<125x64xf32, #tpu.memory_space<hbm>>
      %dma_start3A_88 = arith.constant 0 : i32
      %dma_start3A_89 = tpu.memref_slice %arg12[%add3A_28, %dma_start3A_88] : memref<10000x64xf32, #tpu.memory_space<vmem_shared>> -> memref<125x64xf32, #tpu.memory_space<vmem_shared>>
      tpu.enqueue_dma source(%dma_start3A_89 : memref<125x64xf32, #tpu.memory_space<vmem_shared>>) target(%dma_start3A_87 : memref<125x64xf32, #tpu.memory_space<hbm>>) target_semaphore(%run_scoped3A : memref<!tpu.dma_semaphore, #tpu.memory_space<semaphore_mem>>)
      %dma_wait3A = arith.constant 0 : i32
      %dma_wait3A_90 = tpu.memref_slice %arg6[%arg0, %add3A_30, %dma_wait3A] : memref<2x10000x64xf32, #tpu.memory_space<hbm>> -> memref<1x125x64xf32, #tpu.memory_space<hbm>>
      %dma_wait3A_91 = tpu.memref_squeeze %dma_wait3A_90 : memref<1x125x64xf32, #tpu.memory_space<hbm>> -> memref<125x64xf32, #tpu.memory_space<hbm>>
      %dma_wait3A_92 = arith.constant 0 : i32
      %dma_wait3A_93 = tpu.memref_slice %arg12[%add3A_28, %dma_wait3A_92] : memref<10000x64xf32, #tpu.memory_space<vmem_shared>> -> memref<125x64xf32, #tpu.memory_space<vmem_shared>>
      tpu.wait_dma2 semaphore(%run_scoped3A : memref<!tpu.dma_semaphore, #tpu.memory_space<semaphore_mem>>) src(%dma_wait3A_93 : memref<125x64xf32, #tpu.memory_space<vmem_shared>>) dst(%dma_wait3A_91 : memref<125x64xf32, #tpu.memory_space<hbm>>)
      tpu.yield
    }) : () -> ()
    %add3A_31 = arith.constant 125 : i32
    %add3A_32 = arith.addi %mul3A_2, %add3A_31 : i32
    %add3A_33 = arith.constant 125 : i32
    %add3A_34 = arith.addi %mul3A_2, %add3A_33 : i32
    "tpu.region"() ({
      %run_scoped3A = tpu.sem_alloc : memref<!tpu.dma_semaphore, #tpu.memory_space<semaphore_mem>>
      %dma_start3A = arith.constant 0 : i32
      %dma_start3A_86 = tpu.memref_slice %arg6[%arg0, %add3A_34, %dma_start3A] : memref<2x10000x64xf32, #tpu.memory_space<hbm>> -> memref<1x125x64xf32, #tpu.memory_space<hbm>>
      %dma_start3A_87 = tpu.memref_squeeze %dma_start3A_86 : memref<1x125x64xf32, #tpu.memory_space<hbm>> -> memref<125x64xf32, #tpu.memory_space<hbm>>
      %dma_start3A_88 = arith.constant 0 : i32
      %dma_start3A_89 = tpu.memref_slice %arg12[%add3A_32, %dma_start3A_88] : memref<10000x64xf32, #tpu.memory_space<vmem_shared>> -> memref<125x64xf32, #tpu.memory_space<vmem_shared>>
      tpu.enqueue_dma source(%dma_start3A_89 : memref<125x64xf32, #tpu.memory_space<vmem_shared>>) target(%dma_start3A_87 : memref<125x64xf32, #tpu.memory_space<hbm>>) target_semaphore(%run_scoped3A : memref<!tpu.dma_semaphore, #tpu.memory_space<semaphore_mem>>)
      %dma_wait3A = arith.constant 0 : i32
      %dma_wait3A_90 = tpu.memref_slice %arg6[%arg0, %add3A_34, %dma_wait3A] : memref<2x10000x64xf32, #tpu.memory_space<hbm>> -> memref<1x125x64xf32, #tpu.memory_space<hbm>>
      %dma_wait3A_91 = tpu.memref_squeeze %dma_wait3A_90 : memref<1x125x64xf32, #tpu.memory_space<hbm>> -> memref<125x64xf32, #tpu.memory_space<hbm>>
      %dma_wait3A_92 = arith.constant 0 : i32
      %dma_wait3A_93 = tpu.memref_slice %arg12[%add3A_32, %dma_wait3A_92] : memref<10000x64xf32, #tpu.memory_space<vmem_shared>> -> memref<125x64xf32, #tpu.memory_space<vmem_shared>>
      tpu.wait_dma2 semaphore(%run_scoped3A : memref<!tpu.dma_semaphore, #tpu.memory_space<semaphore_mem>>) src(%dma_wait3A_93 : memref<125x64xf32, #tpu.memory_space<vmem_shared>>) dst(%dma_wait3A_91 : memref<125x64xf32, #tpu.memory_space<hbm>>)
      tpu.yield
    }) : () -> ()
    %add3A_35 = arith.constant 250 : i32
    %add3A_36 = arith.addi %mul3A_2, %add3A_35 : i32
    %add3A_37 = arith.constant 250 : i32
    %add3A_38 = arith.addi %mul3A_2, %add3A_37 : i32
    "tpu.region"() ({
      %run_scoped3A = tpu.sem_alloc : memref<!tpu.dma_semaphore, #tpu.memory_space<semaphore_mem>>
      %dma_start3A = arith.constant 0 : i32
      %dma_start3A_86 = tpu.memref_slice %arg6[%arg0, %add3A_38, %dma_start3A] : memref<2x10000x64xf32, #tpu.memory_space<hbm>> -> memref<1x125x64xf32, #tpu.memory_space<hbm>>
      %dma_start3A_87 = tpu.memref_squeeze %dma_start3A_86 : memref<1x125x64xf32, #tpu.memory_space<hbm>> -> memref<125x64xf32, #tpu.memory_space<hbm>>
      %dma_start3A_88 = arith.constant 0 : i32
      %dma_start3A_89 = tpu.memref_slice %arg12[%add3A_36, %dma_start3A_88] : memref<10000x64xf32, #tpu.memory_space<vmem_shared>> -> memref<125x64xf32, #tpu.memory_space<vmem_shared>>
      tpu.enqueue_dma source(%dma_start3A_89 : memref<125x64xf32, #tpu.memory_space<vmem_shared>>) target(%dma_start3A_87 : memref<125x64xf32, #tpu.memory_space<hbm>>) target_semaphore(%run_scoped3A : memref<!tpu.dma_semaphore, #tpu.memory_space<semaphore_mem>>)
      %dma_wait3A = arith.constant 0 : i32
      %dma_wait3A_90 = tpu.memref_slice %arg6[%arg0, %add3A_38, %dma_wait3A] : memref<2x10000x64xf32, #tpu.memory_space<hbm>> -> memref<1x125x64xf32, #tpu.memory_space<hbm>>
      %dma_wait3A_91 = tpu.memref_squeeze %dma_wait3A_90 : memref<1x125x64xf32, #tpu.memory_space<hbm>> -> memref<125x64xf32, #tpu.memory_space<hbm>>
      %dma_wait3A_92 = arith.constant 0 : i32
      %dma_wait3A_93 = tpu.memref_slice %arg12[%add3A_36, %dma_wait3A_92] : memref<10000x64xf32, #tpu.memory_space<vmem_shared>> -> memref<125x64xf32, #tpu.memory_space<vmem_shared>>
      tpu.wait_dma2 semaphore(%run_scoped3A : memref<!tpu.dma_semaphore, #tpu.memory_space<semaphore_mem>>) src(%dma_wait3A_93 : memref<125x64xf32, #tpu.memory_space<vmem_shared>>) dst(%dma_wait3A_91 : memref<125x64xf32, #tpu.memory_space<hbm>>)
      tpu.yield
    }) : () -> ()
    %add3A_39 = arith.constant 375 : i32
    %add3A_40 = arith.addi %mul3A_2, %add3A_39 : i32
    %add3A_41 = arith.constant 375 : i32
    %add3A_42 = arith.addi %mul3A_2, %add3A_41 : i32
    "tpu.region"() ({
      %run_scoped3A = tpu.sem_alloc : memref<!tpu.dma_semaphore, #tpu.memory_space<semaphore_mem>>
      %dma_start3A = arith.constant 0 : i32
      %dma_start3A_86 = tpu.memref_slice %arg6[%arg0, %add3A_42, %dma_start3A] : memref<2x10000x64xf32, #tpu.memory_space<hbm>> -> memref<1x125x64xf32, #tpu.memory_space<hbm>>
      %dma_start3A_87 = tpu.memref_squeeze %dma_start3A_86 : memref<1x125x64xf32, #tpu.memory_space<hbm>> -> memref<125x64xf32, #tpu.memory_space<hbm>>
      %dma_start3A_88 = arith.constant 0 : i32
      %dma_start3A_89 = tpu.memref_slice %arg12[%add3A_40, %dma_start3A_88] : memref<10000x64xf32, #tpu.memory_space<vmem_shared>> -> memref<125x64xf32, #tpu.memory_space<vmem_shared>>
      tpu.enqueue_dma source(%dma_start3A_89 : memref<125x64xf32, #tpu.memory_space<vmem_shared>>) target(%dma_start3A_87 : memref<125x64xf32, #tpu.memory_space<hbm>>) target_semaphore(%run_scoped3A : memref<!tpu.dma_semaphore, #tpu.memory_space<semaphore_mem>>)
      %dma_wait3A = arith.constant 0 : i32
      %dma_wait3A_90 = tpu.memref_slice %arg6[%arg0, %add3A_42, %dma_wait3A] : memref<2x10000x64xf32, #tpu.memory_space<hbm>> -> memref<1x125x64xf32, #tpu.memory_space<hbm>>
      %dma_wait3A_91 = tpu.memref_squeeze %dma_wait3A_90 : memref<1x125x64xf32, #tpu.memory_space<hbm>> -> memref<125x64xf32, #tpu.memory_space<hbm>>
      %dma_wait3A_92 = arith.constant 0 : i32
      %dma_wait3A_93 = tpu.memref_slice %arg12[%add3A_40, %dma_wait3A_92] : memref<10000x64xf32, #tpu.memory_space<vmem_shared>> -> memref<125x64xf32, #tpu.memory_space<vmem_shared>>
      tpu.wait_dma2 semaphore(%run_scoped3A : memref<!tpu.dma_semaphore, #tpu.memory_space<semaphore_mem>>) src(%dma_wait3A_93 : memref<125x64xf32, #tpu.memory_space<vmem_shared>>) dst(%dma_wait3A_91 : memref<125x64xf32, #tpu.memory_space<hbm>>)
      tpu.yield
    }) : () -> ()
    %add3A_43 = arith.constant 500 : i32
    %add3A_44 = arith.addi %mul3A_2, %add3A_43 : i32
    %add3A_45 = arith.constant 500 : i32
    %add3A_46 = arith.addi %mul3A_2, %add3A_45 : i32
    "tpu.region"() ({
      %run_scoped3A = tpu.sem_alloc : memref<!tpu.dma_semaphore, #tpu.memory_space<semaphore_mem>>
      %dma_start3A = arith.constant 0 : i32
      %dma_start3A_86 = tpu.memref_slice %arg6[%arg0, %add3A_46, %dma_start3A] : memref<2x10000x64xf32, #tpu.memory_space<hbm>> -> memref<1x125x64xf32, #tpu.memory_space<hbm>>
      %dma_start3A_87 = tpu.memref_squeeze %dma_start3A_86 : memref<1x125x64xf32, #tpu.memory_space<hbm>> -> memref<125x64xf32, #tpu.memory_space<hbm>>
      %dma_start3A_88 = arith.constant 0 : i32
      %dma_start3A_89 = tpu.memref_slice %arg12[%add3A_44, %dma_start3A_88] : memref<10000x64xf32, #tpu.memory_space<vmem_shared>> -> memref<125x64xf32, #tpu.memory_space<vmem_shared>>
      tpu.enqueue_dma source(%dma_start3A_89 : memref<125x64xf32, #tpu.memory_space<vmem_shared>>) target(%dma_start3A_87 : memref<125x64xf32, #tpu.memory_space<hbm>>) target_semaphore(%run_scoped3A : memref<!tpu.dma_semaphore, #tpu.memory_space<semaphore_mem>>)
      %dma_wait3A = arith.constant 0 : i32
      %dma_wait3A_90 = tpu.memref_slice %arg6[%arg0, %add3A_46, %dma_wait3A] : memref<2x10000x64xf32, #tpu.memory_space<hbm>> -> memref<1x125x64xf32, #tpu.memory_space<hbm>>
      %dma_wait3A_91 = tpu.memref_squeeze %dma_wait3A_90 : memref<1x125x64xf32, #tpu.memory_space<hbm>> -> memref<125x64xf32, #tpu.memory_space<hbm>>
      %dma_wait3A_92 = arith.constant 0 : i32
      %dma_wait3A_93 = tpu.memref_slice %arg12[%add3A_44, %dma_wait3A_92] : memref<10000x64xf32, #tpu.memory_space<vmem_shared>> -> memref<125x64xf32, #tpu.memory_space<vmem_shared>>
      tpu.wait_dma2 semaphore(%run_scoped3A : memref<!tpu.dma_semaphore, #tpu.memory_space<semaphore_mem>>) src(%dma_wait3A_93 : memref<125x64xf32, #tpu.memory_space<vmem_shared>>) dst(%dma_wait3A_91 : memref<125x64xf32, #tpu.memory_space<hbm>>)
      tpu.yield
    }) : () -> ()
    %add3A_47 = arith.constant 0 : i32
    %add3A_48 = arith.addi %mul3A_2, %add3A_47 : i32
    "tpu.region"() ({
      %run_scoped3A = tpu.sem_alloc : memref<!tpu.dma_semaphore, #tpu.memory_space<semaphore_mem>>
      %dma_start3A = arith.constant 0 : i32
      %dma_start3A_86 = tpu.memref_slice %arg12[%add3A_48, %dma_start3A] : memref<10000x64xf32, #tpu.memory_space<vmem_shared>> -> memref<125x64xf32, #tpu.memory_space<vmem_shared>>
      %dma_start3A_87 = arith.constant 0 : i32
      %dma_start3A_88 = tpu.memref_slice %arg12[%add3A_48, %dma_start3A_87] : memref<10000x64xf32, #tpu.memory_space<vmem_shared>> -> memref<125x64xf32, #tpu.memory_space<vmem_shared>>
      tpu.enqueue_dma source(%arg11 : memref<125x64xf32, #tpu.memory_space<vmem>>) target(%dma_start3A_88 : memref<125x64xf32, #tpu.memory_space<vmem_shared>>) target_semaphore(%run_scoped3A : memref<!tpu.dma_semaphore, #tpu.memory_space<semaphore_mem>>)
      %dma_wait3A = arith.constant 0 : i32
      %dma_wait3A_89 = tpu.memref_slice %arg12[%add3A_48, %dma_wait3A] : memref<10000x64xf32, #tpu.memory_space<vmem_shared>> -> memref<125x64xf32, #tpu.memory_space<vmem_shared>>
      %dma_wait3A_90 = arith.constant 0 : i32
      %dma_wait3A_91 = tpu.memref_slice %arg12[%add3A_48, %dma_wait3A_90] : memref<10000x64xf32, #tpu.memory_space<vmem_shared>> -> memref<125x64xf32, #tpu.memory_space<vmem_shared>>
      tpu.wait_dma2 semaphore(%run_scoped3A : memref<!tpu.dma_semaphore, #tpu.memory_space<semaphore_mem>>) src(%arg11 : memref<125x64xf32, #tpu.memory_space<vmem>>) dst(%dma_wait3A_91 : memref<125x64xf32, #tpu.memory_space<vmem_shared>>)
      tpu.yield
    }) : () -> ()
    %add3A_49 = arith.constant 125 : i32
    %add3A_50 = arith.addi %mul3A_2, %add3A_49 : i32
    "tpu.region"() ({
      %run_scoped3A = tpu.sem_alloc : memref<!tpu.dma_semaphore, #tpu.memory_space<semaphore_mem>>
      %dma_start3A = arith.constant 0 : i32
      %dma_start3A_86 = tpu.memref_slice %arg12[%add3A_50, %dma_start3A] : memref<10000x64xf32, #tpu.memory_space<vmem_shared>> -> memref<125x64xf32, #tpu.memory_space<vmem_shared>>
      %dma_start3A_87 = arith.constant 0 : i32
      %dma_start3A_88 = tpu.memref_slice %arg12[%add3A_50, %dma_start3A_87] : memref<10000x64xf32, #tpu.memory_space<vmem_shared>> -> memref<125x64xf32, #tpu.memory_space<vmem_shared>>
      tpu.enqueue_dma source(%arg11 : memref<125x64xf32, #tpu.memory_space<vmem>>) target(%dma_start3A_88 : memref<125x64xf32, #tpu.memory_space<vmem_shared>>) target_semaphore(%run_scoped3A : memref<!tpu.dma_semaphore, #tpu.memory_space<semaphore_mem>>)
      %dma_wait3A = arith.constant 0 : i32
      %dma_wait3A_89 = tpu.memref_slice %arg12[%add3A_50, %dma_wait3A] : memref<10000x64xf32, #tpu.memory_space<vmem_shared>> -> memref<125x64xf32, #tpu.memory_space<vmem_shared>>
      %dma_wait3A_90 = arith.constant 0 : i32
      %dma_wait3A_91 = tpu.memref_slice %arg12[%add3A_50, %dma_wait3A_90] : memref<10000x64xf32, #tpu.memory_space<vmem_shared>> -> memref<125x64xf32, #tpu.memory_space<vmem_shared>>
      tpu.wait_dma2 semaphore(%run_scoped3A : memref<!tpu.dma_semaphore, #tpu.memory_space<semaphore_mem>>) src(%arg11 : memref<125x64xf32, #tpu.memory_space<vmem>>) dst(%dma_wait3A_91 : memref<125x64xf32, #tpu.memory_space<vmem_shared>>)
      tpu.yield
    }) : () -> ()
    %add3A_51 = arith.constant 250 : i32
    %add3A_52 = arith.addi %mul3A_2, %add3A_51 : i32
    "tpu.region"() ({
      %run_scoped3A = tpu.sem_alloc : memref<!tpu.dma_semaphore, #tpu.memory_space<semaphore_mem>>
      %dma_start3A = arith.constant 0 : i32
      %dma_start3A_86 = tpu.memref_slice %arg12[%add3A_52, %dma_start3A] : memref<10000x64xf32, #tpu.memory_space<vmem_shared>> -> memref<125x64xf32, #tpu.memory_space<vmem_shared>>
      %dma_start3A_87 = arith.constant 0 : i32
      %dma_start3A_88 = tpu.memref_slice %arg12[%add3A_52, %dma_start3A_87] : memref<10000x64xf32, #tpu.memory_space<vmem_shared>> -> memref<125x64xf32, #tpu.memory_space<vmem_shared>>
      tpu.enqueue_dma source(%arg11 : memref<125x64xf32, #tpu.memory_space<vmem>>) target(%dma_start3A_88 : memref<125x64xf32, #tpu.memory_space<vmem_shared>>) target_semaphore(%run_scoped3A : memref<!tpu.dma_semaphore, #tpu.memory_space<semaphore_mem>>)
      %dma_wait3A = arith.constant 0 : i32
      %dma_wait3A_89 = tpu.memref_slice %arg12[%add3A_52, %dma_wait3A] : memref<10000x64xf32, #tpu.memory_space<vmem_shared>> -> memref<125x64xf32, #tpu.memory_space<vmem_shared>>
      %dma_wait3A_90 = arith.constant 0 : i32
      %dma_wait3A_91 = tpu.memref_slice %arg12[%add3A_52, %dma_wait3A_90] : memref<10000x64xf32, #tpu.memory_space<vmem_shared>> -> memref<125x64xf32, #tpu.memory_space<vmem_shared>>
      tpu.wait_dma2 semaphore(%run_scoped3A : memref<!tpu.dma_semaphore, #tpu.memory_space<semaphore_mem>>) src(%arg11 : memref<125x64xf32, #tpu.memory_space<vmem>>) dst(%dma_wait3A_91 : memref<125x64xf32, #tpu.memory_space<vmem_shared>>)
      tpu.yield
    }) : () -> ()
    %add3A_53 = arith.constant 375 : i32
    %add3A_54 = arith.addi %mul3A_2, %add3A_53 : i32
    "tpu.region"() ({
      %run_scoped3A = tpu.sem_alloc : memref<!tpu.dma_semaphore, #tpu.memory_space<semaphore_mem>>
      %dma_start3A = arith.constant 0 : i32
      %dma_start3A_86 = tpu.memref_slice %arg12[%add3A_54, %dma_start3A] : memref<10000x64xf32, #tpu.memory_space<vmem_shared>> -> memref<125x64xf32, #tpu.memory_space<vmem_shared>>
      %dma_start3A_87 = arith.constant 0 : i32
      %dma_start3A_88 = tpu.memref_slice %arg12[%add3A_54, %dma_start3A_87] : memref<10000x64xf32, #tpu.memory_space<vmem_shared>> -> memref<125x64xf32, #tpu.memory_space<vmem_shared>>
      tpu.enqueue_dma source(%arg11 : memref<125x64xf32, #tpu.memory_space<vmem>>) target(%dma_start3A_88 : memref<125x64xf32, #tpu.memory_space<vmem_shared>>) target_semaphore(%run_scoped3A : memref<!tpu.dma_semaphore, #tpu.memory_space<semaphore_mem>>)
      %dma_wait3A = arith.constant 0 : i32
      %dma_wait3A_89 = tpu.memref_slice %arg12[%add3A_54, %dma_wait3A] : memref<10000x64xf32, #tpu.memory_space<vmem_shared>> -> memref<125x64xf32, #tpu.memory_space<vmem_shared>>
      %dma_wait3A_90 = arith.constant 0 : i32
      %dma_wait3A_91 = tpu.memref_slice %arg12[%add3A_54, %dma_wait3A_90] : memref<10000x64xf32, #tpu.memory_space<vmem_shared>> -> memref<125x64xf32, #tpu.memory_space<vmem_shared>>
      tpu.wait_dma2 semaphore(%run_scoped3A : memref<!tpu.dma_semaphore, #tpu.memory_space<semaphore_mem>>) src(%arg11 : memref<125x64xf32, #tpu.memory_space<vmem>>) dst(%dma_wait3A_91 : memref<125x64xf32, #tpu.memory_space<vmem_shared>>)
      tpu.yield
    }) : () -> ()
    %add3A_55 = arith.constant 500 : i32
    %add3A_56 = arith.addi %mul3A_2, %add3A_55 : i32
    "tpu.region"() ({
      %run_scoped3A = tpu.sem_alloc : memref<!tpu.dma_semaphore, #tpu.memory_space<semaphore_mem>>
      %dma_start3A = arith.constant 0 : i32
      %dma_start3A_86 = tpu.memref_slice %arg12[%add3A_56, %dma_start3A] : memref<10000x64xf32, #tpu.memory_space<vmem_shared>> -> memref<125x64xf32, #tpu.memory_space<vmem_shared>>
      %dma_start3A_87 = arith.constant 0 : i32
      %dma_start3A_88 = tpu.memref_slice %arg12[%add3A_56, %dma_start3A_87] : memref<10000x64xf32, #tpu.memory_space<vmem_shared>> -> memref<125x64xf32, #tpu.memory_space<vmem_shared>>
      tpu.enqueue_dma source(%arg11 : memref<125x64xf32, #tpu.memory_space<vmem>>) target(%dma_start3A_88 : memref<125x64xf32, #tpu.memory_space<vmem_shared>>) target_semaphore(%run_scoped3A : memref<!tpu.dma_semaphore, #tpu.memory_space<semaphore_mem>>)
      %dma_wait3A = arith.constant 0 : i32
      %dma_wait3A_89 = tpu.memref_slice %arg12[%add3A_56, %dma_wait3A] : memref<10000x64xf32, #tpu.memory_space<vmem_shared>> -> memref<125x64xf32, #tpu.memory_space<vmem_shared>>
      %dma_wait3A_90 = arith.constant 0 : i32
      %dma_wait3A_91 = tpu.memref_slice %arg12[%add3A_56, %dma_wait3A_90] : memref<10000x64xf32, #tpu.memory_space<vmem_shared>> -> memref<125x64xf32, #tpu.memory_space<vmem_shared>>
      tpu.wait_dma2 semaphore(%run_scoped3A : memref<!tpu.dma_semaphore, #tpu.memory_space<semaphore_mem>>) src(%arg11 : memref<125x64xf32, #tpu.memory_space<vmem>>) dst(%dma_wait3A_91 : memref<125x64xf32, #tpu.memory_space<vmem_shared>>)
      tpu.yield
    }) : () -> ()
    %barrier3A_57 = arith.constant 0 : index
    tpu.barrier barrier_id(%barrier3A_57)
    %scan3A_58 = arith.constant 0 : i32
    %scan3A_59 = arith.constant 0 : i32
    %scan3A_60 = arith.constant 125 : i32
    %scan3A_61 = arith.addi %scan3A_59, %scan3A_60 : i32
    %scan3A_62 = arith.constant 1 : i32
    %scan3A_63 = scf.for %scan3A_86 = %scan3A_59 to %scan3A_61 step %scan3A_62 iter_args(%scan3A_87 = %scan3A_58) -> (i32)  : i32 {
      %dma_start3A = arith.constant 0 : i32
      %dma_start3A_88 = tpu.memref_slice %arg8[%scan3A_86, %dma_start3A] : memref<125x80xi32, #tpu.memory_space<vmem>> -> memref<1x80xi32, #tpu.memory_space<vmem>>
      %dma_start3A_89 = tpu.memref_squeeze %dma_start3A_88 : memref<1x80xi32, #tpu.memory_space<vmem>> -> memref<80xi32, #tpu.memory_space<vmem>>
      %dma_start3A_90 = arith.constant 0 : i32
      %dma_start3A_91 = arith.constant 0 : i32
      %dma_start3A_92 = tpu.memref_slice %arg3[%dma_start3A_90, %dma_start3A_91] : memref<10000x64xf32, #tpu.memory_space<hbm>> -> memref<10000x64xf32, #tpu.memory_space<hbm>>
      tpu.enqueue_indirect_dma source(%dma_start3A_92 : memref<10000x64xf32, #tpu.memory_space<hbm>>) target(%arg10 : memref<80x64xf32, #tpu.memory_space<vmem>>) offsets(%dma_start3A_89 : memref<80xi32, #tpu.memory_space<vmem>>) semaphore(%arg13 : memref<!tpu.dma_semaphore, #tpu.memory_space<semaphore_mem>>)
      %dma_wait3A = arith.constant 0 : i32
      %dma_wait3A_93 = tpu.memref_slice %arg8[%scan3A_86, %dma_wait3A] : memref<125x80xi32, #tpu.memory_space<vmem>> -> memref<1x80xi32, #tpu.memory_space<vmem>>
      %dma_wait3A_94 = tpu.memref_squeeze %dma_wait3A_93 : memref<1x80xi32, #tpu.memory_space<vmem>> -> memref<80xi32, #tpu.memory_space<vmem>>
      %dma_wait3A_95 = arith.constant 0 : i32
      %dma_wait3A_96 = arith.constant 0 : i32
      %dma_wait3A_97 = tpu.memref_slice %arg3[%dma_wait3A_95, %dma_wait3A_96] : memref<10000x64xf32, #tpu.memory_space<hbm>> -> memref<10000x64xf32, #tpu.memory_space<hbm>>
      tpu.wait_indirect_dma semaphore(%arg13 : memref<!tpu.dma_semaphore, #tpu.memory_space<semaphore_mem>>) src(%dma_wait3A_97 : memref<10000x64xf32, #tpu.memory_space<hbm>>) dst(%arg10 : memref<80x64xf32, #tpu.memory_space<vmem>>)
      "tpu.region"() ({
        %run_scoped3A = tpu.sem_alloc : memref<!tpu.dma_semaphore, #tpu.memory_space<semaphore_mem>>
        %dma_start3A_99 = arith.constant 0 : i32
        %dma_start3A_100 = tpu.memref_slice %arg9[%scan3A_86, %dma_start3A_99] : memref<125x80xi32, #tpu.memory_space<vmem>> -> memref<1x80xi32, #tpu.memory_space<vmem>>
        %dma_start3A_101 = tpu.memref_squeeze %dma_start3A_100 : memref<1x80xi32, #tpu.memory_space<vmem>> -> memref<80xi32, #tpu.memory_space<vmem>>
        %dma_start3A_102 = arith.constant 0 : i32
        %dma_start3A_103 = arith.constant 0 : i32
        %dma_start3A_104 = tpu.memref_slice %arg12[%dma_start3A_102, %dma_start3A_103] : memref<10000x64xf32, #tpu.memory_space<vmem_shared>> -> memref<10000x64xf32, #tpu.memory_space<vmem_shared>>
        tpu.enqueue_indirect_dma source(%arg10 : memref<80x64xf32, #tpu.memory_space<vmem>>) target(%dma_start3A_104 : memref<10000x64xf32, #tpu.memory_space<vmem_shared>>) offsets(%dma_start3A_101 : memref<80xi32, #tpu.memory_space<vmem>>) semaphore(%run_scoped3A : memref<!tpu.dma_semaphore, #tpu.memory_space<semaphore_mem>>) {add = true}
        %dma_wait3A_105 = arith.constant 0 : i32
        %dma_wait3A_106 = tpu.memref_slice %arg9[%scan3A_86, %dma_wait3A_105] : memref<125x80xi32, #tpu.memory_space<vmem>> -> memref<1x80xi32, #tpu.memory_space<vmem>>
        %dma_wait3A_107 = tpu.memref_squeeze %dma_wait3A_106 : memref<1x80xi32, #tpu.memory_space<vmem>> -> memref<80xi32, #tpu.memory_space<vmem>>
        %dma_wait3A_108 = arith.constant 0 : i32
        %dma_wait3A_109 = arith.constant 0 : i32
        %dma_wait3A_110 = tpu.memref_slice %arg12[%dma_wait3A_108, %dma_wait3A_109] : memref<10000x64xf32, #tpu.memory_space<vmem_shared>> -> memref<10000x64xf32, #tpu.memory_space<vmem_shared>>
        tpu.wait_indirect_dma semaphore(%run_scoped3A : memref<!tpu.dma_semaphore, #tpu.memory_space<semaphore_mem>>) src(%arg10 : memref<80x64xf32, #tpu.memory_space<vmem>>) dst(%dma_wait3A_110 : memref<10000x64xf32, #tpu.memory_space<vmem_shared>>)
        tpu.yield
      }) : () -> ()
      %scan3A_98 = arith.constant 0 : i32
      scf.yield %scan3A_98 : i32
    }
    %scan3A_64 = arith.constant 125 : i32
    %barrier3A_65 = arith.constant 0 : index
    tpu.barrier barrier_id(%barrier3A_65)
    %add3A_66 = arith.constant 0 : i32
    %add3A_67 = arith.addi %mul3A_2, %add3A_66 : i32
    %add3A_68 = arith.constant 0 : i32
    %add3A_69 = arith.addi %mul3A_2, %add3A_68 : i32
    "tpu.region"() ({
      %run_scoped3A = tpu.sem_alloc : memref<!tpu.dma_semaphore, #tpu.memory_space<semaphore_mem>>
      %dma_start3A = arith.constant 0 : i32
      %dma_start3A_86 = tpu.memref_slice %arg7[%arg0, %add3A_69, %dma_start3A] : memref<2x10000x64xf32, #tpu.memory_space<hbm>> -> memref<1x125x64xf32, #tpu.memory_space<hbm>>
      %dma_start3A_87 = tpu.memref_squeeze %dma_start3A_86 : memref<1x125x64xf32, #tpu.memory_space<hbm>> -> memref<125x64xf32, #tpu.memory_space<hbm>>
      %dma_start3A_88 = arith.constant 0 : i32
      %dma_start3A_89 = tpu.memref_slice %arg12[%add3A_67, %dma_start3A_88] : memref<10000x64xf32, #tpu.memory_space<vmem_shared>> -> memref<125x64xf32, #tpu.memory_space<vmem_shared>>
      tpu.enqueue_dma source(%dma_start3A_89 : memref<125x64xf32, #tpu.memory_space<vmem_shared>>) target(%dma_start3A_87 : memref<125x64xf32, #tpu.memory_space<hbm>>) target_semaphore(%run_scoped3A : memref<!tpu.dma_semaphore, #tpu.memory_space<semaphore_mem>>)
      %dma_wait3A = arith.constant 0 : i32
      %dma_wait3A_90 = tpu.memref_slice %arg7[%arg0, %add3A_69, %dma_wait3A] : memref<2x10000x64xf32, #tpu.memory_space<hbm>> -> memref<1x125x64xf32, #tpu.memory_space<hbm>>
      %dma_wait3A_91 = tpu.memref_squeeze %dma_wait3A_90 : memref<1x125x64xf32, #tpu.memory_space<hbm>> -> memref<125x64xf32, #tpu.memory_space<hbm>>
      %dma_wait3A_92 = arith.constant 0 : i32
      %dma_wait3A_93 = tpu.memref_slice %arg12[%add3A_67, %dma_wait3A_92] : memref<10000x64xf32, #tpu.memory_space<vmem_shared>> -> memref<125x64xf32, #tpu.memory_space<vmem_shared>>
      tpu.wait_dma2 semaphore(%run_scoped3A : memref<!tpu.dma_semaphore, #tpu.memory_space<semaphore_mem>>) src(%dma_wait3A_93 : memref<125x64xf32, #tpu.memory_space<vmem_shared>>) dst(%dma_wait3A_91 : memref<125x64xf32, #tpu.memory_space<hbm>>)
      tpu.yield
    }) : () -> ()
    %add3A_70 = arith.constant 125 : i32
    %add3A_71 = arith.addi %mul3A_2, %add3A_70 : i32
    %add3A_72 = arith.constant 125 : i32
    %add3A_73 = arith.addi %mul3A_2, %add3A_72 : i32
    "tpu.region"() ({
      %run_scoped3A = tpu.sem_alloc : memref<!tpu.dma_semaphore, #tpu.memory_space<semaphore_mem>>
      %dma_start3A = arith.constant 0 : i32
      %dma_start3A_86 = tpu.memref_slice %arg7[%arg0, %add3A_73, %dma_start3A] : memref<2x10000x64xf32, #tpu.memory_space<hbm>> -> memref<1x125x64xf32, #tpu.memory_space<hbm>>
      %dma_start3A_87 = tpu.memref_squeeze %dma_start3A_86 : memref<1x125x64xf32, #tpu.memory_space<hbm>> -> memref<125x64xf32, #tpu.memory_space<hbm>>
      %dma_start3A_88 = arith.constant 0 : i32
      %dma_start3A_89 = tpu.memref_slice %arg12[%add3A_71, %dma_start3A_88] : memref<10000x64xf32, #tpu.memory_space<vmem_shared>> -> memref<125x64xf32, #tpu.memory_space<vmem_shared>>
      tpu.enqueue_dma source(%dma_start3A_89 : memref<125x64xf32, #tpu.memory_space<vmem_shared>>) target(%dma_start3A_87 : memref<125x64xf32, #tpu.memory_space<hbm>>) target_semaphore(%run_scoped3A : memref<!tpu.dma_semaphore, #tpu.memory_space<semaphore_mem>>)
      %dma_wait3A = arith.constant 0 : i32
      %dma_wait3A_90 = tpu.memref_slice %arg7[%arg0, %add3A_73, %dma_wait3A] : memref<2x10000x64xf32, #tpu.memory_space<hbm>> -> memref<1x125x64xf32, #tpu.memory_space<hbm>>
      %dma_wait3A_91 = tpu.memref_squeeze %dma_wait3A_90 : memref<1x125x64xf32, #tpu.memory_space<hbm>> -> memref<125x64xf32, #tpu.memory_space<hbm>>
      %dma_wait3A_92 = arith.constant 0 : i32
      %dma_wait3A_93 = tpu.memref_slice %arg12[%add3A_71, %dma_wait3A_92] : memref<10000x64xf32, #tpu.memory_space<vmem_shared>> -> memref<125x64xf32, #tpu.memory_space<vmem_shared>>
      tpu.wait_dma2 semaphore(%run_scoped3A : memref<!tpu.dma_semaphore, #tpu.memory_space<semaphore_mem>>) src(%dma_wait3A_93 : memref<125x64xf32, #tpu.memory_space<vmem_shared>>) dst(%dma_wait3A_91 : memref<125x64xf32, #tpu.memory_space<hbm>>)
      tpu.yield
    }) : () -> ()
    %add3A_74 = arith.constant 250 : i32
    %add3A_75 = arith.addi %mul3A_2, %add3A_74 : i32
    %add3A_76 = arith.constant 250 : i32
    %add3A_77 = arith.addi %mul3A_2, %add3A_76 : i32
    "tpu.region"() ({
      %run_scoped3A = tpu.sem_alloc : memref<!tpu.dma_semaphore, #tpu.memory_space<semaphore_mem>>
      %dma_start3A = arith.constant 0 : i32
      %dma_start3A_86 = tpu.memref_slice %arg7[%arg0, %add3A_77, %dma_start3A] : memref<2x10000x64xf32, #tpu.memory_space<hbm>> -> memref<1x125x64xf32, #tpu.memory_space<hbm>>
      %dma_start3A_87 = tpu.memref_squeeze %dma_start3A_86 : memref<1x125x64xf32, #tpu.memory_space<hbm>> -> memref<125x64xf32, #tpu.memory_space<hbm>>
      %dma_start3A_88 = arith.constant 0 : i32
      %dma_start3A_89 = tpu.memref_slice %arg12[%add3A_75, %dma_start3A_88] : memref<10000x64xf32, #tpu.memory_space<vmem_shared>> -> memref<125x64xf32, #tpu.memory_space<vmem_shared>>
      tpu.enqueue_dma source(%dma_start3A_89 : memref<125x64xf32, #tpu.memory_space<vmem_shared>>) target(%dma_start3A_87 : memref<125x64xf32, #tpu.memory_space<hbm>>) target_semaphore(%run_scoped3A : memref<!tpu.dma_semaphore, #tpu.memory_space<semaphore_mem>>)
      %dma_wait3A = arith.constant 0 : i32
      %dma_wait3A_90 = tpu.memref_slice %arg7[%arg0, %add3A_77, %dma_wait3A] : memref<2x10000x64xf32, #tpu.memory_space<hbm>> -> memref<1x125x64xf32, #tpu.memory_space<hbm>>
      %dma_wait3A_91 = tpu.memref_squeeze %dma_wait3A_90 : memref<1x125x64xf32, #tpu.memory_space<hbm>> -> memref<125x64xf32, #tpu.memory_space<hbm>>
      %dma_wait3A_92 = arith.constant 0 : i32
      %dma_wait3A_93 = tpu.memref_slice %arg12[%add3A_75, %dma_wait3A_92] : memref<10000x64xf32, #tpu.memory_space<vmem_shared>> -> memref<125x64xf32, #tpu.memory_space<vmem_shared>>
      tpu.wait_dma2 semaphore(%run_scoped3A : memref<!tpu.dma_semaphore, #tpu.memory_space<semaphore_mem>>) src(%dma_wait3A_93 : memref<125x64xf32, #tpu.memory_space<vmem_shared>>) dst(%dma_wait3A_91 : memref<125x64xf32, #tpu.memory_space<hbm>>)
      tpu.yield
    }) : () -> ()
    %add3A_78 = arith.constant 375 : i32
    %add3A_79 = arith.addi %mul3A_2, %add3A_78 : i32
    %add3A_80 = arith.constant 375 : i32
    %add3A_81 = arith.addi %mul3A_2, %add3A_80 : i32
    "tpu.region"() ({
      %run_scoped3A = tpu.sem_alloc : memref<!tpu.dma_semaphore, #tpu.memory_space<semaphore_mem>>
      %dma_start3A = arith.constant 0 : i32
      %dma_start3A_86 = tpu.memref_slice %arg7[%arg0, %add3A_81, %dma_start3A] : memref<2x10000x64xf32, #tpu.memory_space<hbm>> -> memref<1x125x64xf32, #tpu.memory_space<hbm>>
      %dma_start3A_87 = tpu.memref_squeeze %dma_start3A_86 : memref<1x125x64xf32, #tpu.memory_space<hbm>> -> memref<125x64xf32, #tpu.memory_space<hbm>>
      %dma_start3A_88 = arith.constant 0 : i32
      %dma_start3A_89 = tpu.memref_slice %arg12[%add3A_79, %dma_start3A_88] : memref<10000x64xf32, #tpu.memory_space<vmem_shared>> -> memref<125x64xf32, #tpu.memory_space<vmem_shared>>
      tpu.enqueue_dma source(%dma_start3A_89 : memref<125x64xf32, #tpu.memory_space<vmem_shared>>) target(%dma_start3A_87 : memref<125x64xf32, #tpu.memory_space<hbm>>) target_semaphore(%run_scoped3A : memref<!tpu.dma_semaphore, #tpu.memory_space<semaphore_mem>>)
      %dma_wait3A = arith.constant 0 : i32
      %dma_wait3A_90 = tpu.memref_slice %arg7[%arg0, %add3A_81, %dma_wait3A] : memref<2x10000x64xf32, #tpu.memory_space<hbm>> -> memref<1x125x64xf32, #tpu.memory_space<hbm>>
      %dma_wait3A_91 = tpu.memref_squeeze %dma_wait3A_90 : memref<1x125x64xf32, #tpu.memory_space<hbm>> -> memref<125x64xf32, #tpu.memory_space<hbm>>
      %dma_wait3A_92 = arith.constant 0 : i32
      %dma_wait3A_93 = tpu.memref_slice %arg12[%add3A_79, %dma_wait3A_92] : memref<10000x64xf32, #tpu.memory_space<vmem_shared>> -> memref<125x64xf32, #tpu.memory_space<vmem_shared>>
      tpu.wait_dma2 semaphore(%run_scoped3A : memref<!tpu.dma_semaphore, #tpu.memory_space<semaphore_mem>>) src(%dma_wait3A_93 : memref<125x64xf32, #tpu.memory_space<vmem_shared>>) dst(%dma_wait3A_91 : memref<125x64xf32, #tpu.memory_space<hbm>>)
      tpu.yield
    }) : () -> ()
    %add3A_82 = arith.constant 500 : i32
    %add3A_83 = arith.addi %mul3A_2, %add3A_82 : i32
    %add3A_84 = arith.constant 500 : i32
    %add3A_85 = arith.addi %mul3A_2, %add3A_84 : i32
    "tpu.region"() ({
      %run_scoped3A = tpu.sem_alloc : memref<!tpu.dma_semaphore, #tpu.memory_space<semaphore_mem>>
      %dma_start3A = arith.constant 0 : i32
      %dma_start3A_86 = tpu.memref_slice %arg7[%arg0, %add3A_85, %dma_start3A] : memref<2x10000x64xf32, #tpu.memory_space<hbm>> -> memref<1x125x64xf32, #tpu.memory_space<hbm>>
      %dma_start3A_87 = tpu.memref_squeeze %dma_start3A_86 : memref<1x125x64xf32, #tpu.memory_space<hbm>> -> memref<125x64xf32, #tpu.memory_space<hbm>>
      %dma_start3A_88 = arith.constant 0 : i32
      %dma_start3A_89 = tpu.memref_slice %arg12[%add3A_83, %dma_start3A_88] : memref<10000x64xf32, #tpu.memory_space<vmem_shared>> -> memref<125x64xf32, #tpu.memory_space<vmem_shared>>
      tpu.enqueue_dma source(%dma_start3A_89 : memref<125x64xf32, #tpu.memory_space<vmem_shared>>) target(%dma_start3A_87 : memref<125x64xf32, #tpu.memory_space<hbm>>) target_semaphore(%run_scoped3A : memref<!tpu.dma_semaphore, #tpu.memory_space<semaphore_mem>>)
      %dma_wait3A = arith.constant 0 : i32
      %dma_wait3A_90 = tpu.memref_slice %arg7[%arg0, %add3A_85, %dma_wait3A] : memref<2x10000x64xf32, #tpu.memory_space<hbm>> -> memref<1x125x64xf32, #tpu.memory_space<hbm>>
      %dma_wait3A_91 = tpu.memref_squeeze %dma_wait3A_90 : memref<1x125x64xf32, #tpu.memory_space<hbm>> -> memref<125x64xf32, #tpu.memory_space<hbm>>
      %dma_wait3A_92 = arith.constant 0 : i32
      %dma_wait3A_93 = tpu.memref_slice %arg12[%add3A_83, %dma_wait3A_92] : memref<10000x64xf32, #tpu.memory_space<vmem_shared>> -> memref<125x64xf32, #tpu.memory_space<vmem_shared>>
      tpu.wait_dma2 semaphore(%run_scoped3A : memref<!tpu.dma_semaphore, #tpu.memory_space<semaphore_mem>>) src(%dma_wait3A_93 : memref<125x64xf32, #tpu.memory_space<vmem_shared>>) dst(%dma_wait3A_91 : memref<125x64xf32, #tpu.memory_space<hbm>>)
      tpu.yield
    }) : () -> ()
    return
  }
}

module attributes {stable_mosaic.version = 14 : i64} {
  func.func @_tc0_body(%arg0: memref<32x10240xf32, #tpu.memory_space<vmem>>, %arg1: memref<10240xf32, #tpu.memory_space<vmem>>) attributes {dimension_semantics = [], scalar_prefetch = 0 : i64, scratch_operands = 0 : i64, tpu.core_type = #tpu.core_type<tc>} {
    %get3A = arith.constant 0 : index
    %get3A_0 = arith.constant 0 : index
    %get3A_1 = vector.load %arg0[%get3A, %get3A_0] : memref<32x10240xf32, #tpu.memory_space<vmem>>, vector<32x10240xf32>
    %reduce_sum3A = arith.constant dense<0.000000e+00> : vector<10240xf32>
    %reduce_sum3A_2 = vector.multi_reduction <add>, %get3A_1, %reduce_sum3A [0] : vector<32x10240xf32> to vector<10240xf32>
    %add3A = arith.constant 1.000000e+00 : f32
    %add3A_3 = vector.broadcast %add3A : f32 to vector<10240xf32>
    %add3A_4 = arith.addf %reduce_sum3A_2, %add3A_3 : vector<10240xf32>
    %rsqrt3A = math.rsqrt %add3A_4 : vector<10240xf32>
    %swap3A = arith.constant 0 : index
    %swap3A_5 = vector.load %arg1[%swap3A] : memref<10240xf32, #tpu.memory_space<vmem>>, vector<10240xf32>
    tpu.vector_store %arg1[%swap3A], %rsqrt3A {strides = array<i32>} : memref<10240xf32, #tpu.memory_space<vmem>>, vector<10240xf32>,
    return
  }
}

module attributes {stable_mosaic.version = 14 : i64} {
  func.func @_tc1_body(%arg0: i32, %arg1: memref<1000x1xf32, #tpu.memory_space<vmem>>, %arg2: memref<1000x128xf32, #tpu.memory_space<vmem>>, %arg3: memref<128x128xf32, #tpu.memory_space<vmem>>, %arg4: memref<1000x64xf32, #tpu.memory_space<vmem>>, %arg5: memref<1000x64xf32, #tpu.memory_space<vmem>>) attributes {dimension_semantics = [#tpu.dimension_semantics<arbitrary>], iteration_bounds = array<i64: 10>, scalar_prefetch = 0 : i64, scratch_operands = 0 : i64, tpu.core_type = #tpu.core_type<tc>, window_params = [{transform_indices = @transform_0, window_bounds = array<i64: 1000, 1>}, {transform_indices = @transform_1, window_bounds = array<i64: 1000, 128>}, {pipeline_mode = #tpu.pipeline_mode<synchronous>, transform_indices = @transform_2, window_bounds = array<i64: 128, 128>}, {transform_indices = @transform_3, window_bounds = array<i64: 1000, 64>}, {transform_indices = @transform_4, window_bounds = array<i64: 1000, 64>}]} {
    %get3A = arith.constant 0 : index
    %get3A_0 = arith.constant 0 : index
    %get3A_1 = vector.load %arg1[%get3A, %get3A_0] : memref<1000x1xf32, #tpu.memory_space<vmem>>, vector<1000x1xf32>
    %get3A_2 = arith.constant 0 : index
    %get3A_3 = arith.constant 0 : index
    %get3A_4 = vector.load %arg2[%get3A_2, %get3A_3] : memref<1000x128xf32, #tpu.memory_space<vmem>>, vector<1000x128xf32>
    %get3A_5 = arith.constant 0 : index
    %get3A_6 = arith.constant 0 : index
    %get3A_7 = vector.load %arg3[%get3A_5, %get3A_6] : memref<128x128xf32, #tpu.memory_space<vmem>>, vector<128x128xf32>
    %dot_general3A = arith.constant dense<0.000000e+00> : vector<1000x128xf32>
    %dot_general3A_8 = tpu.matmul %get3A_4, %get3A_7, %dot_general3A {dimension_numbers = #tpu.dot_dimension_numbers<[1], [0], [0], [1], [0, 0, 1, 1], [], []>, transpose_lhs_hint = false} : vector<1000x128xf32>, vector<128x128xf32>, vector<1000x128xf32> -> vector<1000x128xf32>
    %mul3A = vector.broadcast %get3A_1 : vector<1000x1xf32> to vector<1000x128xf32>
    %mul3A_9 = arith.mulf %mul3A, %dot_general3A_8 : vector<1000x128xf32>
    %slice3A = vector.extract_strided_slice %mul3A_9 {offsets = [0, 0], sizes = [1000, 64], strides = [1, 1]} : vector<1000x128xf32> to vector<1000x64xf32>
    %swap3A = arith.constant 0 : index
    %swap3A_10 = arith.constant 0 : index
    %swap3A_11 = vector.load %arg4[%swap3A, %swap3A_10] : memref<1000x64xf32, #tpu.memory_space<vmem>>, vector<1000x64xf32>
    tpu.vector_store %arg4[%swap3A, %swap3A_10], %slice3A {strides = array<i32>} : memref<1000x64xf32, #tpu.memory_space<vmem>>, vector<1000x64xf32>,
    %slice3A_12 = vector.extract_strided_slice %mul3A_9 {offsets = [0, 64], sizes = [1000, 64], strides = [1, 1]} : vector<1000x128xf32> to vector<1000x64xf32>
    %swap3A_13 = arith.constant 0 : index
    %swap3A_14 = arith.constant 0 : index
    %swap3A_15 = vector.load %arg5[%swap3A_13, %swap3A_14] : memref<1000x64xf32, #tpu.memory_space<vmem>>, vector<1000x64xf32>
    tpu.vector_store %arg5[%swap3A_13, %swap3A_14], %slice3A_12 {strides = array<i32>} : memref<1000x64xf32, #tpu.memory_space<vmem>>, vector<1000x64xf32>,
    return
  }
  func.func @transform_0(%arg0: i32) -> (i32, i32) {
    %c0_i32 = arith.constant 0 : i32
    %c0_i32_0 = arith.constant 0 : i32
    return %arg0, %c0_i32 : i32, i32
  }
  func.func @transform_1(%arg0: i32) -> (i32, i32) {
    %c0_i32 = arith.constant 0 : i32
    %c0_i32_0 = arith.constant 0 : i32
    return %arg0, %c0_i32 : i32, i32
  }
  func.func @transform_2(%arg0: i32) -> (i32, i32) {
    %c0_i32 = arith.constant 0 : i32
    %c0_i32_0 = arith.constant 0 : i32
    %c0_i32_1 = arith.constant 0 : i32
    return %c0_i32, %c0_i32_0 : i32, i32
  }
  func.func @transform_3(%arg0: i32) -> (i32, i32) {
    %c0_i32 = arith.constant 0 : i32
    %c0_i32_0 = arith.constant 0 : i32
    return %arg0, %c0_i32 : i32, i32
  }
  func.func @transform_4(%arg0: i32) -> (i32, i32) {
    %c0_i32 = arith.constant 0 : i32
    %c0_i32_0 = arith.constant 0 : i32
    return %arg0, %c0_i32 : i32, i32
  }
}

module attributes {stable_mosaic.version = 14 : i64} {
  func.func @_tc2_body(%arg0: i32, %arg1: memref<2x1000x64xf32, #tpu.memory_space<vmem>>, %arg2: memref<2x1000x64xf32, #tpu.memory_space<vmem>>, %arg3: memref<1000x64xf32, #tpu.memory_space<vmem>>, %arg4: memref<1000x64xf32, #tpu.memory_space<vmem>>, %arg5: memref<1000x1xf32, #tpu.memory_space<vmem>>, %arg6: memref<1x128xf32, #tpu.memory_space<vmem>>, %arg7: memref<128x128xf32, #tpu.memory_space<vmem>>, %arg8: memref<1000x64xf32, #tpu.memory_space<vmem>>, %arg9: memref<1000x64xf32, #tpu.memory_space<vmem>>) attributes {dimension_semantics = [#tpu.dimension_semantics<arbitrary>], iteration_bounds = array<i64: 10>, scalar_prefetch = 0 : i64, scratch_operands = 0 : i64, tpu.core_type = #tpu.core_type<tc>, window_params = [{transform_indices = @transform_0, window_bounds = array<i64: 2, 1000, 64>}, {transform_indices = @transform_1, window_bounds = array<i64: 2, 1000, 64>}, {transform_indices = @transform_2, window_bounds = array<i64: 1000, 64>}, {transform_indices = @transform_3, window_bounds = array<i64: 1000, 64>}, {transform_indices = @transform_4, window_bounds = array<i64: 1000, 1>}, {pipeline_mode = #tpu.pipeline_mode<synchronous>, transform_indices = @transform_5, window_bounds = array<i64: 1, 128>}, {pipeline_mode = #tpu.pipeline_mode<synchronous>, transform_indices = @transform_6, window_bounds = array<i64: 128, 128>}, {transform_indices = @transform_7, window_bounds = array<i64: 1000, 64>}, {transform_indices = @transform_8, window_bounds = array<i64: 1000, 64>}]} {
    %get3A = arith.constant 0 : index
    %get3A_0 = arith.constant 0 : index
    %get3A_1 = vector.load %arg5[%get3A, %get3A_0] : memref<1000x1xf32, #tpu.memory_space<vmem>>, vector<1000x1xf32>
    %get3A_2 = arith.constant 0 : index
    %get3A_3 = arith.constant 0 : index
    %get3A_4 = arith.constant 0 : index
    %get3A_5 = vector.load %arg1[%get3A_2, %get3A_3, %get3A_4] : memref<2x1000x64xf32, #tpu.memory_space<vmem>>, vector<1x1000x64xf32>
    %get3A_6 = vector.shape_cast %get3A_5 : vector<1x1000x64xf32> to vector<1000x64xf32>
    %get3A_7 = arith.constant 1 : index
    %get3A_8 = arith.constant 0 : index
    %get3A_9 = arith.constant 0 : index
    %get3A_10 = vector.load %arg1[%get3A_7, %get3A_8, %get3A_9] : memref<2x1000x64xf32, #tpu.memory_space<vmem>>, vector<1x1000x64xf32>
    %get3A_11 = vector.shape_cast %get3A_10 : vector<1x1000x64xf32> to vector<1000x64xf32>
    %add3A = arith.addf %get3A_6, %get3A_11 : vector<1000x64xf32>
    %get3A_12 = arith.constant 0 : index
    %get3A_13 = arith.constant 0 : index
    %get3A_14 = vector.load %arg3[%get3A_12, %get3A_13] : memref<1000x64xf32, #tpu.memory_space<vmem>>, vector<1000x64xf32>
    %add3A_15 = arith.addf %add3A, %get3A_14 : vector<1000x64xf32>
    %get3A_16 = arith.constant 0 : index
    %get3A_17 = arith.constant 0 : index
    %get3A_18 = arith.constant 0 : index
    %get3A_19 = vector.load %arg2[%get3A_16, %get3A_17, %get3A_18] : memref<2x1000x64xf32, #tpu.memory_space<vmem>>, vector<1x1000x64xf32>
    %get3A_20 = vector.shape_cast %get3A_19 : vector<1x1000x64xf32> to vector<1000x64xf32>
    %get3A_21 = arith.constant 1 : index
    %get3A_22 = arith.constant 0 : index
    %get3A_23 = arith.constant 0 : index
    %get3A_24 = vector.load %arg2[%get3A_21, %get3A_22, %get3A_23] : memref<2x1000x64xf32, #tpu.memory_space<vmem>>, vector<1x1000x64xf32>
    %get3A_25 = vector.shape_cast %get3A_24 : vector<1x1000x64xf32> to vector<1000x64xf32>
    %add3A_26 = arith.addf %get3A_20, %get3A_25 : vector<1000x64xf32>
    %get3A_27 = arith.constant 0 : index
    %get3A_28 = arith.constant 0 : index
    %get3A_29 = vector.load %arg4[%get3A_27, %get3A_28] : memref<1000x64xf32, #tpu.memory_space<vmem>>, vector<1000x64xf32>
    %add3A_30 = arith.addf %add3A_26, %get3A_29 : vector<1000x64xf32>
    %concatenate3A = tpu.concatenate %add3A_15, %add3A_30 in 1 : vector<1000x64xf32>, vector<1000x64xf32> -> vector<1000x128xf32>
    %mul3A = vector.broadcast %get3A_1 : vector<1000x1xf32> to vector<1000x128xf32>
    %mul3A_31 = arith.mulf %mul3A, %concatenate3A : vector<1000x128xf32>
    %get3A_32 = arith.constant 0 : index
    %get3A_33 = arith.constant 0 : index
    %get3A_34 = vector.load %arg6[%get3A_32, %get3A_33] : memref<1x128xf32, #tpu.memory_space<vmem>>, vector<1x128xf32>
    %add3A_35 = vector.broadcast %get3A_34 : vector<1x128xf32> to vector<1000x128xf32>
    %add3A_36 = arith.addf %mul3A_31, %add3A_35 : vector<1000x128xf32>
    %get3A_37 = arith.constant 0 : index
    %get3A_38 = arith.constant 0 : index
    %get3A_39 = vector.load %arg7[%get3A_37, %get3A_38] : memref<128x128xf32, #tpu.memory_space<vmem>>, vector<128x128xf32>
    %dot_general3A = arith.constant dense<0.000000e+00> : vector<1000x128xf32>
    %dot_general3A_40 = tpu.matmul %add3A_36, %get3A_39, %dot_general3A {dimension_numbers = #tpu.dot_dimension_numbers<[1], [0], [0], [1], [0, 0, 1, 1], [], []>, transpose_lhs_hint = false} : vector<1000x128xf32>, vector<128x128xf32>, vector<1000x128xf32> -> vector<1000x128xf32>
    %mul3A_41 = vector.broadcast %get3A_1 : vector<1000x1xf32> to vector<1000x128xf32>
    %mul3A_42 = arith.mulf %mul3A_41, %dot_general3A_40 : vector<1000x128xf32>
    %slice3A = vector.extract_strided_slice %mul3A_42 {offsets = [0, 0], sizes = [1000, 64], strides = [1, 1]} : vector<1000x128xf32> to vector<1000x64xf32>
    %swap3A = arith.constant 0 : index
    %swap3A_43 = arith.constant 0 : index
    %swap3A_44 = vector.load %arg8[%swap3A, %swap3A_43] : memref<1000x64xf32, #tpu.memory_space<vmem>>, vector<1000x64xf32>
    tpu.vector_store %arg8[%swap3A, %swap3A_43], %slice3A {strides = array<i32>} : memref<1000x64xf32, #tpu.memory_space<vmem>>, vector<1000x64xf32>,
    %slice3A_45 = vector.extract_strided_slice %mul3A_42 {offsets = [0, 64], sizes = [1000, 64], strides = [1, 1]} : vector<1000x128xf32> to vector<1000x64xf32>
    %swap3A_46 = arith.constant 0 : index
    %swap3A_47 = arith.constant 0 : index
    %swap3A_48 = vector.load %arg9[%swap3A_46, %swap3A_47] : memref<1000x64xf32, #tpu.memory_space<vmem>>, vector<1000x64xf32>
    tpu.vector_store %arg9[%swap3A_46, %swap3A_47], %slice3A_45 {strides = array<i32>} : memref<1000x64xf32, #tpu.memory_space<vmem>>, vector<1000x64xf32>,
    return
  }
  func.func @transform_0(%arg0: i32) -> (i32, i32, i32) {
    %c0_i32 = arith.constant 0 : i32
    %c0_i32_0 = arith.constant 0 : i32
    %c0_i32_1 = arith.constant 0 : i32
    return %c0_i32, %arg0, %c0_i32_0 : i32, i32, i32
  }
  func.func @transform_1(%arg0: i32) -> (i32, i32, i32) {
    %c0_i32 = arith.constant 0 : i32
    %c0_i32_0 = arith.constant 0 : i32
    %c0_i32_1 = arith.constant 0 : i32
    return %c0_i32, %arg0, %c0_i32_0 : i32, i32, i32
  }
  func.func @transform_2(%arg0: i32) -> (i32, i32) {
    %c0_i32 = arith.constant 0 : i32
    %c0_i32_0 = arith.constant 0 : i32
    return %arg0, %c0_i32 : i32, i32
  }
  func.func @transform_3(%arg0: i32) -> (i32, i32) {
    %c0_i32 = arith.constant 0 : i32
    %c0_i32_0 = arith.constant 0 : i32
    return %arg0, %c0_i32 : i32, i32
  }
  func.func @transform_4(%arg0: i32) -> (i32, i32) {
    %c0_i32 = arith.constant 0 : i32
    %c0_i32_0 = arith.constant 0 : i32
    return %arg0, %c0_i32 : i32, i32
  }
  func.func @transform_5(%arg0: i32) -> (i32, i32) {
    %c0_i32 = arith.constant 0 : i32
    %c0_i32_0 = arith.constant 0 : i32
    %c0_i32_1 = arith.constant 0 : i32
    return %c0_i32, %c0_i32_0 : i32, i32
  }
  func.func @transform_6(%arg0: i32) -> (i32, i32) {
    %c0_i32 = arith.constant 0 : i32
    %c0_i32_0 = arith.constant 0 : i32
    %c0_i32_1 = arith.constant 0 : i32
    return %c0_i32, %c0_i32_0 : i32, i32
  }
  func.func @transform_7(%arg0: i32) -> (i32, i32) {
    %c0_i32 = arith.constant 0 : i32
    %c0_i32_0 = arith.constant 0 : i32
    return %arg0, %c0_i32 : i32, i32
  }
  func.func @transform_8(%arg0: i32) -> (i32, i32) {
    %c0_i32 = arith.constant 0 : i32
    %c0_i32_0 = arith.constant 0 : i32
    return %arg0, %c0_i32 : i32, i32
  }
}

module attributes {stable_mosaic.version = 14 : i64} {
  func.func @_tc3_body(%arg0: i32, %arg1: memref<2x1000x64xf32, #tpu.memory_space<vmem>>, %arg2: memref<2x1000x64xf32, #tpu.memory_space<vmem>>, %arg3: memref<1000x64xf32, #tpu.memory_space<vmem>>, %arg4: memref<1000x64xf32, #tpu.memory_space<vmem>>, %arg5: memref<1000x1xf32, #tpu.memory_space<vmem>>, %arg6: memref<1x128xf32, #tpu.memory_space<vmem>>, %arg7: memref<1000x128xf32, #tpu.memory_space<vmem>>) attributes {dimension_semantics = [#tpu.dimension_semantics<arbitrary>], iteration_bounds = array<i64: 10>, scalar_prefetch = 0 : i64, scratch_operands = 0 : i64, tpu.core_type = #tpu.core_type<tc>, window_params = [{transform_indices = @transform_0, window_bounds = array<i64: 2, 1000, 64>}, {transform_indices = @transform_1, window_bounds = array<i64: 2, 1000, 64>}, {transform_indices = @transform_2, window_bounds = array<i64: 1000, 64>}, {transform_indices = @transform_3, window_bounds = array<i64: 1000, 64>}, {transform_indices = @transform_4, window_bounds = array<i64: 1000, 1>}, {pipeline_mode = #tpu.pipeline_mode<synchronous>, transform_indices = @transform_5, window_bounds = array<i64: 1, 128>}, {transform_indices = @transform_6, window_bounds = array<i64: 1000, 128>}]} {
    %get3A = arith.constant 0 : index
    %get3A_0 = arith.constant 0 : index
    %get3A_1 = arith.constant 0 : index
    %get3A_2 = vector.load %arg1[%get3A, %get3A_0, %get3A_1] : memref<2x1000x64xf32, #tpu.memory_space<vmem>>, vector<1x1000x64xf32>
    %get3A_3 = vector.shape_cast %get3A_2 : vector<1x1000x64xf32> to vector<1000x64xf32>
    %get3A_4 = arith.constant 1 : index
    %get3A_5 = arith.constant 0 : index
    %get3A_6 = arith.constant 0 : index
    %get3A_7 = vector.load %arg1[%get3A_4, %get3A_5, %get3A_6] : memref<2x1000x64xf32, #tpu.memory_space<vmem>>, vector<1x1000x64xf32>
    %get3A_8 = vector.shape_cast %get3A_7 : vector<1x1000x64xf32> to vector<1000x64xf32>
    %add3A = arith.addf %get3A_3, %get3A_8 : vector<1000x64xf32>
    %get3A_9 = arith.constant 0 : index
    %get3A_10 = arith.constant 0 : index
    %get3A_11 = vector.load %arg3[%get3A_9, %get3A_10] : memref<1000x64xf32, #tpu.memory_space<vmem>>, vector<1000x64xf32>
    %add3A_12 = arith.addf %add3A, %get3A_11 : vector<1000x64xf32>
    %get3A_13 = arith.constant 0 : index
    %get3A_14 = arith.constant 0 : index
    %get3A_15 = arith.constant 0 : index
    %get3A_16 = vector.load %arg2[%get3A_13, %get3A_14, %get3A_15] : memref<2x1000x64xf32, #tpu.memory_space<vmem>>, vector<1x1000x64xf32>
    %get3A_17 = vector.shape_cast %get3A_16 : vector<1x1000x64xf32> to vector<1000x64xf32>
    %get3A_18 = arith.constant 1 : index
    %get3A_19 = arith.constant 0 : index
    %get3A_20 = arith.constant 0 : index
    %get3A_21 = vector.load %arg2[%get3A_18, %get3A_19, %get3A_20] : memref<2x1000x64xf32, #tpu.memory_space<vmem>>, vector<1x1000x64xf32>
    %get3A_22 = vector.shape_cast %get3A_21 : vector<1x1000x64xf32> to vector<1000x64xf32>
    %add3A_23 = arith.addf %get3A_17, %get3A_22 : vector<1000x64xf32>
    %get3A_24 = arith.constant 0 : index
    %get3A_25 = arith.constant 0 : index
    %get3A_26 = vector.load %arg4[%get3A_24, %get3A_25] : memref<1000x64xf32, #tpu.memory_space<vmem>>, vector<1000x64xf32>
    %add3A_27 = arith.addf %add3A_23, %get3A_26 : vector<1000x64xf32>
    %get3A_28 = arith.constant 0 : index
    %get3A_29 = arith.constant 0 : index
    %get3A_30 = vector.load %arg5[%get3A_28, %get3A_29] : memref<1000x1xf32, #tpu.memory_space<vmem>>, vector<1000x1xf32>
    %concatenate3A = tpu.concatenate %add3A_12, %add3A_27 in 1 : vector<1000x64xf32>, vector<1000x64xf32> -> vector<1000x128xf32>
    %mul3A = vector.broadcast %get3A_30 : vector<1000x1xf32> to vector<1000x128xf32>
    %mul3A_31 = arith.mulf %mul3A, %concatenate3A : vector<1000x128xf32>
    %get3A_32 = arith.constant 0 : index
    %get3A_33 = arith.constant 0 : index
    %get3A_34 = vector.load %arg6[%get3A_32, %get3A_33] : memref<1x128xf32, #tpu.memory_space<vmem>>, vector<1x128xf32>
    %add3A_35 = vector.broadcast %get3A_34 : vector<1x128xf32> to vector<1000x128xf32>
    %add3A_36 = arith.addf %mul3A_31, %add3A_35 : vector<1000x128xf32>
    %swap3A = arith.constant 0 : index
    %swap3A_37 = arith.constant 0 : index
    %swap3A_38 = vector.load %arg7[%swap3A, %swap3A_37] : memref<1000x128xf32, #tpu.memory_space<vmem>>, vector<1000x128xf32>
    tpu.vector_store %arg7[%swap3A, %swap3A_37], %add3A_36 {strides = array<i32>} : memref<1000x128xf32, #tpu.memory_space<vmem>>, vector<1000x128xf32>,
    return
  }
  func.func @transform_0(%arg0: i32) -> (i32, i32, i32) {
    %c0_i32 = arith.constant 0 : i32
    %c0_i32_0 = arith.constant 0 : i32
    %c0_i32_1 = arith.constant 0 : i32
    return %c0_i32, %arg0, %c0_i32_0 : i32, i32, i32
  }
  func.func @transform_1(%arg0: i32) -> (i32, i32, i32) {
    %c0_i32 = arith.constant 0 : i32
    %c0_i32_0 = arith.constant 0 : i32
    %c0_i32_1 = arith.constant 0 : i32
    return %c0_i32, %arg0, %c0_i32_0 : i32, i32, i32
  }
  func.func @transform_2(%arg0: i32) -> (i32, i32) {
    %c0_i32 = arith.constant 0 : i32
    %c0_i32_0 = arith.constant 0 : i32
    return %arg0, %c0_i32 : i32, i32
  }
  func.func @transform_3(%arg0: i32) -> (i32, i32) {
    %c0_i32 = arith.constant 0 : i32
    %c0_i32_0 = arith.constant 0 : i32
    return %arg0, %c0_i32 : i32, i32
  }
  func.func @transform_4(%arg0: i32) -> (i32, i32) {
    %c0_i32 = arith.constant 0 : i32
    %c0_i32_0 = arith.constant 0 : i32
    return %arg0, %c0_i32 : i32, i32
  }
  func.func @transform_5(%arg0: i32) -> (i32, i32) {
    %c0_i32 = arith.constant 0 : i32
    %c0_i32_0 = arith.constant 0 : i32
    %c0_i32_1 = arith.constant 0 : i32
    return %c0_i32, %c0_i32_0 : i32, i32
  }
  func.func @transform_6(%arg0: i32) -> (i32, i32) {
    %c0_i32 = arith.constant 0 : i32
    %c0_i32_0 = arith.constant 0 : i32
    return %arg0, %c0_i32 : i32, i32
  }
}

</mosaic_0001>

<sc_bundles>
// kernel: kernel.12.cloned.1.call-start
scs
__scs_entry_jumppad:
0x0: {  	(pc) =	sbr.rel $0x88, $3  }
0x1: {  	(tag) =	ssettag $0x0;
	lr =	simm.s32 $0x1  }
0x2: {  	[smem:$0x3F9B] =	sst lr;
	_ =	strace $0xD0000000  }
0x3: {  	_ = 	snop  }
0x4: {  	_ = 	snop  }
0x5: {  	_ = 	snop  }
0x6: {  	_ = 	snop  }
0x7: {  	_ = 	snop  }
__scs_overlays_trampoline_lowered:
0x8: {  	[smem:$0x3FAA] =	sst s0  }
0x9: {  	[smem:$0x3FAB] =	sst s1  }
0xa: {  	[smem:$0x3FAC] =	sst s2  }
0xb: {  	[smem:$0x3FAD] =	sst s3  }
0xc: {  	[smem:$0x3FAE] =	sst s4  }
0xd: {  	[smem:$0x3FAF] =	sst s5  }
0xe: {  	[smem:$0x3FB0] =	sst s6  }
0xf: {  	[smem:$0x3FB1] =	sst s7  }
0x10: {  	[smem:$0x3FB2] =	sst s8  }
0x11: {  	[smem:$0x3FB3] =	sst s9;
	s0 =	simm.s32 @!p0 $0x0  }
0x12: {  	s1 =	sld [smem:$0x3F99];
	s0 =	simm.s32 @p0 $0x1  }
0x13: {  	[smem:$0x3FB4] =	sst s0;
	s0 =	simm.s32 @!p1 $0x0  }
0x14: {  	s2 =	sld [smem:$0x3F98];
	s0 =	simm.s32 @p1 $0x1  }
0x15: {  	[smem:$0x3FB5] =	sst s0;
	s0 =	simm.s32 @!p2 $0x0  }
0x16: {  	s3 =	sld [smem:$0x3FDB];
	s0 =	simm.s32 @p2 $0x1  }
0x17: {  	s4 =	simm.s32 $0x1BF5;
	[smem:$0x3FB7] =	sst s0  }
0x18: {  	s0 =	sld [smem:$0x3F9A];
	_ =	swait.ge [sflag:s4], $0x0  }
0x19: {  	s7 =	sld [smem:$0x3F9B]  }
0x1a: {  	s8 =	sadd.s32 $0xFFFFE003, lr  }
0x1b: {  	s9 =	sadd.s32 $0xFFFFFEF7, lr;
	s5 =	simm.s32 $0xFFFFFFFF;
	p2 =	slt.u32 s8, $0xFFFFF086  }
0x1c: {  	p1 =	slt.u32 s9, $0xF7A;
	s5 =	simm.s32 @!p2 $0x0  }
0x1d: {  	s5 =	simm.s32 @p1 $0x1;
	p0 =	seq.s32 s7, s2  }
0x1e: {  	s7 =	smul.u32 @!p0 $0xF7A, s2;
	p2 =	seq.s32 @!p0 s5, $0x0  }
0x1f: {  	s9 =	smul.u32 $0xF7A, s1;
	s8 =	simm.s32 @!p0 $0x1BF5;
	p2 =	por !p2, p0  }
0x20: {  	[sflag:s8] =	ssyncset.s32 @!p0 $0xFFFFF086;
	s6 =	sadd.s32 @!p0 s3, s7;
	s7 =	simm.s32 @!p0 $0x108  }
0x21: {  	s3 =	sadd.s32 s3, s9;
	s6 =	sadd.s32 @!p0 $0x88, s6;
	s7 =	simm.s32 @p2 $0x1082  }
0x22: {  	[simem:s7], [sflag:s8] =	dma.local @!p0 [hbm:s6], $0xF7A  }
0x23: {  	s9 =	sor.u32 $0xD0000000, s2;
	s6 =	simm.s32 $0x108;
	_ =	swait.ge @!p0 [sflag:s8], $0x0  }
0x24: {  	s3 =	sadd.s32 $0x88, s3;
	s6 =	simm.s32 @!p1 $0x1082;
	[sflag:s4] =	ssyncset.s32 $0xFFFFF086  }
0x25: {  	[simem:s6], [sflag:s4] =	dma.local [hbm:s3], $0xF7A  }
0x26: {  	[smem:$0x3F9B] =	sst s1;
	(tag) =	ssettag s2;
	_ =	strace s9  }
0x27: {  	s1 =	sld [smem:$0x3FAB]  }
0x28: {  	s2 =	sld [smem:$0x3FAC]  }
0x29: {  	s4 =	sld [smem:$0x3FAE]  }
0x2a: {  	p0 =	seq.s32 s5, $0x0;
	s5 =	sld [smem:$0x3FAF]  }
0x2b: {  	s6 =	sld [smem:$0x3FB0]  }
0x2c: {  	s7 =	sld [smem:$0x3FB1]  }
0x2d: {  	s3 =	simm.s32 $0x108;
	s8 =	sld [smem:$0x3FB2]  }
0x2e: {  	s3 =	simm.s32 @!p0 $0x1082;
	s9 =	sld [smem:$0x3FB3]  }
0x2f: {  	lr =	sadd.s32 s0, s3;
	s0 =	sld [smem:$0x3FAA]  }
0x30: {  	s3 =	sld [smem:$0x3FAD]  }
0x31: {  	[smem:$0x3FB6] =	sst s10  }
0x32: {  	s10 =	sld [smem:$0x3FB4];
	_ =	sdelay $0x3  }
0x33: {  	p0 =	seq.s32 s10, $0x1;
	s10 =	sld [smem:$0x3FB6];
	_ =	sdelay $0x3  }
0x34: {  	[smem:$0x3FB6] =	sst s10  }
0x35: {  	s10 =	sld [smem:$0x3FB5];
	_ =	sdelay $0x3  }
0x36: {  	p1 =	seq.s32 s10, $0x1;
	s10 =	sld [smem:$0x3FB6];
	_ =	sdelay $0x3  }
0x37: {  	[smem:$0x3FB6] =	sst s10  }
0x38: {  	s10 =	sld [smem:$0x3FB7]  }
0x39: {  	_ = 	snop;
	(pc) =	sbr.ind lr, $3  }
0x3a: {  	_ = 	snop  }
0x3b: {  	_ = 	snop  }
0x3c: {  	p2 =	seq.s32 s10, $0x1;
	s10 =	sld [smem:$0x3FB6]  }
0x3d: {  	_ =	shalt  }
0x3e: {  	_ =	shalt  }
0x3f: {  	_ =	shalt  }
0x40: {  	_ =	shalt  }
0x41: {  	_ =	shalt  }
0x42: {  	_ =	shalt  }
0x43: {  	_ =	shalt  }
0x44: {  	_ =	shalt  }
0x45: {  	_ =	shalt  }
0x46: {  	_ =	shalt  }
0x47: {  	_ =	shalt  }
0x48: {  	_ =	shalt  }
0x49: {  	_ =	shalt  }
0x4a: {  	_ =	shalt  }
0x4b: {  	_ =	shalt  }
0x4c: {  	_ =	shalt  }
0x4d: {  	_ =	shalt  }
0x4e: {  	_ =	shalt  }
0x4f: {  	_ =	shalt  }
0x50: {  	_ =	shalt  }
0x51: {  	_ =	shalt  }
0x52: {  	_ =	shalt  }
0x53: {  	_ =	shalt  }
0x54: {  	_ =	shalt  }
0x55: {  	_ =	shalt  }
0x56: {  	_ =	shalt  }
0x57: {  	_ =	shalt  }
0x58: {  	_ =	shalt  }
0x59: {  	_ =	shalt  }
0x5a: {  	_ =	shalt  }
0x5b: {  	_ =	shalt  }
0x5c: {  	_ =	shalt  }
0x5d: {  	_ =	shalt  }
0x5e: {  	_ =	shalt  }
0x5f: {  	_ =	shalt  }
0x60: {  	_ =	shalt  }
0x61: {  	_ =	shalt  }
0x62: {  	_ =	shalt  }
0x63: {  	_ =	shalt  }
0x64: {  	_ =	shalt  }
0x65: {  	_ =	shalt  }
0x66: {  	_ =	shalt  }
0x67: {  	_ =	shalt  }
0x68: {  	_ =	shalt  }
0x69: {  	_ =	shalt  }
0x6a: {  	_ =	shalt  }
0x6b: {  	_ =	shalt  }
0x6c: {  	_ =	shalt  }
0x6d: {  	_ =	shalt  }
0x6e: {  	_ =	shalt  }
0x6f: {  	_ =	shalt  }
0x70: {  	_ =	shalt  }
0x71: {  	_ =	shalt  }
0x72: {  	_ =	shalt  }
0x73: {  	_ =	shalt  }
0x74: {  	_ =	shalt  }
0x75: {  	_ =	shalt  }
0x76: {  	_ =	shalt  }
0x77: {  	_ =	shalt  }
0x78: {  	_ =	shalt  }
0x79: {  	_ =	shalt  }
0x7a: {  	_ =	shalt  }
0x7b: {  	_ =	shalt  }
0x7c: {  	_ =	shalt  }
0x7d: {  	_ =	shalt  }
0x7e: {  	_ =	shalt  }
0x7f: {  	_ =	shalt  }
0x80: {  	_ =	shalt  }
0x81: {  	_ =	shalt  }
0x82: {  	_ =	shalt  }
0x83: {  	_ =	shalt  }
0x84: {  	_ =	shalt  }
0x85: {  	_ =	shalt  }
0x86: {  	_ =	shalt  }
0x87: {  	_ =	shalt  }
.Lfunc_end0:
.L_simem_size_0:
called_computation.1_lowered:
.L_overlay_start_0:
0x88: {  	s2 =	sld [smem:$0x3FD9]  }
0x89: {  	s3 =	sld [smem:$0x3FFE];
	_ =	sdelay $0x1  }
0x8a: {  	s1 =	srdreg.scid  }
0x8b: {  	s0 =	sand.u32 $0x1, s1  }
0x8c: {  	s16 =	sshll.u32 s0, $0xA;
	s2 =	sadd.s32 s3, s2  }
0x8d: {  	s2 =	sadd.s32 s2, s16  }
0x8e: {  	[smem:$0x3FC2] =	sst s2  }
0x8f: {  	_ = 	snop  }
0x90: {  	(tm) =	ssettm $0x1  }
0x91: {  	s17 =	sld [smem:$0x3FFB];
	_ =	sdelay $0x3  }
0x92: {  	_ =	strace s17  }
0x93: {  	s2 =	sld [smem:$0x3FFC];
	_ =	sdelay $0x3  }
0x94: {  	_ =	strace s2  }
0x95: {  	s2 =	sld [smem:$0x3FFD];
	_ =	sdelay $0x3  }
0x96: {  	_ =	strace s2  }
0x97: {  	_ =	strace $0x8FFFFFFF  }
0x98: {  	s18 =	sld [smem:$0x3FDB];
	_ =	sdelay $0x1  }
0x99: {  	s19 =	simm.s32 $_scs_section_size  }
0x9a: {  	s4 =	simm.s32 $_size__tile_overlayer_lowered;
	s5 =	simm.s32 $_tile_overlayer_lowered  }
0x9b: {  	s22 =	simm.s32 $0x1BFF;
	s21 =	sshll.u32 s5, $0x1;
	s2 =	sadd.s32 s19, s18  }
0x9c: {  	s6 =	simm.s32 $0x0;
	s20 =	sshll.u32 s4, $0x1;
	s4 =	sadd.s32 s21, s2  }
0x9d: {  	[timem:s6], [sflag:s22] =	dma.local [hbm:s4], s20  }
0x9e: {  	_ =	swait.ge [sflag:s22], s20  }
0x9f: {  	s3 =	ssub.s32 $0x0, s20;
	[sflag:s22] =	ssyncset.done $0x0  }
0xa0: {  	[sflag:s22] =	ssyncadd.s32 s3;
	_ =	sdelay $0x1  }
0xa1: {  	s23 =	simm.s32 $0x1B8B  }
0xa2: {  	_ =	swait.ge [sflag:s23], $0x1  }
0xa3: {  	[sflag:s23] =	ssyncset.done $0x0  }
0xa4: {  	s25 =	simm.s32 $0x1B8E;
	s24 =	sld [smem:$0x3FFE];
	[sflag:s23] =	ssyncadd.s32 $0xFFFFFFFF  }
0xa5: {  	s26 =	simm.s32 $execute0_lowered;
	[smem:$0x3FD2] =	sst s25  }
0xa6: {  	s4 =	sshll.u32 s26, $0x1;
	_ =	strace $0x80000049;
	[dreg:$0x1] =	wrdreg $0xFFFFFFFF  }
0xa7: {  	s28 =	simm.s32 $_size_execute0_lowered;
	s2 =	sadd.s32 s2, s4;
	[dreg:$0x0] =	wrdreg $0x0  }
0xa8: {  	s4 =	sshll.u32 s28, $0x1;
	[dreg:$0x2] =	wrdreg s2  }
0xa9: {  	[dreg:$0x3] =	wrdreg s4  }
0xaa: {  	[dreg:$0x4] =	wrdreg $0xC0  }
0xab: {  	_ =	task [dreg:s6], $0x5FFFF  }
0xac: {  	[dreg:$0x1] =	wrdreg $0xFFFFFFFF  }
0xad: {  	[dreg:$0x0] =	wrdreg $0x60  }
0xae: {  	[dreg:$0x2] =	wrdreg s24  }
0xaf: {  	[dreg:$0x3] =	wrdreg $0x81600  }
0xb0: {  	[dreg:$0x4] =	wrdreg $0x9  }
0xb1: {  	_ =	task.clear_ibuf [dreg:s6], $0x5FFFF;
	_ =	strace $0x90000049  }
0xb2: {  	s29 =	simm.s32 $0x9;
	_ =	strace $0x8000004B  }
0xb3: {  	_ =	swait.ge [sflag:s29], $0x1  }
0xb4: {  	[sflag:s29] =	ssyncadd.s32 $0xFFFFFFFF  }
0xb5: {  	_ =	strace $0x9000004B  }
0xb6: {  	_ =	sfence  }
0xb7: {  	s30 =	sld [smem:$0x0];
	_ =	sdelay $0x2  }
0xb8: {  	s31 =	sshll.u32 s1, $0xD;
	s1 =	sshrl.u32 s1, $0x2  }
0xb9: {  	s3 =	sand.u32 $0x4000, s31;
	s1 =	sadd.s32 s1, s30  }
0xba: {  	s0 =	sor.u32 s3, s0;
	s1 =	sshll.u32 s1, $0x11  }
0xbb: {  	s0 =	sor.u32 s1, s0  }
0xbc: {  	s0 =	sadd.s32 $0x8F2B, s0  }
0xbd: {  	[sflag:s0] =	ssyncadd.remote.s32 $0x1  }
0xbe: {  	_ =	sfence.sel $0xFFFF  }
0xbf: {  	[dreg:$0x0] =	wrdreg $0xFFFFFFFF;
	(pc) =	sbr.abs _section_cstart, $3  }
0xc0: {  	[dreg:$0x1] =	wrdreg $0xFFFFFFFF  }
0xc1: {  	_ =	task.clear_ibuf [dreg:s6], $0x2FFFF;
	_ =	strace $0x9FFFFFFF  }
0xc2: {  	(tm) =	ssettm $0x7FFFFFFF  }
0xc3: {  	_ =	shalt  }
tec
execute0_lowered:
.L_overlay_start_1:
0x0: {  	(tag) =	ssettag $0x1  }
0x1: {  	s0 =	rddreg [dreg:$0x0]  }
0x2: {  	s1 =	rddreg [dreg:$0x1];
	s2 =	srdreg.scid;
	s3 =	simm.s32 $0x0  }
0x3: {  	s7 =	stileid.u32;
	s28 =	simm.s32 $0x50;
	s29 =	simm.s32 $0x4E20  }
0x4: {  	s30 =	simm.s32 $0x1;
	s2 =	sand.u32 $0x1, s2;
	[smem:$0x7FF] =	sst s3  }
0x5: {  	s5 =	sadd.s32 $0x2A400, s0;
	s11 =	smul.u32 $0x9C40, s7;
	s13 =	sadd.s32 $0x65000, s0  }
0x6: {  	s4 =	sshll.u32 s2, $0x4;
	_ =	strace $0x8000004A;
	s19 =	ssub.s32 $0x2, s2  }
0x7: {  	s2 =	smul.u32 $0x9C400, s2;
	s4 =	sor.u32 s7, s4;
	s20 =	sshrl.u32 s19, $0x1  }
0x8: {  	s14 =	sadd.s32 $0x1F40, s11;
	s15 =	sadd.s32 $0x3E80, s11;
	s16 =	sadd.s32 $0x5DC0, s11  }
0x9: {  	s17 =	sadd.s32 $0x7D00, s11;
	s6 =	smul.u32 $0x4E2, s4;
	s4 =	sadd.s32 $0x16A00, s0  }
0xa: {  	s23 =	ssub.s32 s19, s20;
	s7 =	sadd.s32 s14, s1;
	s8 =	sadd.s32 s15, s1  }
0xb: {  	s9 =	sadd.s32 s16, s1;
	s10 =	sadd.s32 s17, s1;
	s14 =	sadd.s32 s2, s14  }
0xc: {  	s24 =	sadd.s32 s2, s15;
	s25 =	sadd.s32 s2, s16;
	s14 =	sshrl.u32 s14, $0x3  }
0xd: {  	s23 =	smax.u32 s23, $0x1;
	s12 =	sadd.s32 s6, s0;
	s0 =	sadd.s32 $0x3DE00, s0  }
0xe: {  	s6 =	sadd.s32 s11, s1;
	s11 =	sadd.s32 s11, s2;
	s22 =	sadd.s32 s13, s14  }
0xf: {  	s2 =	sadd.s32 s2, s17;
	s18 =	sadd.s32 $0x2E00, s12;
	[dreg:$0x6] =	wrdreg s22  }
0x10: {  	s11 =	sshrl.u32 s11, $0x3;
	s12 =	sadd.s32 $0xCC00, s12;
	[dreg:$0x3] =	wrdreg s18  }
0x11: {  	s2 =	sshrl.u32 s2, $0x3;
	s19 =	sadd.s32 s0, s14;
	[dreg:$0x4] =	wrdreg s12  }
0x12: {  	s21 =	sadd.s32 s13, s11;
	s12 =	sshrl.u32 s24, $0x3;
	s17 =	sadd.s32 s13, s2  }
0x13: {  	s18 =	sadd.s32 s0, s11;
	s22 =	sadd.s32 s0, s2;
	s24 =	simm.s32 $0x6220  }
0x14: {  	[dreg:$0x5] =	wrdreg s21;
	s21 =	sshrl.u32 s25, $0x3;
	s26 =	sadd.s32 s13, s12  }
0x15: {  	s20 =	sadd.s32 s0, s12;
	[dreg:$0x7] =	wrdreg s26;
	s31 =	sadd.s32 s13, s21  }
0x16: {  	v0 =	vimm.f32 $0.0e+00;
	s25 =	simm.s32 $0x2;
	s21 =	sadd.s32 s0, s21;
	[dreg:$0x8] =	wrdreg s31  }
.LBB2_1:
0x17: {  	s2 =	simm.s32 $0x100;
	s0 =	simm.s32 $0x0  }
.LBB2_2:
0x18: {  	p0 =	sne.s32 s2, $0x7C00;
	[tilespmem:s0+$0x6250] =	vst v0;
	s11 =	smov.u32 s2;
	s2 =	sadd.s32 $0x100, s2  }
.Ltmp0:
0x19: {  	[tilespmem:s0+$0x6240] =	vst v0;
	(pc) =	sbr.rel @p0 .LBB2_2-.Ltmp0, $3  }
0x1a: {  	[tilespmem:s0+$0x6220] =	vst v0  }
0x1b: {  	[tilespmem:s0+$0x6230] =	vst v0;
	_ =	sdelay $0x1  }
0x1c: {  	s0 =	sshra.s32 s11, $0x2  }
0x1d: {  	[tilespmem:s0+$0x6250] =	vst v0  }
0x1e: {  	[tilespmem:s0+$0x6240] =	vst v0  }
0x1f: {  	[tilespmem:s0+$0x6220] =	vst v0  }
0x20: {  	[tilespmem:s0+$0x6230] =	vst v0  }
0x21: {  	[spmem:s6] =	stream.linear.scatter [tilespmem:s24], [sflag:$0x2], $0x1F40, $0x38;
	[tilespmem:$0x11DA0] =	vst v63  }
0x22: {  	_ =	swait.ge [sflag:s25], $0x1F40  }
0x23: {  	[sflag:s25] =	ssyncset.done $0x0  }
0x24: {  	[sflag:s25] =	ssyncadd.s32 $0xFFFFE0C0  }
0x25: {  	[spmem:s7] =	stream.linear.scatter [tilespmem:s24], [sflag:$0x2], $0x1F40, $0x38;
	[tilespmem:$0x11DA0] =	vst v63  }
0x26: {  	_ =	swait.ge [sflag:s25], $0x1F40  }
0x27: {  	[sflag:s25] =	ssyncset.done $0x0  }
0x28: {  	[sflag:s25] =	ssyncadd.s32 $0xFFFFE0C0  }
0x29: {  	[spmem:s8] =	stream.linear.scatter [tilespmem:s24], [sflag:$0x2], $0x1F40, $0x38;
	[tilespmem:$0x11DA0] =	vst v63  }
0x2a: {  	_ =	swait.ge [sflag:s25], $0x1F40  }
0x2b: {  	[sflag:s25] =	ssyncset.done $0x0  }
0x2c: {  	[sflag:s25] =	ssyncadd.s32 $0xFFFFE0C0  }
0x2d: {  	[spmem:s9] =	stream.linear.scatter [tilespmem:s24], [sflag:$0x2], $0x1F40, $0x38;
	[tilespmem:$0x11DA0] =	vst v63  }
0x2e: {  	_ =	swait.ge [sflag:s25], $0x1F40  }
0x2f: {  	[sflag:s25] =	ssyncset.done $0x0  }
0x30: {  	[sflag:s25] =	ssyncadd.s32 $0xFFFFE0C0  }
0x31: {  	[spmem:s10] =	stream.linear.scatter [tilespmem:s24], [sflag:$0x2], $0x1F40, $0x38;
	[tilespmem:$0x11DA0] =	vst v63  }
0x32: {  	_ =	swait.ge [sflag:s25], $0x1F40  }
0x33: {  	[sflag:s25] =	ssyncset.done $0x0  }
0x34: {  	s15 =	simm.s32 $0x0;
	s2 =	rddreg [dreg:$0x3];
	[sflag:s25] =	ssyncadd.s32 $0xFFFFE0C0  }
0x35: {  	[tilespmem:s15], [sflag:$0x2] =	stream.linear.gather [hbm4b:s2+s15], $0x2710, $0x38;
	[tilespmem:$0x11DA0] =	vst v63  }
0x36: {  	_ =	swait.ge [sflag:s25], $0x2710  }
0x37: {  	[sflag:s25] =	ssyncset.done $0x0  }
0x38: {  	s11 =	simm.s32 $0x2710;
	s16 =	rddreg [dreg:$0x4];
	[sflag:s25] =	ssyncadd.s32 $0xFFFFD8F0  }
0x39: {  	[tilespmem:s11], [sflag:$0x2] =	stream.linear.gather [hbm4b:s16+s15], $0x2710, $0x38;
	[tilespmem:$0x11DA0] =	vst v63  }
0x3a: {  	_ =	swait.ge [sflag:s25], $0x2710  }
0x3b: {  	[sflag:s25] =	ssyncset.done $0x0  }
0x3c: {  	[sflag:s25] =	ssyncadd.s32 $0xFFFFD8F0  }
0x3d: {  	s26 =	simm.s32 $0x0;
	[bflag:$0x0] =	sbarrier.arrive $0xFFFF  }
0x3e: {  	[tilespmem:s29], [sflag:$0x1] =	stream.indirect.gather [hbm4b:s4+s28], $0x40, s26, s28, $0xb8;
	[tilespmem:$0x11DA0] =	vst v63  }
0x3f: {  	_ =	swait.ge [sflag:s30], $0x1400  }
0x40: {  	[sflag:s30] =	ssyncset.done $0x0  }
0x41: {  	s31 =	simm.s32 $0x2710;
	[sflag:s30] =	ssyncadd.s32 $0xFFFFEC00  }
0x42: {  	[spmem:s1] =	stream.indirect.scatter.add.f32 [tilespmem:s29], [sflag:$0x2], $0x40, s31, s28, $0xb8;
	[tilespmem:$0x11DA0] =	vst v63  }
0x43: {  	_ =	swait.ge [sflag:s25], $0x1400  }
0x44: {  	s0 =	simm.s32 $0x140;
	s2 =	simm.s32 $0x280;
	[sflag:s25] =	ssyncset.done $0x0  }
.LBB2_4:
0x45: {  	s11 =	sshra.s32 s0, $0x2  }
0x46: {  	[sflag:s25] =	ssyncadd.s32 $0xFFFFEC00;
	s0 =	smov.u32 s2;
	s12 =	sadd.s32 $0x140, s2  }
0x47: {  	[tilespmem:s29], [sflag:$0x1] =	stream.indirect.gather [hbm4b:s4+s28], $0x40, s11, s28, $0xb8;
	[tilespmem:$0x11DA0] =	vst v63  }
0x48: {  	p0 =	sne.s32 s2, $0x9B00;
	_ =	swait.ge [sflag:s30], $0x1400  }
.Ltmp1:
0x49: {  	[sflag:s30] =	ssyncset.done $0x0;
	(pc) =	sbr.rel @p0 .LBB2_4-.Ltmp1, $4  }
0x4a: {  	s2 =	sadd.s32 $0x2710, s11;
	[sflag:s30] =	ssyncadd.s32 $0xFFFFEC00  }
0x4b: {  	[spmem:s1] =	stream.indirect.scatter.add.f32 [tilespmem:s29], [sflag:$0x2], $0x40, s2, s28, $0xb8;
	[tilespmem:$0x11DA0] =	vst v63  }
0x4c: {  	_ =	swait.ge [sflag:s25], $0x1400  }
0x4d: {  	s2 =	smov.u32 s12;
	[sflag:s25] =	ssyncset.done $0x0  }
0x4e: {  	s0 =	sshra.s32 s0, $0x2;
	[sflag:s25] =	ssyncadd.s32 $0xFFFFEC00  }
0x4f: {  	[tilespmem:s29], [sflag:$0x1] =	stream.indirect.gather [hbm4b:s4+s28], $0x40, s0, s28, $0xb8;
	[tilespmem:$0x11DA0] =	vst v63  }
0x50: {  	_ =	swait.ge [sflag:s30], $0x1400  }
0x51: {  	[sflag:s30] =	ssyncset.done $0x0  }
0x52: {  	s0 =	sadd.s32 $0x2710, s0;
	[sflag:s30] =	ssyncadd.s32 $0xFFFFEC00  }
0x53: {  	[spmem:s1] =	stream.indirect.scatter.add.f32 [tilespmem:s29], [sflag:$0x2], $0x40, s0, s28, $0xb8;
	[tilespmem:$0x11DA0] =	vst v63  }
0x54: {  	_ =	swait.ge [sflag:s25], $0x1400  }
0x55: {  	[sflag:s25] =	ssyncset.done $0x0  }
0x56: {  	s14 =	stileid.u32;
	[sflag:s25] =	ssyncadd.s32 $0xFFFFEC00  }
0x57: {  	s0 =	sshll.u32 s14, $0x6;
	[bflag:$0x0] =	sbarrier.arrive $0xFFFF  }
0x58: {  	s31 =	sor.u32 $0x1C02, s0;
	s0 =	sshrl.u32 s6, $0x3;
	s2 =	rddreg [dreg:$0x5]  }
0x59: {  	[hbm:s2], [sflag:s31] =	dma.local [spmem:s0], $0x3E8  }
0x5a: {  	_ =	swait.ge [sflag:s25], $0x3E8  }
0x5b: {  	[sflag:s25] =	ssyncset.done $0x0  }
0x5c: {  	s2 =	sshrl.u32 s7, $0x3;
	s11 =	rddreg [dreg:$0x6];
	[sflag:s25] =	ssyncadd.s32 $0xFFFFFC18  }
0x5d: {  	[hbm:s11], [sflag:s31] =	dma.local [spmem:s2], $0x3E8  }
0x5e: {  	_ =	swait.ge [sflag:s25], $0x3E8  }
0x5f: {  	[sflag:s25] =	ssyncset.done $0x0  }
0x60: {  	s26 =	sshrl.u32 s8, $0x3;
	s15 =	rddreg [dreg:$0x7];
	[sflag:s25] =	ssyncadd.s32 $0xFFFFFC18  }
0x61: {  	[hbm:s15], [sflag:s31] =	dma.local [spmem:s26], $0x3E8  }
0x62: {  	_ =	swait.ge [sflag:s25], $0x3E8  }
0x63: {  	[sflag:s25] =	ssyncset.done $0x0  }
0x64: {  	s11 =	sshrl.u32 s9, $0x3;
	s12 =	rddreg [dreg:$0x8];
	[sflag:s25] =	ssyncadd.s32 $0xFFFFFC18  }
0x65: {  	[hbm:s12], [sflag:s31] =	dma.local [spmem:s11], $0x3E8  }
0x66: {  	_ =	swait.ge [sflag:s25], $0x3E8  }
0x67: {  	[sflag:s25] =	ssyncset.done $0x0  }
0x68: {  	s12 =	sshrl.u32 s10, $0x3;
	[sflag:s25] =	ssyncadd.s32 $0xFFFFFC18  }
0x69: {  	[hbm:s17], [sflag:s31] =	dma.local [spmem:s12], $0x3E8  }
0x6a: {  	_ =	swait.ge [sflag:s25], $0x3E8  }
0x6b: {  	[sflag:s25] =	ssyncset.done $0x0  }
0x6c: {  	[sflag:s25] =	ssyncadd.s32 $0xFFFFFC18  }
0x6d: {  	[spmem:s6] =	stream.linear.scatter [tilespmem:s24], [sflag:$0x2], $0x1F40, $0x38;
	[tilespmem:$0x11DA0] =	vst v63  }
0x6e: {  	_ =	swait.ge [sflag:s25], $0x1F40  }
0x6f: {  	[sflag:s25] =	ssyncset.done $0x0  }
0x70: {  	[sflag:s25] =	ssyncadd.s32 $0xFFFFE0C0  }
0x71: {  	[spmem:s7] =	stream.linear.scatter [tilespmem:s24], [sflag:$0x2], $0x1F40, $0x38;
	[tilespmem:$0x11DA0] =	vst v63  }
0x72: {  	_ =	swait.ge [sflag:s25], $0x1F40  }
0x73: {  	[sflag:s25] =	ssyncset.done $0x0  }
0x74: {  	[sflag:s25] =	ssyncadd.s32 $0xFFFFE0C0  }
0x75: {  	[spmem:s8] =	stream.linear.scatter [tilespmem:s24], [sflag:$0x2], $0x1F40, $0x38;
	[tilespmem:$0x11DA0] =	vst v63  }
0x76: {  	_ =	swait.ge [sflag:s25], $0x1F40  }
0x77: {  	[sflag:s25] =	ssyncset.done $0x0  }
0x78: {  	[sflag:s25] =	ssyncadd.s32 $0xFFFFE0C0  }
0x79: {  	[spmem:s9] =	stream.linear.scatter [tilespmem:s24], [sflag:$0x2], $0x1F40, $0x38;
	[tilespmem:$0x11DA0] =	vst v63  }
0x7a: {  	_ =	swait.ge [sflag:s25], $0x1F40  }
0x7b: {  	[sflag:s25] =	ssyncset.done $0x0  }
0x7c: {  	[sflag:s25] =	ssyncadd.s32 $0xFFFFE0C0  }
0x7d: {  	[spmem:s10] =	stream.linear.scatter [tilespmem:s24], [sflag:$0x2], $0x1F40, $0x38;
	[tilespmem:$0x11DA0] =	vst v63  }
0x7e: {  	_ =	swait.ge [sflag:s25], $0x1F40  }
0x7f: {  	[sflag:s25] =	ssyncset.done $0x0  }
0x80: {  	[sflag:s25] =	ssyncadd.s32 $0xFFFFE0C0  }
0x81: {  	s13 =	simm.s32 $0x0;
	[bflag:$0x0] =	sbarrier.arrive $0xFFFF  }
0x82: {  	[tilespmem:s29], [sflag:$0x1] =	stream.indirect.gather [hbm4b:s5+s28], $0x40, s13, s28, $0xb8;
	[tilespmem:$0x11DA0] =	vst v63  }
0x83: {  	_ =	swait.ge [sflag:s30], $0x1400  }
0x84: {  	[sflag:s30] =	ssyncset.done $0x0  }
0x85: {  	s16 =	simm.s32 $0x2710;
	[sflag:s30] =	ssyncadd.s32 $0xFFFFEC00  }
0x86: {  	[spmem:s1] =	stream.indirect.scatter.add.f32 [tilespmem:s29], [sflag:$0x2], $0x40, s16, s28, $0xb8;
	[tilespmem:$0x11DA0] =	vst v63  }
0x87: {  	_ =	swait.ge [sflag:s25], $0x1400  }
0x88: {  	s14 =	simm.s32 $0x280;
	s13 =	simm.s32 $0x140;
	[sflag:s25] =	ssyncset.done $0x0  }
.LBB2_6:
0x89: {  	s15 =	sshra.s32 s13, $0x2  }
0x8a: {  	[sflag:s25] =	ssyncadd.s32 $0xFFFFEC00;
	s13 =	smov.u32 s14;
	s16 =	sadd.s32 $0x140, s14  }
0x8b: {  	[tilespmem:s29], [sflag:$0x1] =	stream.indirect.gather [hbm4b:s5+s28], $0x40, s15, s28, $0xb8;
	[tilespmem:$0x11DA0] =	vst v63  }
0x8c: {  	p0 =	sne.s32 s14, $0x9B00;
	_ =	swait.ge [sflag:s30], $0x1400  }
.Ltmp2:
0x8d: {  	[sflag:s30] =	ssyncset.done $0x0;
	(pc) =	sbr.rel @p0 .LBB2_6-.Ltmp2, $4  }
0x8e: {  	s14 =	sadd.s32 $0x2710, s15;
	[sflag:s30] =	ssyncadd.s32 $0xFFFFEC00  }
0x8f: {  	[spmem:s1] =	stream.indirect.scatter.add.f32 [tilespmem:s29], [sflag:$0x2], $0x40, s14, s28, $0xb8;
	[tilespmem:$0x11DA0] =	vst v63  }
0x90: {  	_ =	swait.ge [sflag:s25], $0x1400  }
0x91: {  	s14 =	smov.u32 s16;
	[sflag:s25] =	ssyncset.done $0x0  }
0x92: {  	s13 =	sshra.s32 s13, $0x2;
	[sflag:s25] =	ssyncadd.s32 $0xFFFFEC00  }
0x93: {  	[tilespmem:s29], [sflag:$0x1] =	stream.indirect.gather [hbm4b:s5+s28], $0x40, s13, s28, $0xb8;
	[tilespmem:$0x11DA0] =	vst v63  }
0x94: {  	_ =	swait.ge [sflag:s30], $0x1400  }
0x95: {  	[sflag:s30] =	ssyncset.done $0x0  }
0x96: {  	s13 =	sadd.s32 $0x2710, s13;
	[sflag:s30] =	ssyncadd.s32 $0xFFFFEC00  }
0x97: {  	[spmem:s1] =	stream.indirect.scatter.add.f32 [tilespmem:s29], [sflag:$0x2], $0x40, s13, s28, $0xb8;
	[tilespmem:$0x11DA0] =	vst v63  }
0x98: {  	_ =	swait.ge [sflag:s25], $0x1400  }
0x99: {  	[sflag:s25] =	ssyncset.done $0x0  }
0x9a: {  	[sflag:s25] =	ssyncadd.s32 $0xFFFFEC00  }
0x9b: {  	[bflag:$0x0] =	sbarrier.arrive $0xFFFF  }
0x9c: {  	[hbm:s18], [sflag:s31] =	dma.local [spmem:s0], $0x3E8  }
0x9d: {  	_ =	swait.ge [sflag:s25], $0x3E8  }
0x9e: {  	[sflag:s25] =	ssyncset.done $0x0  }
0x9f: {  	[sflag:s25] =	ssyncadd.s32 $0xFFFFFC18  }
0xa0: {  	[hbm:s19], [sflag:s31] =	dma.local [spmem:s2], $0x3E8  }
0xa1: {  	_ =	swait.ge [sflag:s25], $0x3E8  }
0xa2: {  	[sflag:s25] =	ssyncset.done $0x0  }
0xa3: {  	[sflag:s25] =	ssyncadd.s32 $0xFFFFFC18  }
0xa4: {  	[hbm:s20], [sflag:s31] =	dma.local [spmem:s26], $0x3E8  }
0xa5: {  	_ =	swait.ge [sflag:s25], $0x3E8  }
0xa6: {  	[sflag:s25] =	ssyncset.done $0x0  }
0xa7: {  	[sflag:s25] =	ssyncadd.s32 $0xFFFFFC18  }
0xa8: {  	[hbm:s21], [sflag:s31] =	dma.local [spmem:s11], $0x3E8  }
0xa9: {  	s3 =	sadd.s32 $0x1, s3;
	_ =	swait.ge [sflag:s25], $0x3E8  }
0xaa: {  	p0 =	sne.s32 s3, s23;
	[sflag:s25] =	ssyncset.done $0x0  }
.Ltmp3:
0xab: {  	[sflag:s25] =	ssyncadd.s32 $0xFFFFFC18;
	(pc) =	sbr.rel @p0 .LBB2_1-.Ltmp3, $4  }
0xac: {  	[hbm:s22], [sflag:s31] =	dma.local [spmem:s12], $0x3E8  }
0xad: {  	_ =	swait.ge [sflag:s25], $0x3E8  }
0xae: {  	[sflag:s25] =	ssyncset.done $0x0  }
0xaf: {  	[sflag:s25] =	ssyncadd.s32 $0xFFFFFC18  }
0xb0: {  	_ =	sfence.sel $0x180000  }
0xb1: {  	[bflag:$0x0] =	sbarrier.arrive $0xFFFF  }
0xb2: {  	_ =	strace $0x9000004A  }
0xb3: {  	s0 =	stileid.u32;
	[bflag:$0x2] =	sbarrier.arrive $0xFFFF  }
0xb4: {  	p0 =	sne.s32 s0, $0x0;
	s0 =	rddreg [dreg:$0x2]  }
0xb5: {  	s0 =	sadd.s32 @!p0 $0x100000, s0  }
0xb6: {  	[sflag:s0] =	ssyncadd.tile.s32 @!p0 $0x1;
	_ =	shalt  }
.Lfunc_end2:
_tile_overlayer_lowered:
.L_overlay_start_2:
0xb7: {  	(tag) =	ssettag $0x2  }
0xb8: {  	s0 =	rddreg [dreg:$0x0];
	s2 =	stileid.u32  }
0xb9: {  	s1 =	rddreg [dreg:$0x1];
	p0 =	sne.s32 s2, $0x0  }
0xba: {  	s3 =	rddreg [dreg:$0x2];
	[bflag:$0x3] =	sbarrier.arrive $0xFFFF;
	s2 =	simm.s32 @!p0 $0x1C02  }
0xbb: {  	[timem:s3], [sflag:s2] =	dma.local @!p0 [hbm:s0], s1  }
0xbc: {  	s0 =	simm.s32 @!p0 $0x2  }
0xbd: {  	_ =	swait.ge @!p0 [sflag:s0], s1  }
0xbe: {  	s1 =	ssub.s32 @!p0 $0x0, s1;
	[sflag:s0] =	ssyncset.done @!p0 $0x0  }
0xbf: {  	[sflag:s0] =	ssyncadd.s32 @!p0 s1  }
0xc0: {  	[bflag:$0x3] =	sbarrier.arrive $0xFFFF  }
0xc1: {  	_ =	shalt  }

// kernel: kernel.15.cloned.1.call-start
scs
__scs_entry_jumppad:
0x0: {  	(pc) =	sbr.rel $0x88, $3  }
0x1: {  	(tag) =	ssettag $0x0;
	lr =	simm.s32 $0x1  }
0x2: {  	[smem:$0x3F9B] =	sst lr;
	_ =	strace $0xD0000000  }
0x3: {  	_ = 	snop  }
0x4: {  	_ = 	snop  }
0x5: {  	_ = 	snop  }
0x6: {  	_ = 	snop  }
0x7: {  	_ = 	snop  }
__scs_overlays_trampoline_lowered:
0x8: {  	[smem:$0x3FAA] =	sst s0  }
0x9: {  	[smem:$0x3FAB] =	sst s1  }
0xa: {  	[smem:$0x3FAC] =	sst s2  }
0xb: {  	[smem:$0x3FAD] =	sst s3  }
0xc: {  	[smem:$0x3FAE] =	sst s4  }
0xd: {  	[smem:$0x3FAF] =	sst s5  }
0xe: {  	[smem:$0x3FB0] =	sst s6  }
0xf: {  	[smem:$0x3FB1] =	sst s7  }
0x10: {  	[smem:$0x3FB2] =	sst s8  }
0x11: {  	[smem:$0x3FB3] =	sst s9;
	s0 =	simm.s32 @!p0 $0x0  }
0x12: {  	s1 =	sld [smem:$0x3F99];
	s0 =	simm.s32 @p0 $0x1  }
0x13: {  	[smem:$0x3FB4] =	sst s0;
	s0 =	simm.s32 @!p1 $0x0  }
0x14: {  	s2 =	sld [smem:$0x3F98];
	s0 =	simm.s32 @p1 $0x1  }
0x15: {  	[smem:$0x3FB5] =	sst s0;
	s0 =	simm.s32 @!p2 $0x0  }
0x16: {  	s3 =	sld [smem:$0x3FDB];
	s0 =	simm.s32 @p2 $0x1  }
0x17: {  	s4 =	simm.s32 $0x1BF5;
	[smem:$0x3FB7] =	sst s0  }
0x18: {  	s0 =	sld [smem:$0x3F9A];
	_ =	swait.ge [sflag:s4], $0x0  }
0x19: {  	s7 =	sld [smem:$0x3F9B]  }
0x1a: {  	s8 =	sadd.s32 $0xFFFFE003, lr  }
0x1b: {  	s9 =	sadd.s32 $0xFFFFFEF7, lr;
	s5 =	simm.s32 $0xFFFFFFFF;
	p2 =	slt.u32 s8, $0xFFFFF086  }
0x1c: {  	p1 =	slt.u32 s9, $0xF7A;
	s5 =	simm.s32 @!p2 $0x0  }
0x1d: {  	s5 =	simm.s32 @p1 $0x1;
	p0 =	seq.s32 s7, s2  }
0x1e: {  	s7 =	smul.u32 @!p0 $0xF7A, s2;
	p2 =	seq.s32 @!p0 s5, $0x0  }
0x1f: {  	s9 =	smul.u32 $0xF7A, s1;
	s8 =	simm.s32 @!p0 $0x1BF5;
	p2 =	por !p2, p0  }
0x20: {  	[sflag:s8] =	ssyncset.s32 @!p0 $0xFFFFF086;
	s6 =	sadd.s32 @!p0 s3, s7;
	s7 =	simm.s32 @!p0 $0x108  }
0x21: {  	s3 =	sadd.s32 s3, s9;
	s6 =	sadd.s32 @!p0 $0x88, s6;
	s7 =	simm.s32 @p2 $0x1082  }
0x22: {  	[simem:s7], [sflag:s8] =	dma.local @!p0 [hbm:s6], $0xF7A  }
0x23: {  	s9 =	sor.u32 $0xD0000000, s2;
	s6 =	simm.s32 $0x108;
	_ =	swait.ge @!p0 [sflag:s8], $0x0  }
0x24: {  	s3 =	sadd.s32 $0x88, s3;
	s6 =	simm.s32 @!p1 $0x1082;
	[sflag:s4] =	ssyncset.s32 $0xFFFFF086  }
0x25: {  	[simem:s6], [sflag:s4] =	dma.local [hbm:s3], $0xF7A  }
0x26: {  	[smem:$0x3F9B] =	sst s1;
	(tag) =	ssettag s2;
	_ =	strace s9  }
0x27: {  	s1 =	sld [smem:$0x3FAB]  }
0x28: {  	s2 =	sld [smem:$0x3FAC]  }
0x29: {  	s4 =	sld [smem:$0x3FAE]  }
0x2a: {  	p0 =	seq.s32 s5, $0x0;
	s5 =	sld [smem:$0x3FAF]  }
0x2b: {  	s6 =	sld [smem:$0x3FB0]  }
0x2c: {  	s7 =	sld [smem:$0x3FB1]  }
0x2d: {  	s3 =	simm.s32 $0x108;
	s8 =	sld [smem:$0x3FB2]  }
0x2e: {  	s3 =	simm.s32 @!p0 $0x1082;
	s9 =	sld [smem:$0x3FB3]  }
0x2f: {  	lr =	sadd.s32 s0, s3;
	s0 =	sld [smem:$0x3FAA]  }
0x30: {  	s3 =	sld [smem:$0x3FAD]  }
0x31: {  	[smem:$0x3FB6] =	sst s10  }
0x32: {  	s10 =	sld [smem:$0x3FB4];
	_ =	sdelay $0x3  }
0x33: {  	p0 =	seq.s32 s10, $0x1;
	s10 =	sld [smem:$0x3FB6];
	_ =	sdelay $0x3  }
0x34: {  	[smem:$0x3FB6] =	sst s10  }
0x35: {  	s10 =	sld [smem:$0x3FB5];
	_ =	sdelay $0x3  }
0x36: {  	p1 =	seq.s32 s10, $0x1;
	s10 =	sld [smem:$0x3FB6];
	_ =	sdelay $0x3  }
0x37: {  	[smem:$0x3FB6] =	sst s10  }
0x38: {  	s10 =	sld [smem:$0x3FB7]  }
0x39: {  	_ = 	snop;
	(pc) =	sbr.ind lr, $3  }
0x3a: {  	_ = 	snop  }
0x3b: {  	_ = 	snop  }
0x3c: {  	p2 =	seq.s32 s10, $0x1;
	s10 =	sld [smem:$0x3FB6]  }
0x3d: {  	_ =	shalt  }
0x3e: {  	_ =	shalt  }
0x3f: {  	_ =	shalt  }
0x40: {  	_ =	shalt  }
0x41: {  	_ =	shalt  }
0x42: {  	_ =	shalt  }
0x43: {  	_ =	shalt  }
0x44: {  	_ =	shalt  }
0x45: {  	_ =	shalt  }
0x46: {  	_ =	shalt  }
0x47: {  	_ =	shalt  }
0x48: {  	_ =	shalt  }
0x49: {  	_ =	shalt  }
0x4a: {  	_ =	shalt  }
0x4b: {  	_ =	shalt  }
0x4c: {  	_ =	shalt  }
0x4d: {  	_ =	shalt  }
0x4e: {  	_ =	shalt  }
0x4f: {  	_ =	shalt  }
0x50: {  	_ =	shalt  }
0x51: {  	_ =	shalt  }
0x52: {  	_ =	shalt  }
0x53: {  	_ =	shalt  }
0x54: {  	_ =	shalt  }
0x55: {  	_ =	shalt  }
0x56: {  	_ =	shalt  }
0x57: {  	_ =	shalt  }
0x58: {  	_ =	shalt  }
0x59: {  	_ =	shalt  }
0x5a: {  	_ =	shalt  }
0x5b: {  	_ =	shalt  }
0x5c: {  	_ =	shalt  }
0x5d: {  	_ =	shalt  }
0x5e: {  	_ =	shalt  }
0x5f: {  	_ =	shalt  }
0x60: {  	_ =	shalt  }
0x61: {  	_ =	shalt  }
0x62: {  	_ =	shalt  }
0x63: {  	_ =	shalt  }
0x64: {  	_ =	shalt  }
0x65: {  	_ =	shalt  }
0x66: {  	_ =	shalt  }
0x67: {  	_ =	shalt  }
0x68: {  	_ =	shalt  }
0x69: {  	_ =	shalt  }
0x6a: {  	_ =	shalt  }
0x6b: {  	_ =	shalt  }
0x6c: {  	_ =	shalt  }
0x6d: {  	_ =	shalt  }
0x6e: {  	_ =	shalt  }
0x6f: {  	_ =	shalt  }
0x70: {  	_ =	shalt  }
0x71: {  	_ =	shalt  }
0x72: {  	_ =	shalt  }
0x73: {  	_ =	shalt  }
0x74: {  	_ =	shalt  }
0x75: {  	_ =	shalt  }
0x76: {  	_ =	shalt  }
0x77: {  	_ =	shalt  }
0x78: {  	_ =	shalt  }
0x79: {  	_ =	shalt  }
0x7a: {  	_ =	shalt  }
0x7b: {  	_ =	shalt  }
0x7c: {  	_ =	shalt  }
0x7d: {  	_ =	shalt  }
0x7e: {  	_ =	shalt  }
0x7f: {  	_ =	shalt  }
0x80: {  	_ =	shalt  }
0x81: {  	_ =	shalt  }
0x82: {  	_ =	shalt  }
0x83: {  	_ =	shalt  }
0x84: {  	_ =	shalt  }
0x85: {  	_ =	shalt  }
0x86: {  	_ =	shalt  }
0x87: {  	_ =	shalt  }
.Lfunc_end0:
.L_simem_size_0:
called_computation.2_lowered:
.L_overlay_start_0:
0x88: {  	s2 =	sld [smem:$0x3FD9]  }
0x89: {  	s3 =	sld [smem:$0x3FFE];
	_ =	sdelay $0x1  }
0x8a: {  	s1 =	srdreg.scid  }
0x8b: {  	s0 =	sand.u32 $0x1, s1  }
0x8c: {  	s16 =	sshll.u32 s0, $0xA;
	s2 =	sadd.s32 s3, s2  }
0x8d: {  	s2 =	sadd.s32 s2, s16  }
0x8e: {  	[smem:$0x3FC2] =	sst s2  }
0x8f: {  	_ = 	snop  }
0x90: {  	(tm) =	ssettm $0x1  }
0x91: {  	s17 =	sld [smem:$0x3FFB];
	_ =	sdelay $0x3  }
0x92: {  	_ =	strace s17  }
0x93: {  	s2 =	sld [smem:$0x3FFC];
	_ =	sdelay $0x3  }
0x94: {  	_ =	strace s2  }
0x95: {  	s2 =	sld [smem:$0x3FFD];
	_ =	sdelay $0x3  }
0x96: {  	_ =	strace s2  }
0x97: {  	_ =	strace $0x8FFFFFFF  }
0x98: {  	s18 =	sld [smem:$0x3FDB];
	_ =	sdelay $0x1  }
0x99: {  	s19 =	simm.s32 $_scs_section_size  }
0x9a: {  	s4 =	simm.s32 $_size__tile_overlayer_lowered;
	s5 =	simm.s32 $_tile_overlayer_lowered  }
0x9b: {  	s22 =	simm.s32 $0x1BFF;
	s21 =	sshll.u32 s5, $0x1;
	s2 =	sadd.s32 s19, s18  }
0x9c: {  	s6 =	simm.s32 $0x0;
	s20 =	sshll.u32 s4, $0x1;
	s4 =	sadd.s32 s21, s2  }
0x9d: {  	[timem:s6], [sflag:s22] =	dma.local [hbm:s4], s20  }
0x9e: {  	_ =	swait.ge [sflag:s22], s20  }
0x9f: {  	s3 =	ssub.s32 $0x0, s20;
	[sflag:s22] =	ssyncset.done $0x0  }
0xa0: {  	[sflag:s22] =	ssyncadd.s32 s3;
	_ =	sdelay $0x1  }
0xa1: {  	s23 =	simm.s32 $0x1B8B  }
0xa2: {  	_ =	swait.ge [sflag:s23], $0x1  }
0xa3: {  	[sflag:s23] =	ssyncset.done $0x0  }
0xa4: {  	s25 =	simm.s32 $0x1B8E;
	s24 =	sld [smem:$0x3FFE];
	[sflag:s23] =	ssyncadd.s32 $0xFFFFFFFF  }
0xa5: {  	s26 =	simm.s32 $execute0_lowered;
	[smem:$0x3FD2] =	sst s25  }
0xa6: {  	s4 =	sshll.u32 s26, $0x1;
	_ =	strace $0x8000004C;
	[dreg:$0x1] =	wrdreg $0xFFFFFFFF  }
0xa7: {  	s28 =	simm.s32 $_size_execute0_lowered;
	s2 =	sadd.s32 s2, s4;
	[dreg:$0x0] =	wrdreg $0x0  }
0xa8: {  	s4 =	sshll.u32 s28, $0x1;
	[dreg:$0x2] =	wrdreg s2  }
0xa9: {  	[dreg:$0x3] =	wrdreg s4  }
0xaa: {  	[dreg:$0x4] =	wrdreg $0xC0  }
0xab: {  	_ =	task [dreg:s6], $0x5FFFF  }
0xac: {  	[dreg:$0x1] =	wrdreg $0xFFFFFFFF  }
0xad: {  	[dreg:$0x0] =	wrdreg $0x60  }
0xae: {  	[dreg:$0x2] =	wrdreg s24  }
0xaf: {  	[dreg:$0x3] =	wrdreg $0x81600  }
0xb0: {  	[dreg:$0x4] =	wrdreg $0x9  }
0xb1: {  	_ =	task.clear_ibuf [dreg:s6], $0x5FFFF;
	_ =	strace $0x9000004C  }
0xb2: {  	s29 =	simm.s32 $0x9;
	_ =	strace $0x8000004E  }
0xb3: {  	_ =	swait.ge [sflag:s29], $0x1  }
0xb4: {  	[sflag:s29] =	ssyncadd.s32 $0xFFFFFFFF  }
0xb5: {  	_ =	strace $0x9000004E  }
0xb6: {  	_ =	sfence  }
0xb7: {  	s30 =	sld [smem:$0x0];
	_ =	sdelay $0x2  }
0xb8: {  	s31 =	sshll.u32 s1, $0xD;
	s1 =	sshrl.u32 s1, $0x2  }
0xb9: {  	s3 =	sand.u32 $0x4000, s31;
	s1 =	sadd.s32 s1, s30  }
0xba: {  	s0 =	sor.u32 s3, s0;
	s1 =	sshll.u32 s1, $0x11  }
0xbb: {  	s0 =	sor.u32 s1, s0  }
0xbc: {  	s0 =	sadd.s32 $0x8F2B, s0  }
0xbd: {  	[sflag:s0] =	ssyncadd.remote.s32 $0x1  }
0xbe: {  	_ =	sfence.sel $0xFFFF  }
0xbf: {  	[dreg:$0x0] =	wrdreg $0xFFFFFFFF;
	(pc) =	sbr.abs _section_cstart, $3  }
0xc0: {  	[dreg:$0x1] =	wrdreg $0xFFFFFFFF  }
0xc1: {  	_ =	task.clear_ibuf [dreg:s6], $0x2FFFF;
	_ =	strace $0x9FFFFFFF  }
0xc2: {  	(tm) =	ssettm $0x7FFFFFFF  }
0xc3: {  	_ =	shalt  }
tec
execute0_lowered:
.L_overlay_start_1:
0x0: {  	(tag) =	ssettag $0x1  }
0x1: {  	s0 =	rddreg [dreg:$0x0]  }
0x2: {  	s1 =	rddreg [dreg:$0x1];
	s2 =	srdreg.scid;
	s3 =	simm.s32 $0x0  }
0x3: {  	s7 =	stileid.u32;
	s28 =	simm.s32 $0x50;
	s29 =	simm.s32 $0x4E20  }
0x4: {  	s30 =	simm.s32 $0x1;
	s2 =	sand.u32 $0x1, s2;
	[smem:$0x7FF] =	sst s3  }
0x5: {  	s5 =	sadd.s32 $0x2A400, s0;
	s11 =	smul.u32 $0x9C40, s7;
	s13 =	sadd.s32 $0x65000, s0  }
0x6: {  	s4 =	sshll.u32 s2, $0x4;
	_ =	strace $0x8000004D;
	s19 =	ssub.s32 $0x2, s2  }
0x7: {  	s2 =	smul.u32 $0x9C400, s2;
	s4 =	sor.u32 s7, s4;
	s20 =	sshrl.u32 s19, $0x1  }
0x8: {  	s14 =	sadd.s32 $0x1F40, s11;
	s15 =	sadd.s32 $0x3E80, s11;
	s16 =	sadd.s32 $0x5DC0, s11  }
0x9: {  	s17 =	sadd.s32 $0x7D00, s11;
	s6 =	smul.u32 $0x4E2, s4;
	s4 =	sadd.s32 $0x16A00, s0  }
0xa: {  	s23 =	ssub.s32 s19, s20;
	s7 =	sadd.s32 s14, s1;
	s8 =	sadd.s32 s15, s1  }
0xb: {  	s9 =	sadd.s32 s16, s1;
	s10 =	sadd.s32 s17, s1;
	s14 =	sadd.s32 s2, s14  }
0xc: {  	s24 =	sadd.s32 s2, s15;
	s25 =	sadd.s32 s2, s16;
	s14 =	sshrl.u32 s14, $0x3  }
0xd: {  	s23 =	smax.u32 s23, $0x1;
	s12 =	sadd.s32 s6, s0;
	s0 =	sadd.s32 $0x3DE00, s0  }
0xe: {  	s6 =	sadd.s32 s11, s1;
	s11 =	sadd.s32 s11, s2;
	s22 =	sadd.s32 s13, s14  }
0xf: {  	s2 =	sadd.s32 s2, s17;
	s18 =	sadd.s32 $0x2E00, s12;
	[dreg:$0x6] =	wrdreg s22  }
0x10: {  	s11 =	sshrl.u32 s11, $0x3;
	s12 =	sadd.s32 $0xCC00, s12;
	[dreg:$0x3] =	wrdreg s18  }
0x11: {  	s2 =	sshrl.u32 s2, $0x3;
	s19 =	sadd.s32 s0, s14;
	[dreg:$0x4] =	wrdreg s12  }
0x12: {  	s21 =	sadd.s32 s13, s11;
	s12 =	sshrl.u32 s24, $0x3;
	s17 =	sadd.s32 s13, s2  }
0x13: {  	s18 =	sadd.s32 s0, s11;
	s22 =	sadd.s32 s0, s2;
	s24 =	simm.s32 $0x6220  }
0x14: {  	[dreg:$0x5] =	wrdreg s21;
	s21 =	sshrl.u32 s25, $0x3;
	s26 =	sadd.s32 s13, s12  }
0x15: {  	s20 =	sadd.s32 s0, s12;
	[dreg:$0x7] =	wrdreg s26;
	s31 =	sadd.s32 s13, s21  }
0x16: {  	v0 =	vimm.f32 $0.0e+00;
	s25 =	simm.s32 $0x2;
	s21 =	sadd.s32 s0, s21;
	[dreg:$0x8] =	wrdreg s31  }
.LBB2_1:
0x17: {  	s2 =	simm.s32 $0x100;
	s0 =	simm.s32 $0x0  }
.LBB2_2:
0x18: {  	p0 =	sne.s32 s2, $0x7C00;
	[tilespmem:s0+$0x6250] =	vst v0;
	s11 =	smov.u32 s2;
	s2 =	sadd.s32 $0x100, s2  }
.Ltmp0:
0x19: {  	[tilespmem:s0+$0x6240] =	vst v0;
	(pc) =	sbr.rel @p0 .LBB2_2-.Ltmp0, $3  }
0x1a: {  	[tilespmem:s0+$0x6220] =	vst v0  }
0x1b: {  	[tilespmem:s0+$0x6230] =	vst v0;
	_ =	sdelay $0x1  }
0x1c: {  	s0 =	sshra.s32 s11, $0x2  }
0x1d: {  	[tilespmem:s0+$0x6250] =	vst v0  }
0x1e: {  	[tilespmem:s0+$0x6240] =	vst v0  }
0x1f: {  	[tilespmem:s0+$0x6220] =	vst v0  }
0x20: {  	[tilespmem:s0+$0x6230] =	vst v0  }
0x21: {  	[spmem:s6] =	stream.linear.scatter [tilespmem:s24], [sflag:$0x2], $0x1F40, $0x38;
	[tilespmem:$0x11DA0] =	vst v63  }
0x22: {  	_ =	swait.ge [sflag:s25], $0x1F40  }
0x23: {  	[sflag:s25] =	ssyncset.done $0x0  }
0x24: {  	[sflag:s25] =	ssyncadd.s32 $0xFFFFE0C0  }
0x25: {  	[spmem:s7] =	stream.linear.scatter [tilespmem:s24], [sflag:$0x2], $0x1F40, $0x38;
	[tilespmem:$0x11DA0] =	vst v63  }
0x26: {  	_ =	swait.ge [sflag:s25], $0x1F40  }
0x27: {  	[sflag:s25] =	ssyncset.done $0x0  }
0x28: {  	[sflag:s25] =	ssyncadd.s32 $0xFFFFE0C0  }
0x29: {  	[spmem:s8] =	stream.linear.scatter [tilespmem:s24], [sflag:$0x2], $0x1F40, $0x38;
	[tilespmem:$0x11DA0] =	vst v63  }
0x2a: {  	_ =	swait.ge [sflag:s25], $0x1F40  }
0x2b: {  	[sflag:s25] =	ssyncset.done $0x0  }
0x2c: {  	[sflag:s25] =	ssyncadd.s32 $0xFFFFE0C0  }
0x2d: {  	[spmem:s9] =	stream.linear.scatter [tilespmem:s24], [sflag:$0x2], $0x1F40, $0x38;
	[tilespmem:$0x11DA0] =	vst v63  }
0x2e: {  	_ =	swait.ge [sflag:s25], $0x1F40  }
0x2f: {  	[sflag:s25] =	ssyncset.done $0x0  }
0x30: {  	[sflag:s25] =	ssyncadd.s32 $0xFFFFE0C0  }
0x31: {  	[spmem:s10] =	stream.linear.scatter [tilespmem:s24], [sflag:$0x2], $0x1F40, $0x38;
	[tilespmem:$0x11DA0] =	vst v63  }
0x32: {  	_ =	swait.ge [sflag:s25], $0x1F40  }
0x33: {  	[sflag:s25] =	ssyncset.done $0x0  }
0x34: {  	s15 =	simm.s32 $0x0;
	s2 =	rddreg [dreg:$0x3];
	[sflag:s25] =	ssyncadd.s32 $0xFFFFE0C0  }
0x35: {  	[tilespmem:s15], [sflag:$0x2] =	stream.linear.gather [hbm4b:s2+s15], $0x2710, $0x38;
	[tilespmem:$0x11DA0] =	vst v63  }
0x36: {  	_ =	swait.ge [sflag:s25], $0x2710  }
0x37: {  	[sflag:s25] =	ssyncset.done $0x0  }
0x38: {  	s11 =	simm.s32 $0x2710;
	s16 =	rddreg [dreg:$0x4];
	[sflag:s25] =	ssyncadd.s32 $0xFFFFD8F0  }
0x39: {  	[tilespmem:s11], [sflag:$0x2] =	stream.linear.gather [hbm4b:s16+s15], $0x2710, $0x38;
	[tilespmem:$0x11DA0] =	vst v63  }
0x3a: {  	_ =	swait.ge [sflag:s25], $0x2710  }
0x3b: {  	[sflag:s25] =	ssyncset.done $0x0  }
0x3c: {  	[sflag:s25] =	ssyncadd.s32 $0xFFFFD8F0  }
0x3d: {  	s26 =	simm.s32 $0x0;
	[bflag:$0x0] =	sbarrier.arrive $0xFFFF  }
0x3e: {  	[tilespmem:s29], [sflag:$0x1] =	stream.indirect.gather [hbm4b:s4+s28], $0x40, s26, s28, $0xb8;
	[tilespmem:$0x11DA0] =	vst v63  }
0x3f: {  	_ =	swait.ge [sflag:s30], $0x1400  }
0x40: {  	[sflag:s30] =	ssyncset.done $0x0  }
0x41: {  	s31 =	simm.s32 $0x2710;
	[sflag:s30] =	ssyncadd.s32 $0xFFFFEC00  }
0x42: {  	[spmem:s1] =	stream.indirect.scatter.add.f32 [tilespmem:s29], [sflag:$0x2], $0x40, s31, s28, $0xb8;
	[tilespmem:$0x11DA0] =	vst v63  }
0x43: {  	_ =	swait.ge [sflag:s25], $0x1400  }
0x44: {  	s0 =	simm.s32 $0x140;
	s2 =	simm.s32 $0x280;
	[sflag:s25] =	ssyncset.done $0x0  }
.LBB2_4:
0x45: {  	s11 =	sshra.s32 s0, $0x2  }
0x46: {  	[sflag:s25] =	ssyncadd.s32 $0xFFFFEC00;
	s0 =	smov.u32 s2;
	s12 =	sadd.s32 $0x140, s2  }
0x47: {  	[tilespmem:s29], [sflag:$0x1] =	stream.indirect.gather [hbm4b:s4+s28], $0x40, s11, s28, $0xb8;
	[tilespmem:$0x11DA0] =	vst v63  }
0x48: {  	p0 =	sne.s32 s2, $0x9B00;
	_ =	swait.ge [sflag:s30], $0x1400  }
.Ltmp1:
0x49: {  	[sflag:s30] =	ssyncset.done $0x0;
	(pc) =	sbr.rel @p0 .LBB2_4-.Ltmp1, $4  }
0x4a: {  	s2 =	sadd.s32 $0x2710, s11;
	[sflag:s30] =	ssyncadd.s32 $0xFFFFEC00  }
0x4b: {  	[spmem:s1] =	stream.indirect.scatter.add.f32 [tilespmem:s29], [sflag:$0x2], $0x40, s2, s28, $0xb8;
	[tilespmem:$0x11DA0] =	vst v63  }
0x4c: {  	_ =	swait.ge [sflag:s25], $0x1400  }
0x4d: {  	s2 =	smov.u32 s12;
	[sflag:s25] =	ssyncset.done $0x0  }
0x4e: {  	s0 =	sshra.s32 s0, $0x2;
	[sflag:s25] =	ssyncadd.s32 $0xFFFFEC00  }
0x4f: {  	[tilespmem:s29], [sflag:$0x1] =	stream.indirect.gather [hbm4b:s4+s28], $0x40, s0, s28, $0xb8;
	[tilespmem:$0x11DA0] =	vst v63  }
0x50: {  	_ =	swait.ge [sflag:s30], $0x1400  }
0x51: {  	[sflag:s30] =	ssyncset.done $0x0  }
0x52: {  	s0 =	sadd.s32 $0x2710, s0;
	[sflag:s30] =	ssyncadd.s32 $0xFFFFEC00  }
0x53: {  	[spmem:s1] =	stream.indirect.scatter.add.f32 [tilespmem:s29], [sflag:$0x2], $0x40, s0, s28, $0xb8;
	[tilespmem:$0x11DA0] =	vst v63  }
0x54: {  	_ =	swait.ge [sflag:s25], $0x1400  }
0x55: {  	[sflag:s25] =	ssyncset.done $0x0  }
0x56: {  	s14 =	stileid.u32;
	[sflag:s25] =	ssyncadd.s32 $0xFFFFEC00  }
0x57: {  	s0 =	sshll.u32 s14, $0x6;
	[bflag:$0x0] =	sbarrier.arrive $0xFFFF  }
0x58: {  	s31 =	sor.u32 $0x1C02, s0;
	s0 =	sshrl.u32 s6, $0x3;
	s2 =	rddreg [dreg:$0x5]  }
0x59: {  	[hbm:s2], [sflag:s31] =	dma.local [spmem:s0], $0x3E8  }
0x5a: {  	_ =	swait.ge [sflag:s25], $0x3E8  }
0x5b: {  	[sflag:s25] =	ssyncset.done $0x0  }
0x5c: {  	s2 =	sshrl.u32 s7, $0x3;
	s11 =	rddreg [dreg:$0x6];
	[sflag:s25] =	ssyncadd.s32 $0xFFFFFC18  }
0x5d: {  	[hbm:s11], [sflag:s31] =	dma.local [spmem:s2], $0x3E8  }
0x5e: {  	_ =	swait.ge [sflag:s25], $0x3E8  }
0x5f: {  	[sflag:s25] =	ssyncset.done $0x0  }
0x60: {  	s26 =	sshrl.u32 s8, $0x3;
	s15 =	rddreg [dreg:$0x7];
	[sflag:s25] =	ssyncadd.s32 $0xFFFFFC18  }
0x61: {  	[hbm:s15], [sflag:s31] =	dma.local [spmem:s26], $0x3E8  }
0x62: {  	_ =	swait.ge [sflag:s25], $0x3E8  }
0x63: {  	[sflag:s25] =	ssyncset.done $0x0  }
0x64: {  	s11 =	sshrl.u32 s9, $0x3;
	s12 =	rddreg [dreg:$0x8];
	[sflag:s25] =	ssyncadd.s32 $0xFFFFFC18  }
0x65: {  	[hbm:s12], [sflag:s31] =	dma.local [spmem:s11], $0x3E8  }
0x66: {  	_ =	swait.ge [sflag:s25], $0x3E8  }
0x67: {  	[sflag:s25] =	ssyncset.done $0x0  }
0x68: {  	s12 =	sshrl.u32 s10, $0x3;
	[sflag:s25] =	ssyncadd.s32 $0xFFFFFC18  }
0x69: {  	[hbm:s17], [sflag:s31] =	dma.local [spmem:s12], $0x3E8  }
0x6a: {  	_ =	swait.ge [sflag:s25], $0x3E8  }
0x6b: {  	[sflag:s25] =	ssyncset.done $0x0  }
0x6c: {  	[sflag:s25] =	ssyncadd.s32 $0xFFFFFC18  }
0x6d: {  	[spmem:s6] =	stream.linear.scatter [tilespmem:s24], [sflag:$0x2], $0x1F40, $0x38;
	[tilespmem:$0x11DA0] =	vst v63  }
0x6e: {  	_ =	swait.ge [sflag:s25], $0x1F40  }
0x6f: {  	[sflag:s25] =	ssyncset.done $0x0  }
0x70: {  	[sflag:s25] =	ssyncadd.s32 $0xFFFFE0C0  }
0x71: {  	[spmem:s7] =	stream.linear.scatter [tilespmem:s24], [sflag:$0x2], $0x1F40, $0x38;
	[tilespmem:$0x11DA0] =	vst v63  }
0x72: {  	_ =	swait.ge [sflag:s25], $0x1F40  }
0x73: {  	[sflag:s25] =	ssyncset.done $0x0  }
0x74: {  	[sflag:s25] =	ssyncadd.s32 $0xFFFFE0C0  }
0x75: {  	[spmem:s8] =	stream.linear.scatter [tilespmem:s24], [sflag:$0x2], $0x1F40, $0x38;
	[tilespmem:$0x11DA0] =	vst v63  }
0x76: {  	_ =	swait.ge [sflag:s25], $0x1F40  }
0x77: {  	[sflag:s25] =	ssyncset.done $0x0  }
0x78: {  	[sflag:s25] =	ssyncadd.s32 $0xFFFFE0C0  }
0x79: {  	[spmem:s9] =	stream.linear.scatter [tilespmem:s24], [sflag:$0x2], $0x1F40, $0x38;
	[tilespmem:$0x11DA0] =	vst v63  }
0x7a: {  	_ =	swait.ge [sflag:s25], $0x1F40  }
0x7b: {  	[sflag:s25] =	ssyncset.done $0x0  }
0x7c: {  	[sflag:s25] =	ssyncadd.s32 $0xFFFFE0C0  }
0x7d: {  	[spmem:s10] =	stream.linear.scatter [tilespmem:s24], [sflag:$0x2], $0x1F40, $0x38;
	[tilespmem:$0x11DA0] =	vst v63  }
0x7e: {  	_ =	swait.ge [sflag:s25], $0x1F40  }
0x7f: {  	[sflag:s25] =	ssyncset.done $0x0  }
0x80: {  	[sflag:s25] =	ssyncadd.s32 $0xFFFFE0C0  }
0x81: {  	s13 =	simm.s32 $0x0;
	[bflag:$0x0] =	sbarrier.arrive $0xFFFF  }
0x82: {  	[tilespmem:s29], [sflag:$0x1] =	stream.indirect.gather [hbm4b:s5+s28], $0x40, s13, s28, $0xb8;
	[tilespmem:$0x11DA0] =	vst v63  }
0x83: {  	_ =	swait.ge [sflag:s30], $0x1400  }
0x84: {  	[sflag:s30] =	ssyncset.done $0x0  }
0x85: {  	s16 =	simm.s32 $0x2710;
	[sflag:s30] =	ssyncadd.s32 $0xFFFFEC00  }
0x86: {  	[spmem:s1] =	stream.indirect.scatter.add.f32 [tilespmem:s29], [sflag:$0x2], $0x40, s16, s28, $0xb8;
	[tilespmem:$0x11DA0] =	vst v63  }
0x87: {  	_ =	swait.ge [sflag:s25], $0x1400  }
0x88: {  	s14 =	simm.s32 $0x280;
	s13 =	simm.s32 $0x140;
	[sflag:s25] =	ssyncset.done $0x0  }
.LBB2_6:
0x89: {  	s15 =	sshra.s32 s13, $0x2  }
0x8a: {  	[sflag:s25] =	ssyncadd.s32 $0xFFFFEC00;
	s13 =	smov.u32 s14;
	s16 =	sadd.s32 $0x140, s14  }
0x8b: {  	[tilespmem:s29], [sflag:$0x1] =	stream.indirect.gather [hbm4b:s5+s28], $0x40, s15, s28, $0xb8;
	[tilespmem:$0x11DA0] =	vst v63  }
0x8c: {  	p0 =	sne.s32 s14, $0x9B00;
	_ =	swait.ge [sflag:s30], $0x1400  }
.Ltmp2:
0x8d: {  	[sflag:s30] =	ssyncset.done $0x0;
	(pc) =	sbr.rel @p0 .LBB2_6-.Ltmp2, $4  }
0x8e: {  	s14 =	sadd.s32 $0x2710, s15;
	[sflag:s30] =	ssyncadd.s32 $0xFFFFEC00  }
0x8f: {  	[spmem:s1] =	stream.indirect.scatter.add.f32 [tilespmem:s29], [sflag:$0x2], $0x40, s14, s28, $0xb8;
	[tilespmem:$0x11DA0] =	vst v63  }
0x90: {  	_ =	swait.ge [sflag:s25], $0x1400  }
0x91: {  	s14 =	smov.u32 s16;
	[sflag:s25] =	ssyncset.done $0x0  }
0x92: {  	s13 =	sshra.s32 s13, $0x2;
	[sflag:s25] =	ssyncadd.s32 $0xFFFFEC00  }
0x93: {  	[tilespmem:s29], [sflag:$0x1] =	stream.indirect.gather [hbm4b:s5+s28], $0x40, s13, s28, $0xb8;
	[tilespmem:$0x11DA0] =	vst v63  }
0x94: {  	_ =	swait.ge [sflag:s30], $0x1400  }
0x95: {  	[sflag:s30] =	ssyncset.done $0x0  }
0x96: {  	s13 =	sadd.s32 $0x2710, s13;
	[sflag:s30] =	ssyncadd.s32 $0xFFFFEC00  }
0x97: {  	[spmem:s1] =	stream.indirect.scatter.add.f32 [tilespmem:s29], [sflag:$0x2], $0x40, s13, s28, $0xb8;
	[tilespmem:$0x11DA0] =	vst v63  }
0x98: {  	_ =	swait.ge [sflag:s25], $0x1400  }
0x99: {  	[sflag:s25] =	ssyncset.done $0x0  }
0x9a: {  	[sflag:s25] =	ssyncadd.s32 $0xFFFFEC00  }
0x9b: {  	[bflag:$0x0] =	sbarrier.arrive $0xFFFF  }
0x9c: {  	[hbm:s18], [sflag:s31] =	dma.local [spmem:s0], $0x3E8  }
0x9d: {  	_ =	swait.ge [sflag:s25], $0x3E8  }
0x9e: {  	[sflag:s25] =	ssyncset.done $0x0  }
0x9f: {  	[sflag:s25] =	ssyncadd.s32 $0xFFFFFC18  }
0xa0: {  	[hbm:s19], [sflag:s31] =	dma.local [spmem:s2], $0x3E8  }
0xa1: {  	_ =	swait.ge [sflag:s25], $0x3E8  }
0xa2: {  	[sflag:s25] =	ssyncset.done $0x0  }
0xa3: {  	[sflag:s25] =	ssyncadd.s32 $0xFFFFFC18  }
0xa4: {  	[hbm:s20], [sflag:s31] =	dma.local [spmem:s26], $0x3E8  }
0xa5: {  	_ =	swait.ge [sflag:s25], $0x3E8  }
0xa6: {  	[sflag:s25] =	ssyncset.done $0x0  }
0xa7: {  	[sflag:s25] =	ssyncadd.s32 $0xFFFFFC18  }
0xa8: {  	[hbm:s21], [sflag:s31] =	dma.local [spmem:s11], $0x3E8  }
0xa9: {  	s3 =	sadd.s32 $0x1, s3;
	_ =	swait.ge [sflag:s25], $0x3E8  }
0xaa: {  	p0 =	sne.s32 s3, s23;
	[sflag:s25] =	ssyncset.done $0x0  }
.Ltmp3:
0xab: {  	[sflag:s25] =	ssyncadd.s32 $0xFFFFFC18;
	(pc) =	sbr.rel @p0 .LBB2_1-.Ltmp3, $4  }
0xac: {  	[hbm:s22], [sflag:s31] =	dma.local [spmem:s12], $0x3E8  }
0xad: {  	_ =	swait.ge [sflag:s25], $0x3E8  }
0xae: {  	[sflag:s25] =	ssyncset.done $0x0  }
0xaf: {  	[sflag:s25] =	ssyncadd.s32 $0xFFFFFC18  }
0xb0: {  	_ =	sfence.sel $0x180000  }
0xb1: {  	[bflag:$0x0] =	sbarrier.arrive $0xFFFF  }
0xb2: {  	_ =	strace $0x9000004D  }
0xb3: {  	s0 =	stileid.u32;
	[bflag:$0x2] =	sbarrier.arrive $0xFFFF  }
0xb4: {  	p0 =	sne.s32 s0, $0x0;
	s0 =	rddreg [dreg:$0x2]  }
0xb5: {  	s0 =	sadd.s32 @!p0 $0x100000, s0  }
0xb6: {  	[sflag:s0] =	ssyncadd.tile.s32 @!p0 $0x1;
	_ =	shalt  }
.Lfunc_end2:
_tile_overlayer_lowered:
.L_overlay_start_2:
0xb7: {  	(tag) =	ssettag $0x2  }
0xb8: {  	s0 =	rddreg [dreg:$0x0];
	s2 =	stileid.u32  }
0xb9: {  	s1 =	rddreg [dreg:$0x1];
	p0 =	sne.s32 s2, $0x0  }
0xba: {  	s3 =	rddreg [dreg:$0x2];
	[bflag:$0x3] =	sbarrier.arrive $0xFFFF;
	s2 =	simm.s32 @!p0 $0x1C02  }
0xbb: {  	[timem:s3], [sflag:s2] =	dma.local @!p0 [hbm:s0], s1  }
0xbc: {  	s0 =	simm.s32 @!p0 $0x2  }
0xbd: {  	_ =	swait.ge @!p0 [sflag:s0], s1  }
0xbe: {  	s1 =	ssub.s32 @!p0 $0x0, s1;
	[sflag:s0] =	ssyncset.done @!p0 $0x0  }
0xbf: {  	[sflag:s0] =	ssyncadd.s32 @!p0 s1  }
0xc0: {  	[bflag:$0x3] =	sbarrier.arrive $0xFFFF  }
0xc1: {  	_ =	shalt  }

// kernel: kernel.9.cloned.1.call-start
scs
__scs_entry_jumppad:
0x0: {  	(pc) =	sbr.rel $0x88, $3  }
0x1: {  	(tag) =	ssettag $0x0;
	lr =	simm.s32 $0x1  }
0x2: {  	[smem:$0x3F9B] =	sst lr;
	_ =	strace $0xD0000000  }
0x3: {  	_ = 	snop  }
0x4: {  	_ = 	snop  }
0x5: {  	_ = 	snop  }
0x6: {  	_ = 	snop  }
0x7: {  	_ = 	snop  }
__scs_overlays_trampoline_lowered:
0x8: {  	[smem:$0x3FAA] =	sst s0  }
0x9: {  	[smem:$0x3FAB] =	sst s1  }
0xa: {  	[smem:$0x3FAC] =	sst s2  }
0xb: {  	[smem:$0x3FAD] =	sst s3  }
0xc: {  	[smem:$0x3FAE] =	sst s4  }
0xd: {  	[smem:$0x3FAF] =	sst s5  }
0xe: {  	[smem:$0x3FB0] =	sst s6  }
0xf: {  	[smem:$0x3FB1] =	sst s7  }
0x10: {  	[smem:$0x3FB2] =	sst s8  }
0x11: {  	[smem:$0x3FB3] =	sst s9;
	s0 =	simm.s32 @!p0 $0x0  }
0x12: {  	s1 =	sld [smem:$0x3F99];
	s0 =	simm.s32 @p0 $0x1  }
0x13: {  	[smem:$0x3FB4] =	sst s0;
	s0 =	simm.s32 @!p1 $0x0  }
0x14: {  	s2 =	sld [smem:$0x3F98];
	s0 =	simm.s32 @p1 $0x1  }
0x15: {  	[smem:$0x3FB5] =	sst s0;
	s0 =	simm.s32 @!p2 $0x0  }
0x16: {  	s3 =	sld [smem:$0x3FDB];
	s0 =	simm.s32 @p2 $0x1  }
0x17: {  	s4 =	simm.s32 $0x1BF5;
	[smem:$0x3FB7] =	sst s0  }
0x18: {  	s0 =	sld [smem:$0x3F9A];
	_ =	swait.ge [sflag:s4], $0x0  }
0x19: {  	s7 =	sld [smem:$0x3F9B]  }
0x1a: {  	s8 =	sadd.s32 $0xFFFFE003, lr  }
0x1b: {  	s9 =	sadd.s32 $0xFFFFFEF7, lr;
	s5 =	simm.s32 $0xFFFFFFFF;
	p2 =	slt.u32 s8, $0xFFFFF086  }
0x1c: {  	p1 =	slt.u32 s9, $0xF7A;
	s5 =	simm.s32 @!p2 $0x0  }
0x1d: {  	s5 =	simm.s32 @p1 $0x1;
	p0 =	seq.s32 s7, s2  }
0x1e: {  	s7 =	smul.u32 @!p0 $0xF7A, s2;
	p2 =	seq.s32 @!p0 s5, $0x0  }
0x1f: {  	s9 =	smul.u32 $0xF7A, s1;
	s8 =	simm.s32 @!p0 $0x1BF5;
	p2 =	por !p2, p0  }
0x20: {  	[sflag:s8] =	ssyncset.s32 @!p0 $0xFFFFF086;
	s6 =	sadd.s32 @!p0 s3, s7;
	s7 =	simm.s32 @!p0 $0x108  }
0x21: {  	s3 =	sadd.s32 s3, s9;
	s6 =	sadd.s32 @!p0 $0x88, s6;
	s7 =	simm.s32 @p2 $0x1082  }
0x22: {  	[simem:s7], [sflag:s8] =	dma.local @!p0 [hbm:s6], $0xF7A  }
0x23: {  	s9 =	sor.u32 $0xD0000000, s2;
	s6 =	simm.s32 $0x108;
	_ =	swait.ge @!p0 [sflag:s8], $0x0  }
0x24: {  	s3 =	sadd.s32 $0x88, s3;
	s6 =	simm.s32 @!p1 $0x1082;
	[sflag:s4] =	ssyncset.s32 $0xFFFFF086  }
0x25: {  	[simem:s6], [sflag:s4] =	dma.local [hbm:s3], $0xF7A  }
0x26: {  	[smem:$0x3F9B] =	sst s1;
	(tag) =	ssettag s2;
	_ =	strace s9  }
0x27: {  	s1 =	sld [smem:$0x3FAB]  }
0x28: {  	s2 =	sld [smem:$0x3FAC]  }
0x29: {  	s4 =	sld [smem:$0x3FAE]  }
0x2a: {  	p0 =	seq.s32 s5, $0x0;
	s5 =	sld [smem:$0x3FAF]  }
0x2b: {  	s6 =	sld [smem:$0x3FB0]  }
0x2c: {  	s7 =	sld [smem:$0x3FB1]  }
0x2d: {  	s3 =	simm.s32 $0x108;
	s8 =	sld [smem:$0x3FB2]  }
0x2e: {  	s3 =	simm.s32 @!p0 $0x1082;
	s9 =	sld [smem:$0x3FB3]  }
0x2f: {  	lr =	sadd.s32 s0, s3;
	s0 =	sld [smem:$0x3FAA]  }
0x30: {  	s3 =	sld [smem:$0x3FAD]  }
0x31: {  	[smem:$0x3FB6] =	sst s10  }
0x32: {  	s10 =	sld [smem:$0x3FB4];
	_ =	sdelay $0x3  }
0x33: {  	p0 =	seq.s32 s10, $0x1;
	s10 =	sld [smem:$0x3FB6];
	_ =	sdelay $0x3  }
0x34: {  	[smem:$0x3FB6] =	sst s10  }
0x35: {  	s10 =	sld [smem:$0x3FB5];
	_ =	sdelay $0x3  }
0x36: {  	p1 =	seq.s32 s10, $0x1;
	s10 =	sld [smem:$0x3FB6];
	_ =	sdelay $0x3  }
0x37: {  	[smem:$0x3FB6] =	sst s10  }
0x38: {  	s10 =	sld [smem:$0x3FB7]  }
0x39: {  	_ = 	snop;
	(pc) =	sbr.ind lr, $3  }
0x3a: {  	_ = 	snop  }
0x3b: {  	_ = 	snop  }
0x3c: {  	p2 =	seq.s32 s10, $0x1;
	s10 =	sld [smem:$0x3FB6]  }
0x3d: {  	_ =	shalt  }
0x3e: {  	_ =	shalt  }
0x3f: {  	_ =	shalt  }
0x40: {  	_ =	shalt  }
0x41: {  	_ =	shalt  }
0x42: {  	_ =	shalt  }
0x43: {  	_ =	shalt  }
0x44: {  	_ =	shalt  }
0x45: {  	_ =	shalt  }
0x46: {  	_ =	shalt  }
0x47: {  	_ =	shalt  }
0x48: {  	_ =	shalt  }
0x49: {  	_ =	shalt  }
0x4a: {  	_ =	shalt  }
0x4b: {  	_ =	shalt  }
0x4c: {  	_ =	shalt  }
0x4d: {  	_ =	shalt  }
0x4e: {  	_ =	shalt  }
0x4f: {  	_ =	shalt  }
0x50: {  	_ =	shalt  }
0x51: {  	_ =	shalt  }
0x52: {  	_ =	shalt  }
0x53: {  	_ =	shalt  }
0x54: {  	_ =	shalt  }
0x55: {  	_ =	shalt  }
0x56: {  	_ =	shalt  }
0x57: {  	_ =	shalt  }
0x58: {  	_ =	shalt  }
0x59: {  	_ =	shalt  }
0x5a: {  	_ =	shalt  }
0x5b: {  	_ =	shalt  }
0x5c: {  	_ =	shalt  }
0x5d: {  	_ =	shalt  }
0x5e: {  	_ =	shalt  }
0x5f: {  	_ =	shalt  }
0x60: {  	_ =	shalt  }
0x61: {  	_ =	shalt  }
0x62: {  	_ =	shalt  }
0x63: {  	_ =	shalt  }
0x64: {  	_ =	shalt  }
0x65: {  	_ =	shalt  }
0x66: {  	_ =	shalt  }
0x67: {  	_ =	shalt  }
0x68: {  	_ =	shalt  }
0x69: {  	_ =	shalt  }
0x6a: {  	_ =	shalt  }
0x6b: {  	_ =	shalt  }
0x6c: {  	_ =	shalt  }
0x6d: {  	_ =	shalt  }
0x6e: {  	_ =	shalt  }
0x6f: {  	_ =	shalt  }
0x70: {  	_ =	shalt  }
0x71: {  	_ =	shalt  }
0x72: {  	_ =	shalt  }
0x73: {  	_ =	shalt  }
0x74: {  	_ =	shalt  }
0x75: {  	_ =	shalt  }
0x76: {  	_ =	shalt  }
0x77: {  	_ =	shalt  }
0x78: {  	_ =	shalt  }
0x79: {  	_ =	shalt  }
0x7a: {  	_ =	shalt  }
0x7b: {  	_ =	shalt  }
0x7c: {  	_ =	shalt  }
0x7d: {  	_ =	shalt  }
0x7e: {  	_ =	shalt  }
0x7f: {  	_ =	shalt  }
0x80: {  	_ =	shalt  }
0x81: {  	_ =	shalt  }
0x82: {  	_ =	shalt  }
0x83: {  	_ =	shalt  }
0x84: {  	_ =	shalt  }
0x85: {  	_ =	shalt  }
0x86: {  	_ =	shalt  }
0x87: {  	_ =	shalt  }
.Lfunc_end0:
.L_simem_size_0:
called_computation_lowered:
.L_overlay_start_0:
0x88: {  	s2 =	sld [smem:$0x3FD9]  }
0x89: {  	s3 =	sld [smem:$0x3FFE];
	_ =	sdelay $0x1  }
0x8a: {  	s1 =	srdreg.scid  }
0x8b: {  	s0 =	sand.u32 $0x1, s1  }
0x8c: {  	s17 =	sshll.u32 s0, $0xA;
	s2 =	sadd.s32 s3, s2  }
0x8d: {  	s2 =	sadd.s32 s2, s17  }
0x8e: {  	[smem:$0x3FC2] =	sst s2  }
0x8f: {  	_ = 	snop  }
0x90: {  	s2 =	sld [smem:$0x3FD0];
	(tm) =	ssettm $0x1  }
0x91: {  	s18 =	sld [smem:$0x3FFB];
	_ =	sdelay $0x3  }
0x92: {  	_ =	strace s18  }
0x93: {  	s3 =	sld [smem:$0x3FFC];
	_ =	sdelay $0x3  }
0x94: {  	_ =	strace s3  }
0x95: {  	s3 =	sld [smem:$0x3FFD];
	_ =	sdelay $0x3  }
0x96: {  	_ =	strace s3  }
0x97: {  	_ =	strace $0x8FFFFFFF  }
0x98: {  	s19 =	sld [smem:$0x3FDB];
	_ =	sdelay $0x1  }
0x99: {  	s4 =	simm.s32 $_scs_section_size  }
0x9a: {  	s5 =	simm.s32 $_size__tile_overlayer_lowered;
	s6 =	simm.s32 $_tile_overlayer_lowered  }
0x9b: {  	s22 =	simm.s32 $0x1BFF;
	s21 =	sshll.u32 s6, $0x1;
	s3 =	sadd.s32 s4, s19  }
0x9c: {  	s7 =	simm.s32 $0x0;
	s20 =	sshll.u32 s5, $0x1;
	s5 =	sadd.s32 s21, s3  }
0x9d: {  	[timem:s7], [sflag:s22] =	dma.local [hbm:s5], s20  }
0x9e: {  	_ =	swait.ge [sflag:s22], s20  }
0x9f: {  	s4 =	ssub.s32 $0x0, s20;
	[sflag:s22] =	ssyncset.done $0x0  }
0xa0: {  	[sflag:s22] =	ssyncadd.s32 s4;
	_ =	sdelay $0x1  }
0xa1: {  	s23 =	simm.s32 $0x1B8B  }
0xa2: {  	_ =	swait.ge [sflag:s23], $0x1  }
0xa3: {  	[sflag:s23] =	ssyncset.done $0x0  }
0xa4: {  	s25 =	simm.s32 $0x1B8E;
	s24 =	sld [smem:$0x3FFE];
	[sflag:s23] =	ssyncadd.s32 $0xFFFFFFFF  }
0xa5: {  	s26 =	simm.s32 $execute0_lowered;
	[smem:$0x3FD2] =	sst s25  }
0xa6: {  	s5 =	sshll.u32 s26, $0x1;
	_ =	strace $0x80000046;
	[dreg:$0x1] =	wrdreg $0xFFFFFFFF  }
0xa7: {  	s28 =	simm.s32 $_size_execute0_lowered;
	s3 =	sadd.s32 s3, s5;
	[dreg:$0x0] =	wrdreg $0x0  }
0xa8: {  	s5 =	sshll.u32 s28, $0x1;
	[dreg:$0x2] =	wrdreg s3  }
0xa9: {  	[dreg:$0x3] =	wrdreg s5  }
0xaa: {  	[dreg:$0x4] =	wrdreg $0xC0  }
0xab: {  	_ =	task [dreg:s7], $0x5FFFF  }
0xac: {  	[dreg:$0x1] =	wrdreg $0xFFFFFFFF  }
0xad: {  	[dreg:$0x0] =	wrdreg $0x60  }
0xae: {  	[dreg:$0x2] =	wrdreg s24  }
0xaf: {  	[dreg:$0x3] =	wrdreg s2  }
0xb0: {  	[dreg:$0x4] =	wrdreg $0x9  }
0xb1: {  	_ =	task.clear_ibuf [dreg:s7], $0x5FFFF;
	_ =	strace $0x90000046  }
0xb2: {  	s29 =	simm.s32 $0x9;
	_ =	strace $0x80000048  }
0xb3: {  	_ =	swait.ge [sflag:s29], $0x1  }
0xb4: {  	[sflag:s29] =	ssyncadd.s32 $0xFFFFFFFF  }
0xb5: {  	_ =	strace $0x90000048  }
0xb6: {  	_ =	sfence  }
0xb7: {  	s30 =	sld [smem:$0x0];
	_ =	sdelay $0x2  }
0xb8: {  	s31 =	sshll.u32 s1, $0xD;
	s1 =	sshrl.u32 s1, $0x2  }
0xb9: {  	s3 =	sand.u32 $0x4000, s31;
	s1 =	sadd.s32 s1, s30  }
0xba: {  	s0 =	sor.u32 s3, s0;
	s1 =	sshll.u32 s1, $0x11  }
0xbb: {  	s0 =	sor.u32 s1, s0  }
0xbc: {  	s0 =	sadd.s32 $0x8F2B, s0  }
0xbd: {  	[sflag:s0] =	ssyncadd.remote.s32 $0x1  }
0xbe: {  	_ =	sfence.sel $0xFFFF  }
0xbf: {  	[dreg:$0x0] =	wrdreg $0xFFFFFFFF;
	(pc) =	sbr.abs _section_cstart, $3  }
0xc0: {  	[dreg:$0x1] =	wrdreg $0xFFFFFFFF  }
0xc1: {  	_ =	task.clear_ibuf [dreg:s7], $0x2FFFF;
	_ =	strace $0x9FFFFFFF  }
0xc2: {  	(tm) =	ssettm $0x7FFFFFFF  }
0xc3: {  	_ =	shalt  }
tec
execute0_lowered:
.L_overlay_start_1:
0x0: {  	(tag) =	ssettag $0x1  }
0x1: {  	s0 =	srdreg.scid  }
0x2: {  	s3 =	rddreg [dreg:$0x0];
	s4 =	sand.u32 $0x1, s0  }
0x3: {  	s5 =	rddreg [dreg:$0x1];
	s1 =	stileid.u32;
	s2 =	sshll.u32 s4, $0x4  }
0x4: {  	s0 =	rddreg [dreg:$0x2];
	s6 =	sor.u32 s1, s2  }
0x5: {  	s4 =	ssub.s32 $0x2, s4;
	s2 =	simm.s32 $0x0;
	s7 =	smul.u32 $0x4E2, s6  }
0x6: {  	s8 =	sshrl.u32 s4, $0x1;
	[smem:$0x7FF] =	sst s2;
	s6 =	smul.u32 $0x500, s6  }
0x7: {  	s31 =	ssub.s32 s4, s8;
	s8 =	simm.s32 $0x0;
	_ =	strace $0x80000047  }
0x8: {  	s3 =	sadd.s32 s7, s3;
	s4 =	sadd.s32 s5, s6;
	s5 =	smax.u32 s31, $0x1  }
0x9: {  	v0 =	vimm.f32 $0.0e+00;
	v1 =	vimm.f32 $1.000000000e+00;
	s6 =	simm.s32 $0x1;
	s7 =	simm.s32 $0x2710;
	s3 =	sadd.s32 $0xCC00, s3  }
.LBB2_1:
0xa: {  	s9 =	simm.s32 $0x40;
	s10 =	simm.s32 $0x0  }
.LBB2_2:
0xb: {  	p0 =	sne.s32 s9, $0x9FC0;
	[tilespmem:s10+$0x2710] =	vst v0;
	s10 =	smov.u32 s9;
	s9 =	sadd.s32 $0x40, s9  }
.Ltmp0:
0xc: {  	(pc) =	sbr.rel @p0 .LBB2_2-.Ltmp0, $2  }
0xd: {  	_ =	sdelay $0x2  }
0xe: {  	s10 =	sshra.s32 s10, $0x2  }
0xf: {  	[tilespmem:s10+$0x2710] =	vst v0;
	s9 =	simm.s32 $0x0  }
0x10: {  	[tilespmem:s9], [sflag:$0x1] =	stream.linear.gather [hbm4b:s3+s9], $0x2710, $0x38;
	[tilespmem:$0x4F10] =	vst v63  }
0x11: {  	_ =	swait.ge [sflag:s6], $0x2710  }
0x12: {  	[sflag:s6] =	ssyncset.done $0x0  }
0x13: {  	s10 =	simm.s32 $0x0;
	s9 =	simm.s32 $0x40;
	[sflag:s6] =	ssyncadd.s32 $0xFFFFD8F0  }
.LBB2_4:
0x14: {  	p0 =	sne.s32 s9, $0x9C00;
	v2 =	vld [tilespmem:s10+$0x0];
	_ =	sdelay $0x3  }
.Ltmp1:
0x15: {  	(pc) =	sbr.rel @p0 .LBB2_4-.Ltmp1, $2  }
0x16: {  	_ =	sdelay $0x2  }
0x17: {  	s10 =	sshra.s32 s9, $0x2;
	s9 =	sadd.s32 $0x40, s9;
	[tilespmem:v2+s7+$0x0] =	vst.idx.add.f32.msk $0xffff, v1  }
0x18: {  	v2 =	vld [tilespmem:s10+$0x0];
	_ =	sdelay $0x5  }
0x19: {  	s8 =	sadd.s32 $0x1, s8  }
0x1a: {  	p0 =	sne.s32 s8, s5  }
.Ltmp2:
0x1b: {  	[tilespmem:v2+s7+$0x0] =	vst.idx.add.f32.msk $0xffff, v1;
	(pc) =	sbr.rel @p0 .LBB2_1-.Ltmp2, $4  }
0x1c: {  	[hbm4b:s4+s2] =	stream.linear.scatter [tilespmem:s7], [sflag:$0x1], $0x2800, $0x38;
	[tilespmem:$0x4F10] =	vst v63  }
0x1d: {  	_ =	swait.ge [sflag:s6], $0x2800  }
0x1e: {  	[sflag:s6] =	ssyncset.done $0x0  }
0x1f: {  	[sflag:s6] =	ssyncadd.s32 $0xFFFFD800  }
0x20: {  	_ =	sfence.sel $0x180000  }
0x21: {  	[bflag:$0x0] =	sbarrier.arrive $0xFFFF  }
0x22: {  	p0 =	sne.s32 s1, $0x0;
	_ =	strace $0x90000047  }
0x23: {  	s0 =	sadd.s32 @!p0 $0x100000, s0;
	[bflag:$0x2] =	sbarrier.arrive $0xFFFF  }
0x24: {  	[sflag:s0] =	ssyncadd.tile.s32 @!p0 $0x1;
	_ =	shalt  }
.Lfunc_end2:
_tile_overlayer_lowered:
.L_overlay_start_2:
0x25: {  	(tag) =	ssettag $0x2  }
0x26: {  	s0 =	rddreg [dreg:$0x0];
	s2 =	stileid.u32  }
0x27: {  	s1 =	rddreg [dreg:$0x1];
	p0 =	sne.s32 s2, $0x0  }
0x28: {  	s3 =	rddreg [dreg:$0x2];
	[bflag:$0x3] =	sbarrier.arrive $0xFFFF;
	s2 =	simm.s32 @!p0 $0x1C01  }
0x29: {  	[timem:s3], [sflag:s2] =	dma.local @!p0 [hbm:s0], s1  }
0x2a: {  	s0 =	simm.s32 @!p0 $0x1  }
0x2b: {  	_ =	swait.ge @!p0 [sflag:s0], s1  }
0x2c: {  	s1 =	ssub.s32 @!p0 $0x0, s1;
	[sflag:s0] =	ssyncset.done @!p0 $0x0  }
0x2d: {  	[sflag:s0] =	ssyncadd.s32 @!p0 s1  }
0x2e: {  	[bflag:$0x3] =	sbarrier.arrive $0xFFFF  }
0x2f: {  	_ =	shalt  }

</sc_bundles>
